<compile_context>
chip_gen: v7x
topology: tpu7x:2x2x1
jax: 0.10.2.dev20260603
libtpu: 0.0.44.dev20260713+nightly
codegen_flags: <defaults>
</compile_context>

<pallas_src>
import functools

import numpy as np
import jax
import jax.numpy as jnp
from jax import lax
from jax.experimental import pallas as pl
from jax.experimental.pallas import tpu as pltpu
from jax.experimental.pallas import tpu_sc as plsc

_FEATURES_SHAPE = (50, 50)
_STRIDE = 16
_ANCHOR_SIZE = 16
_NUM_CLASSES = 20
_NUM_GT = 100
_GT_PAD = 112
_NEG_OVERLAP = 0.4
_POS_OVERLAP = 0.5

_NC, _NS, _L = 2, 16, 16
_NW = _NC * _NS
_TOTAL = _FEATURES_SHAPE[0] * _FEATURES_SHAPE[1] * 9
_PAD_TOTAL = 22528
_SC_TOTAL = 9216
_TC_TOTAL = _PAD_TOTAL - _SC_TOTAL
_TC_BN = 1664
_APW = _SC_TOTAL // _NW
_STEPS = _APW // _L
_BLK = 2
_GT_UNROLL = 2

_LN2 = 0.6931471805599453
_SQRT2 = 1.4142135623730951


def _generate_base_anchors(base_size=16):
    ratios = np.array([0.5, 1.0, 2.0])
    scales = np.array([8.0, 16.0, 32.0])
    w = float(base_size); h = float(base_size)
    x_ctr = 0.5 * (w - 1.0); y_ctr = 0.5 * (h - 1.0)
    size = w * h
    size_ratios = size / ratios
    ws = np.round(np.sqrt(size_ratios))
    hs = np.round(ws * ratios)
    ws = (ws[:, None] * scales[None, :]).reshape(-1)
    hs = (hs[:, None] * scales[None, :]).reshape(-1)
    anchors = np.stack([x_ctr - 0.5 * (ws - 1.0),
                        y_ctr - 0.5 * (hs - 1.0),
                        x_ctr + 0.5 * (ws - 1.0),
                        y_ctr + 0.5 * (hs - 1.0)], axis=1)
    return anchors.astype(np.float32)


def _shift_anchors(shape, stride, anchors):
    shift_x = np.arange(0, shape[1]) * stride
    shift_y = np.arange(0, shape[0]) * stride
    sx, sy = np.meshgrid(shift_x, shift_y)
    shifts = np.stack([sx.ravel(), sy.ravel(), sx.ravel(), sy.ravel()],
                      axis=1).astype(np.float32)
    return (anchors[None, :, :] + shifts[:, None, :]).reshape(-1, 4)


_ANCHORS_NP = _shift_anchors(_FEATURES_SHAPE, _STRIDE,
                             _generate_base_anchors(_ANCHOR_SIZE))


def _anchor_consts():
    a = np.concatenate(
        [_ANCHORS_NP, np.broadcast_to(_ANCHORS_NP[:1], (_PAD_TOTAL - _TOTAL, 4))],
        axis=0).astype(np.float64)
    x1, y1, x2, y2 = a[:, 0], a[:, 1], a[:, 2], a[:, 3]
    w = x2 - x1 + 1.0
    h = y2 - y1 + 1.0
    rows = np.stack([
        x1, y1, x2, y2,
        w * h,
        x1 + 0.5 * w,
        y1 + 0.5 * h,
        1.0 / w,
        1.0 / h,
        np.log(w),
        np.log(h),
        ((x1 >= 0.0) & (y1 >= 0.0)).astype(np.float64),
    ], axis=0).astype(np.float32)
    sc = np.ascontiguousarray(
        rows[:, :_SC_TOTAL].reshape(12, _NW, _APW).transpose(1, 0, 2))
    tc = np.ascontiguousarray(rows[:, _SC_TOTAL:])
    return sc, tc


_ACONST_NP, _ACONST_TC_NP = _anchor_consts()

_AX1, _AY1, _AX2, _AY2, _AAREA, _ACX, _ACY, _AINVW, _AINVH, _ALOGW, _ALOGH, _AIB = range(12)


def _softlog(x):
    b = lax.bitcast_convert_type(x, jnp.int32)
    e = ((b >> 23) & 0xFF) - 127
    m = lax.bitcast_convert_type((b & 0x007FFFFF) | 0x3F800000, jnp.float32)
    big = m > _SQRT2
    m = jnp.where(big, m * 0.5, m)
    e = jnp.where(big, e + 1, e)
    s = (m - 1.0) / (m + 1.0)
    t = s * s
    p = 2.0 * s * (1.0 + t * (1.0 / 3.0 + t * (1.0 / 5.0 + t * (1.0 / 7.0))))
    return e.astype(jnp.float32) * _LN2 + p


def _sc_body(acst_hbm, graw_hbm, im_hbm,
             lab_hbm, bb_hbm, ct_hbm,
             acst_v, graw_v, im_v2,
             gx1_v, gy1_v, gx2_v, gy2_v, garea_v,
             gcx_v, gcy_v, glw_v, glh_v, gcls_v,
             lab_v, bb_v, ct_v):
    wid = lax.axis_index("s") * _NC + lax.axis_index("c")
    base = wid * _APW

    pltpu.sync_copy(acst_hbm.at[wid], acst_v)
    pltpu.sync_copy(graw_hbm, graw_v)
    pltpu.sync_copy(im_hbm, im_v2)

    zeros16 = jnp.zeros((_L,), jnp.float32)
    ones16 = jnp.ones((_L,), jnp.float32)
    lane = lax.iota(jnp.int32, _L)

    h_img = im_v2[0, :]
    w_img = im_v2[1, :]

    for t in range(_GT_PAD // _L):
        s = pl.ds(t * _L, _L)
        x1 = graw_v[0, s]; y1 = graw_v[1, s]
        x2 = graw_v[2, s]; y2 = graw_v[3, s]
        c = graw_v[4, s]
        gw = x2 - x1 + 1.0
        gh = y2 - y1 + 1.0
        gx1_v[s] = x1; gy1_v[s] = y1
        gx2_v[s] = x2; gy2_v[s] = y2
        garea_v[s] = gw * gh
        gcx_v[s] = x1 + 0.5 * gw
        gcy_v[s] = y1 + 0.5 * gh
        glw_v[s] = _softlog(gw)
        glh_v[s] = _softlog(gh)
        gcls_v[s] = c

    def blk_fn(blk, _):
        ax1 = []; ay1 = []; ax2 = []; ay2 = []; aarea = []
        for t in range(_BLK):
            s = pl.ds((blk * _BLK + t) * _L, _L)
            ax1.append(acst_v[_AX1, s]); ay1.append(acst_v[_AY1, s])
            ax2.append(acst_v[_AX2, s]); ay2.append(acst_v[_AY2, s])
            aarea.append(acst_v[_AAREA, s])

        def gt_fn(jj, carry):
            bi = list(carry[0:_BLK])
            bu = list(carry[_BLK:2 * _BLK])
            bx = list(carry[2 * _BLK:3 * _BLK])
            for u in range(_GT_UNROLL):
                j = jj * _GT_UNROLL + u
                jb = jnp.full((_L,), j, jnp.int32)
                gx1 = plsc.load_gather(gx1_v, [jb])
                gy1 = plsc.load_gather(gy1_v, [jb])
                gx2 = plsc.load_gather(gx2_v, [jb])
                gy2 = plsc.load_gather(gy2_v, [jb])
                garea = plsc.load_gather(garea_v, [jb])
                for t in range(_BLK):
                    iw = jnp.minimum(ax2[t], gx2) - jnp.maximum(ax1[t], gx1) + 1.0
                    ih = jnp.minimum(ay2[t], gy2) - jnp.maximum(ay1[t], gy1) + 1.0
                    iw = jnp.maximum(iw, 0.0)
                    ih = jnp.maximum(ih, 0.0)
                    inter = iw * ih
                    union = aarea[t] + garea - inter
                    m = inter * bu[t] > bi[t] * union
                    bi[t] = jnp.where(m, inter, bi[t])
                    bu[t] = jnp.where(m, union, bu[t])
                    bx[t] = jnp.where(m, jb, bx[t])
            return tuple(bi) + tuple(bu) + tuple(bx)

        init = (tuple(jnp.full((_L,), -1.0, jnp.float32) for _ in range(_BLK))
                + tuple(jnp.ones((_L,), jnp.float32) for _ in range(_BLK))
                + tuple(jnp.zeros((_L,), jnp.int32) for _ in range(_BLK)))
        carry = lax.fori_loop(0, _NUM_GT // _GT_UNROLL, gt_fn, init)

        for t in range(_BLK):
            step = blk * _BLK + t
            s = pl.ds(step * _L, _L)
            best = carry[t] / carry[_BLK + t]
            bidx = carry[2 * _BLK + t]

            gcx = plsc.load_gather(gcx_v, [bidx])
            gcy = plsc.load_gather(gcy_v, [bidx])
            glw = plsc.load_gather(glw_v, [bidx])
            glh = plsc.load_gather(glh_v, [bidx])
            gcls = plsc.load_gather(gcls_v, [bidx])

            lab = jnp.full((_L,), -2.0, jnp.float32)
            lab = jnp.where(best < _NEG_OVERLAP, -1.0, lab)
            lab = jnp.where(best >= _POS_OVERLAP, 1.0, lab)

            inside = ((acst_v[_AIB, s] > 0.0)
                      & (ax2[t] < w_img) & (ay2[t] < h_img))
            lab = jnp.where(inside, lab, -2.0)
            lab = jnp.where(lab == 1.0, gcls, lab)

            dx = (gcx - acst_v[_ACX, s]) * acst_v[_AINVW, s]
            dy = (gcy - acst_v[_ACY, s]) * acst_v[_AINVH, s]
            dw = glw - acst_v[_ALOGW, s]
            dh = glh - acst_v[_ALOGH, s]

            lab_v[s] = lab
            arow = step * _L + lane
            bb_v[pl.ds(0 * _APW + step * _L, _L)] = dx
            bb_v[pl.ds(1 * _APW + step * _L, _L)] = dy
            bb_v[pl.ds(2 * _APW + step * _L, _L)] = dw
            bb_v[pl.ds(3 * _APW + step * _L, _L)] = dh
            for k in range(_NUM_CLASSES):
                ct_v[pl.ds(k * _APW + step * _L, _L)] = zeros16
            cls_i = lab.astype(jnp.int32)
            valid = (cls_i >= 0) & (cls_i < _NUM_CLASSES)
            plsc.store_scatter(ct_v, [cls_i * _APW + arow], ones16,
                               mask=valid)
        return 0

    lax.fori_loop(0, _STEPS // _BLK, blk_fn, 0)

    pltpu.sync_copy(lab_v, lab_hbm.at[pl.ds(base, _APW)])
    for c in range(4):
        pltpu.sync_copy(bb_v.at[pl.ds(c * _APW, _APW)],
                        bb_hbm.at[pl.ds(c * _SC_TOTAL + base, _APW)])
    for c in range(_NUM_CLASSES):
        pltpu.sync_copy(ct_v.at[pl.ds(c * _APW, _APW)],
                        ct_hbm.at[pl.ds(c * _SC_TOTAL + base, _APW)])


def _tc_body(acst_ref, gtm_ref, im_ref, lab_ref, bb_ref, ct_ref):
    gx1 = gtm_ref[:, 0:1]; gy1 = gtm_ref[:, 1:2]
    gx2 = gtm_ref[:, 2:3]; gy2 = gtm_ref[:, 3:4]
    gcls = gtm_ref[:, 4:5]
    gw = gx2 - gx1 + 1.0
    gh = gy2 - gy1 + 1.0
    garea = gw * gh
    gcx = gx1 + 0.5 * gw
    gcy = gy1 + 0.5 * gh
    glw = jnp.log(gw)
    glh = jnp.log(gh)

    ax1 = acst_ref[_AX1:_AX1 + 1, :]; ay1 = acst_ref[_AY1:_AY1 + 1, :]
    ax2 = acst_ref[_AX2:_AX2 + 1, :]; ay2 = acst_ref[_AY2:_AY2 + 1, :]
    aarea = acst_ref[_AAREA:_AAREA + 1, :]

    iw = jnp.minimum(ax2, gx2) - jnp.maximum(ax1, gx1) + 1.0
    ih = jnp.minimum(ay2, gy2) - jnp.maximum(ay1, gy1) + 1.0
    iw = jnp.maximum(iw, 0.0)
    ih = jnp.maximum(ih, 0.0)
    inter = iw * ih
    union = aarea + garea - inter
    iou = inter / union
    rowio = lax.broadcasted_iota(jnp.int32, (128, _TC_BN), 0)
    iou = jnp.where(rowio < _NUM_GT, iou, -1.0)
    best = jnp.max(iou, axis=0, keepdims=True)
    bidx = jnp.min(jnp.where(iou == best, rowio, 128),
                   axis=0, keepdims=True)
    onehot = rowio == bidx
    neg = -3.4e38

    def pick(col):
        return jnp.max(jnp.where(onehot, col, neg), axis=0, keepdims=True)

    gcxa = pick(gcx); gcya = pick(gcy)
    glwa = pick(glw); glha = pick(glh); gclsa = pick(gcls)

    lab = jnp.full((1, _TC_BN), -2.0, jnp.float32)
    lab = jnp.where(best < _NEG_OVERLAP, -1.0, lab)
    lab = jnp.where(best >= _POS_OVERLAP, 1.0, lab)
    h_img = im_ref[0, 0]
    w_img = im_ref[0, 1]
    inside = ((acst_ref[_AIB:_AIB + 1, :] > 0.0)
              & (ax2 < w_img) & (ay2 < h_img))
    lab = jnp.where(inside, lab, -2.0)
    lab = jnp.where(lab == 1.0, gclsa, lab)

    dx = (gcxa - acst_ref[_ACX:_ACX + 1, :]) * acst_ref[_AINVW:_AINVW + 1, :]
    dy = (gcya - acst_ref[_ACY:_ACY + 1, :]) * acst_ref[_AINVH:_AINVH + 1, :]
    dw = glwa - acst_ref[_ALOGW:_ALOGW + 1, :]
    dh = glha - acst_ref[_ALOGH:_ALOGH + 1, :]

    lab_ref[...] = lab
    bb_ref[...] = jnp.concatenate([dx, dy, dw, dh], axis=0)
    cls_i = lab.astype(jnp.int32)
    valid = (cls_i >= 0) & (cls_i < _NUM_CLASSES)
    cio = lax.broadcasted_iota(jnp.int32, (_NUM_CLASSES, _TC_BN), 0)
    ct_ref[...] = ((cio == cls_i) & valid).astype(jnp.float32)


def _run_tc(acst_tc, gtm, im_info):
    grid = _TC_TOTAL // _TC_BN
    return pl.pallas_call(
        _tc_body,
        grid=(grid,),
        in_specs=[
            pl.BlockSpec((12, _TC_BN), lambda i: (0, i)),
            pl.BlockSpec((128, 5), lambda i: (0, 0)),
            pl.BlockSpec((1, 3), lambda i: (0, 0)),
        ],
        out_specs=[
            pl.BlockSpec((1, _TC_BN), lambda i: (0, i)),
            pl.BlockSpec((4, _TC_BN), lambda i: (0, i)),
            pl.BlockSpec((_NUM_CLASSES, _TC_BN), lambda i: (0, i)),
        ],
        out_shape=[
            jax.ShapeDtypeStruct((1, _TC_TOTAL), jnp.float32),
            jax.ShapeDtypeStruct((4, _TC_TOTAL), jnp.float32),
            jax.ShapeDtypeStruct((_NUM_CLASSES, _TC_TOTAL), jnp.float32),
        ],
    )(acst_tc, gtm, im_info)


@functools.partial(jax.jit, static_argnames=())
def _run_sc(acst, graw, im_pad):
    mesh = plsc.VectorSubcoreMesh(core_axis_name="c", subcore_axis_name="s",
                                  num_cores=_NC, num_subcores=_NS)
    f = pl.kernel(
        _sc_body,
        out_type=(
            jax.ShapeDtypeStruct((_SC_TOTAL,), jnp.float32),
            jax.ShapeDtypeStruct((_SC_TOTAL * 4,), jnp.float32),
            jax.ShapeDtypeStruct((_SC_TOTAL * _NUM_CLASSES,), jnp.float32),
        ),
        mesh=mesh,
        compiler_params=pltpu.CompilerParams(needs_layout_passes=False),
        scratch_types=[
            pltpu.VMEM((12, _APW), jnp.float32),
            pltpu.VMEM((5, _GT_PAD), jnp.float32),
            pltpu.VMEM((2, _L), jnp.float32),
            pltpu.VMEM((_GT_PAD,), jnp.float32),
            pltpu.VMEM((_GT_PAD,), jnp.float32),
            pltpu.VMEM((_GT_PAD,), jnp.float32),
            pltpu.VMEM((_GT_PAD,), jnp.float32),
            pltpu.VMEM((_GT_PAD,), jnp.float32),
            pltpu.VMEM((_GT_PAD,), jnp.float32),
            pltpu.VMEM((_GT_PAD,), jnp.float32),
            pltpu.VMEM((_GT_PAD,), jnp.float32),
            pltpu.VMEM((_GT_PAD,), jnp.float32),
            pltpu.VMEM((_GT_PAD,), jnp.float32),
            pltpu.VMEM((_APW,), jnp.float32),
            pltpu.VMEM((_APW * 4,), jnp.float32),
            pltpu.VMEM((_APW * _NUM_CLASSES,), jnp.float32),
        ],
    )
    return f(acst, graw, im_pad)


def kernel(im_info, gt_boxes):
    gt = gt_boxes[0]
    graw = jnp.concatenate(
        [gt.T, jnp.zeros((5, _GT_PAD - _NUM_GT), jnp.float32)], axis=1)
    im_pad = jnp.broadcast_to(im_info[0, :2, None], (2, _L))
    acst = jnp.asarray(_ACONST_NP)

    lab, bb, ct = _run_sc(acst, graw, im_pad)

    gtm = jnp.concatenate([gt, jnp.zeros((128 - _NUM_GT, 5), jnp.float32)],
                          axis=0)
    lab_tc, bb_tc, ct_tc = _run_tc(jnp.asarray(_ACONST_TC_NP), gtm, im_info)

    lab_all = jnp.concatenate([lab, lab_tc[0]])
    ct_all = jnp.concatenate(
        [ct.reshape(_NUM_CLASSES, _SC_TOTAL), ct_tc], axis=1)
    bb_all = jnp.concatenate([bb.reshape(4, _SC_TOTAL), bb_tc], axis=1)

    labels = lab_all[:_TOTAL][None]
    class_targets = ct_all[:, :_TOTAL].T[None]
    bbox_targets = bb_all[:, :_TOTAL].T[None]
    anchors = jnp.asarray(_ANCHORS_NP)[None]
    return (labels, class_targets, bbox_targets, anchors)

# --- scband reference (transcript-rebuilt; emitter-appended) ---
"""Pipeline reference for scband-anchor-target-64476049048224 (READ-ONLY COPY).

The authoritative reference and input builder live on the scoring server;
editing this copy changes nothing except your own understanding.
"""

import jax, jax.numpy as jnp
import numpy as np

FEATURES_SHAPE = (50, 50)
STRIDE = 16
ANCHOR_SIZE = 16
NUM_CLASSES = 20
NUM_ANCHORS = 9
ALLOWED_BORDER = 0.0
NEGATIVE_OVERLAP = 0.4
POSITIVE_OVERLAP = 0.5
NUM_GT = 100


def _generate_anchors(base_size=16):
    ratios = np.array([0.5, 1.0, 2.0])
    scales = np.array([8.0, 16.0, 32.0])
    w = float(base_size); h = float(base_size)
    x_ctr = 0.5 * (w - 1.0); y_ctr = 0.5 * (h - 1.0)
    size = w * h
    size_ratios = size / ratios
    ws = np.round(np.sqrt(size_ratios))
    hs = np.round(ws * ratios)
    ws = (ws[:, None] * scales[None, :]).reshape(-1)
    hs = (hs[:, None] * scales[None, :]).reshape(-1)
    anchors = np.stack([x_ctr - 0.5 * (ws - 1.0),
                        y_ctr - 0.5 * (hs - 1.0),
                        x_ctr + 0.5 * (ws - 1.0),
                        y_ctr + 0.5 * (hs - 1.0)], axis=1)
    return anchors.astype(np.float32)


def _shift(shape, stride, anchors):
    shift_x = np.arange(0, shape[1]) * stride
    shift_y = np.arange(0, shape[0]) * stride
    sx, sy = np.meshgrid(shift_x, shift_y)
    shifts = np.stack([sx.ravel(), sy.ravel(), sx.ravel(), sy.ravel()], axis=1).astype(np.float32)
    return (anchors[None, :, :] + shifts[:, None, :]).reshape(-1, 4)


ANCHORS = jnp.asarray(_shift(FEATURES_SHAPE, STRIDE, _generate_anchors(ANCHOR_SIZE)))


def _overlaps(anchors, gt):
    area_a = (anchors[:, 2] - anchors[:, 0] + 1.0) * (anchors[:, 3] - anchors[:, 1] + 1.0)
    area_g = (gt[:, 2] - gt[:, 0] + 1.0) * (gt[:, 3] - gt[:, 1] + 1.0)
    iw = jnp.minimum(anchors[:, 2][:, None], gt[:, 2][None, :]) - jnp.maximum(anchors[:, 0][:, None], gt[:, 0][None, :]) + 1.0
    ih = jnp.minimum(anchors[:, 3][:, None], gt[:, 3][None, :]) - jnp.maximum(anchors[:, 1][:, None], gt[:, 1][None, :]) + 1.0
    iw = jnp.maximum(iw, 0.0)
    ih = jnp.maximum(ih, 0.0)
    inter = iw * ih
    union = area_a[:, None] + area_g[None, :] - inter
    return inter / union


def _bbox_transform(anchors, gt):
    ex_w = anchors[:, 2] - anchors[:, 0] + 1.0
    ex_h = anchors[:, 3] - anchors[:, 1] + 1.0
    ex_cx = anchors[:, 0] + 0.5 * ex_w
    ex_cy = anchors[:, 1] + 0.5 * ex_h
    gt_w = gt[:, 2] - gt[:, 0] + 1.0
    gt_h = gt[:, 3] - gt[:, 1] + 1.0
    gt_cx = gt[:, 0] + 0.5 * gt_w
    gt_cy = gt[:, 1] + 0.5 * gt_h
    dx = (gt_cx - ex_cx) / ex_w
    dy = (gt_cy - ex_cy) / ex_h
    dw = jnp.log(gt_w / ex_w)
    dh = jnp.log(gt_h / ex_h)
    return jnp.stack([dx, dy, dw, dh], axis=1)


def setup_inputs(seed: int = 0):
    key = jax.random.key(seed)
    k1, k2, k3, k4 = jax.random.split(key, 4)
    im_info = jnp.array([[800.0, 800.0, 1.0]], dtype=jnp.float32)
    x1 = jax.random.uniform(k1, (NUM_GT,), minval=0.0, maxval=700.0)
    y1 = jax.random.uniform(k2, (NUM_GT,), minval=0.0, maxval=700.0)
    wh = jax.random.uniform(k3, (NUM_GT, 2), minval=16.0, maxval=300.0)
    x2 = jnp.minimum(x1 + wh[:, 0], 799.0)
    y2 = jnp.minimum(y1 + wh[:, 1], 799.0)
    cls = jax.random.randint(k4, (NUM_GT,), 0, NUM_CLASSES).astype(jnp.float32)
    gt_boxes = jnp.stack([x1, y1, x2, y2, cls], axis=1)[None]
    return {"im_info": im_info, "gt_boxes": gt_boxes}


def reference(im_info, gt_boxes):
    image_shape = im_info[0, :2]
    gt = gt_boxes[0]
    anchors = ANCHORS
    total = anchors.shape[0]
    positive = jnp.ones((total,), dtype=jnp.float32)
    background = positive * -1.0
    ignore = positive * -2.0
    labels = ignore
    overlaps = _overlaps(anchors, gt[:, :4])
    argmax_overlaps_inds = jnp.argmax(overlaps, axis=1)
    max_overlaps = jnp.max(overlaps, axis=1)
    # clobber_positives == False path
    labels = jnp.where(max_overlaps < NEGATIVE_OVERLAP, background, labels)
    labels = jnp.where(max_overlaps >= POSITIVE_OVERLAP, positive, labels)
    gt_gathered = jnp.take(gt, argmax_overlaps_inds, axis=0)
    bbox_reg_targets = _bbox_transform(anchors, gt_gathered[:, :4])
    inside = ((anchors[:, 0] >= -ALLOWED_BORDER)
              & (anchors[:, 1] >= -ALLOWED_BORDER)
              & (anchors[:, 2] < ALLOWED_BORDER + image_shape[1])
              & (anchors[:, 3] < ALLOWED_BORDER + image_shape[0]))
    labels = jnp.where(inside, labels, ignore)
    labels = jnp.where(labels == 1.0, gt_gathered[:, 4], labels)
    cls_idx = labels.astype(jnp.int32)
    rows = jnp.arange(total)
    # scatter_nd: out-of-range (negative) label indices are dropped (TF GPU semantics)
    safe_idx = jnp.where((cls_idx >= 0) & (cls_idx < NUM_CLASSES), cls_idx, NUM_CLASSES)
    class_targets = jnp.zeros((total, NUM_CLASSES), dtype=jnp.float32).at[rows, safe_idx].add(
        jnp.ones((total,), jnp.float32), mode="drop")
    return (labels[None], class_targets[None], bbox_reg_targets[None], anchors[None])

if __name__ == "__main__":
    import jax
    _d = setup_inputs()
    print(jax.jit(kernel)(*tuple(_d.values())))

</pallas_src>

<mosaic_0001>
#map = affine_map<(d0, d1) -> (0, 0, 0)>
#map1 = affine_map<(d0, d1) -> (0, 0)>
#map2 = affine_map<(d0, d1) -> (0)>
module attributes {stable_mosaic.version = 14 : i64} {
  func.func @_sc_body(%arg0: i32, %arg1: i32, %arg2: memref<32x12x288xf32, #tpu.memory_space<hbm>>, %arg3: memref<5x112xf32, #tpu.memory_space<hbm>>, %arg4: memref<2x16xf32, #tpu.memory_space<hbm>>, %arg5: memref<9216xf32, #tpu.memory_space<hbm>>, %arg6: memref<36864xf32, #tpu.memory_space<hbm>>, %arg7: memref<184320xf32, #tpu.memory_space<hbm>>, %arg8: memref<12x288xf32, #tpu.memory_space<vmem>>, %arg9: memref<5x112xf32, #tpu.memory_space<vmem>>, %arg10: memref<2x16xf32, #tpu.memory_space<vmem>>, %arg11: memref<112xf32, #tpu.memory_space<vmem>>, %arg12: memref<112xf32, #tpu.memory_space<vmem>>, %arg13: memref<112xf32, #tpu.memory_space<vmem>>, %arg14: memref<112xf32, #tpu.memory_space<vmem>>, %arg15: memref<112xf32, #tpu.memory_space<vmem>>, %arg16: memref<112xf32, #tpu.memory_space<vmem>>, %arg17: memref<112xf32, #tpu.memory_space<vmem>>, %arg18: memref<112xf32, #tpu.memory_space<vmem>>, %arg19: memref<112xf32, #tpu.memory_space<vmem>>, %arg20: memref<112xf32, #tpu.memory_space<vmem>>, %arg21: memref<288xf32, #tpu.memory_space<vmem>>, %arg22: memref<1152xf32, #tpu.memory_space<vmem>>, %arg23: memref<5760xf32, #tpu.memory_space<vmem>>) attributes {dimension_semantics = [#tpu.dimension_semantics<core_parallel>, #tpu.dimension_semantics<subcore_parallel>], iteration_bounds = array<i64: 2, 16>, scalar_prefetch = 0 : i64, scratch_operands = 16 : i64, tpu.core_type = #tpu.core_type<sc_vector_subcore>, window_params = [{transform_indices = #map}, {transform_indices = #map1}, {transform_indices = #map1}, {transform_indices = #map2}, {transform_indices = #map2}, {transform_indices = #map2}]} {
    %mul3A = arith.constant 2 : i32
    %mul3A_0 = arith.muli %arg1, %mul3A : i32
    %add3A = arith.addi %mul3A_0, %arg0 : i32
    %mul3A_1 = arith.constant 288 : i32
    %mul3A_2 = arith.muli %add3A, %mul3A_1 : i32
    "tpu.region"() ({
      %run_scoped3A = tpu.sem_alloc : memref<!tpu.dma_semaphore, #tpu.memory_space<semaphore_mem>>
      %dma_start3A = arith.constant 0 : i32
      %dma_start3A_1282 = arith.constant 0 : i32
      %dma_start3A_1283 = tpu.memref_slice %arg2[%add3A, %dma_start3A, %dma_start3A_1282] : memref<32x12x288xf32, #tpu.memory_space<hbm>> -> memref<1x12x288xf32, #tpu.memory_space<hbm>>
      %dma_start3A_1284 = tpu.memref_squeeze %dma_start3A_1283 : memref<1x12x288xf32, #tpu.memory_space<hbm>> -> memref<12x288xf32, #tpu.memory_space<hbm>>
      %dma_start3A_1285 = arith.constant 0 : i32
      %dma_start3A_1286 = arith.constant 0 : i32
      %dma_start3A_1287 = tpu.memref_slice %arg2[%add3A, %dma_start3A_1285, %dma_start3A_1286] : memref<32x12x288xf32, #tpu.memory_space<hbm>> -> memref<1x12x288xf32, #tpu.memory_space<hbm>>
      %dma_start3A_1288 = tpu.memref_squeeze %dma_start3A_1287 : memref<1x12x288xf32, #tpu.memory_space<hbm>> -> memref<12x288xf32, #tpu.memory_space<hbm>>
      tpu.enqueue_dma source(%dma_start3A_1288 : memref<12x288xf32, #tpu.memory_space<hbm>>) target(%arg8 : memref<12x288xf32, #tpu.memory_space<vmem>>) target_semaphore(%run_scoped3A : memref<!tpu.dma_semaphore, #tpu.memory_space<semaphore_mem>>)
      %dma_wait3A = arith.constant 0 : i32
      %dma_wait3A_1289 = arith.constant 0 : i32
      %dma_wait3A_1290 = tpu.memref_slice %arg2[%add3A, %dma_wait3A, %dma_wait3A_1289] : memref<32x12x288xf32, #tpu.memory_space<hbm>> -> memref<1x12x288xf32, #tpu.memory_space<hbm>>
      %dma_wait3A_1291 = tpu.memref_squeeze %dma_wait3A_1290 : memref<1x12x288xf32, #tpu.memory_space<hbm>> -> memref<12x288xf32, #tpu.memory_space<hbm>>
      %dma_wait3A_1292 = arith.constant 0 : i32
      %dma_wait3A_1293 = arith.constant 0 : i32
      %dma_wait3A_1294 = tpu.memref_slice %arg2[%add3A, %dma_wait3A_1292, %dma_wait3A_1293] : memref<32x12x288xf32, #tpu.memory_space<hbm>> -> memref<1x12x288xf32, #tpu.memory_space<hbm>>
      %dma_wait3A_1295 = tpu.memref_squeeze %dma_wait3A_1294 : memref<1x12x288xf32, #tpu.memory_space<hbm>> -> memref<12x288xf32, #tpu.memory_space<hbm>>
      tpu.wait_dma2 semaphore(%run_scoped3A : memref<!tpu.dma_semaphore, #tpu.memory_space<semaphore_mem>>) src(%dma_wait3A_1295 : memref<12x288xf32, #tpu.memory_space<hbm>>) dst(%arg8 : memref<12x288xf32, #tpu.memory_space<vmem>>)
      tpu.yield
    }) : () -> ()
    "tpu.region"() ({
      %run_scoped3A = tpu.sem_alloc : memref<!tpu.dma_semaphore, #tpu.memory_space<semaphore_mem>>
      tpu.enqueue_dma source(%arg3 : memref<5x112xf32, #tpu.memory_space<hbm>>) target(%arg9 : memref<5x112xf32, #tpu.memory_space<vmem>>) target_semaphore(%run_scoped3A : memref<!tpu.dma_semaphore, #tpu.memory_space<semaphore_mem>>)
      tpu.wait_dma2 semaphore(%run_scoped3A : memref<!tpu.dma_semaphore, #tpu.memory_space<semaphore_mem>>) src(%arg3 : memref<5x112xf32, #tpu.memory_space<hbm>>) dst(%arg9 : memref<5x112xf32, #tpu.memory_space<vmem>>)
      tpu.yield
    }) : () -> ()
    "tpu.region"() ({
      %run_scoped3A = tpu.sem_alloc : memref<!tpu.dma_semaphore, #tpu.memory_space<semaphore_mem>>
      tpu.enqueue_dma source(%arg4 : memref<2x16xf32, #tpu.memory_space<hbm>>) target(%arg10 : memref<2x16xf32, #tpu.memory_space<vmem>>) target_semaphore(%run_scoped3A : memref<!tpu.dma_semaphore, #tpu.memory_space<semaphore_mem>>)
      tpu.wait_dma2 semaphore(%run_scoped3A : memref<!tpu.dma_semaphore, #tpu.memory_space<semaphore_mem>>) src(%arg4 : memref<2x16xf32, #tpu.memory_space<hbm>>) dst(%arg10 : memref<2x16xf32, #tpu.memory_space<vmem>>)
      tpu.yield
    }) : () -> ()
    %broadcast_in_dim3A = arith.constant 0.000000e+00 : f32
    %broadcast_in_dim3A_3 = vector.broadcast %broadcast_in_dim3A : f32 to vector<16xf32>
    %broadcast_in_dim3A_4 = arith.constant 1.000000e+00 : f32
    %broadcast_in_dim3A_5 = vector.broadcast %broadcast_in_dim3A_4 : f32 to vector<16xf32>
    %iota3A = tpu.iota {dimensions = array<i32: 0>} : vector<16xi32>
    %get3A = arith.constant 0 : i32
    %get3A_6 = arith.index_cast %get3A : i32 to index
    %get3A_7 = arith.constant 0 : index
    %get3A_8 = tpu.vector_load %arg10[%get3A_6, %get3A_7] {strides = array<i32>} : memref<2x16xf32, #tpu.memory_space<vmem>>, vector<16xf32>,
    %get3A_9 = arith.constant 1 : i32
    %get3A_10 = arith.index_cast %get3A_9 : i32 to index
    %get3A_11 = arith.constant 0 : index
    %get3A_12 = tpu.vector_load %arg10[%get3A_10, %get3A_11] {strides = array<i32>} : memref<2x16xf32, #tpu.memory_space<vmem>>, vector<16xf32>,
    %get3A_13 = arith.constant 0 : i32
    %get3A_14 = arith.index_cast %get3A_13 : i32 to index
    %get3A_15 = arith.constant 0 : index
    %get3A_16 = tpu.vector_load %arg9[%get3A_14, %get3A_15] {strides = array<i32>} : memref<5x112xf32, #tpu.memory_space<vmem>>, vector<16xf32>,
    %get3A_17 = arith.constant 1 : i32
    %get3A_18 = arith.index_cast %get3A_17 : i32 to index
    %get3A_19 = arith.constant 0 : index
    %get3A_20 = tpu.vector_load %arg9[%get3A_18, %get3A_19] {strides = array<i32>} : memref<5x112xf32, #tpu.memory_space<vmem>>, vector<16xf32>,
    %get3A_21 = arith.constant 2 : i32
    %get3A_22 = arith.index_cast %get3A_21 : i32 to index
    %get3A_23 = arith.constant 0 : index
    %get3A_24 = tpu.vector_load %arg9[%get3A_22, %get3A_23] {strides = array<i32>} : memref<5x112xf32, #tpu.memory_space<vmem>>, vector<16xf32>,
    %get3A_25 = arith.constant 3 : i32
    %get3A_26 = arith.index_cast %get3A_25 : i32 to index
    %get3A_27 = arith.constant 0 : index
    %get3A_28 = tpu.vector_load %arg9[%get3A_26, %get3A_27] {strides = array<i32>} : memref<5x112xf32, #tpu.memory_space<vmem>>, vector<16xf32>,
    %get3A_29 = arith.constant 4 : i32
    %get3A_30 = arith.index_cast %get3A_29 : i32 to index
    %get3A_31 = arith.constant 0 : index
    %get3A_32 = tpu.vector_load %arg9[%get3A_30, %get3A_31] {strides = array<i32>} : memref<5x112xf32, #tpu.memory_space<vmem>>, vector<16xf32>,
    %sub3A = arith.subf %get3A_24, %get3A_16 : vector<16xf32>
    %add3A_33 = arith.constant 1.000000e+00 : f32
    %add3A_34 = vector.broadcast %add3A_33 : f32 to vector<16xf32>
    %add3A_35 = arith.addf %sub3A, %add3A_34 : vector<16xf32>
    %sub3A_36 = arith.subf %get3A_28, %get3A_20 : vector<16xf32>
    %add3A_37 = arith.constant 1.000000e+00 : f32
    %add3A_38 = vector.broadcast %add3A_37 : f32 to vector<16xf32>
    %add3A_39 = arith.addf %sub3A_36, %add3A_38 : vector<16xf32>
    %swap3A = arith.constant 0 : index
    %swap3A_40 = tpu.vector_load %arg11[%swap3A] {strides = array<i32>} : memref<112xf32, #tpu.memory_space<vmem>>, vector<16xf32>,
    tpu.vector_store %arg11[%swap3A], %get3A_16 {strides = array<i32>} : memref<112xf32, #tpu.memory_space<vmem>>, vector<16xf32>,
    %swap3A_41 = arith.constant 0 : index
    %swap3A_42 = tpu.vector_load %arg12[%swap3A_41] {strides = array<i32>} : memref<112xf32, #tpu.memory_space<vmem>>, vector<16xf32>,
    tpu.vector_store %arg12[%swap3A_41], %get3A_20 {strides = array<i32>} : memref<112xf32, #tpu.memory_space<vmem>>, vector<16xf32>,
    %swap3A_43 = arith.constant 0 : index
    %swap3A_44 = tpu.vector_load %arg13[%swap3A_43] {strides = array<i32>} : memref<112xf32, #tpu.memory_space<vmem>>, vector<16xf32>,
    tpu.vector_store %arg13[%swap3A_43], %get3A_24 {strides = array<i32>} : memref<112xf32, #tpu.memory_space<vmem>>, vector<16xf32>,
    %swap3A_45 = arith.constant 0 : index
    %swap3A_46 = tpu.vector_load %arg14[%swap3A_45] {strides = array<i32>} : memref<112xf32, #tpu.memory_space<vmem>>, vector<16xf32>,
    tpu.vector_store %arg14[%swap3A_45], %get3A_28 {strides = array<i32>} : memref<112xf32, #tpu.memory_space<vmem>>, vector<16xf32>,
    %mul3A_47 = arith.mulf %add3A_35, %add3A_39 : vector<16xf32>
    %swap3A_48 = arith.constant 0 : index
    %swap3A_49 = tpu.vector_load %arg15[%swap3A_48] {strides = array<i32>} : memref<112xf32, #tpu.memory_space<vmem>>, vector<16xf32>,
    tpu.vector_store %arg15[%swap3A_48], %mul3A_47 {strides = array<i32>} : memref<112xf32, #tpu.memory_space<vmem>>, vector<16xf32>,
    %mul3A_50 = arith.constant 5.000000e-01 : f32
    %mul3A_51 = vector.broadcast %mul3A_50 : f32 to vector<16xf32>
    %mul3A_52 = arith.mulf %mul3A_51, %add3A_35 : vector<16xf32>
    %add3A_53 = arith.addf %get3A_16, %mul3A_52 : vector<16xf32>
    %swap3A_54 = arith.constant 0 : index
    %swap3A_55 = tpu.vector_load %arg16[%swap3A_54] {strides = array<i32>} : memref<112xf32, #tpu.memory_space<vmem>>, vector<16xf32>,
    tpu.vector_store %arg16[%swap3A_54], %add3A_53 {strides = array<i32>} : memref<112xf32, #tpu.memory_space<vmem>>, vector<16xf32>,
    %mul3A_56 = arith.constant 5.000000e-01 : f32
    %mul3A_57 = vector.broadcast %mul3A_56 : f32 to vector<16xf32>
    %mul3A_58 = arith.mulf %mul3A_57, %add3A_39 : vector<16xf32>
    %add3A_59 = arith.addf %get3A_20, %mul3A_58 : vector<16xf32>
    %swap3A_60 = arith.constant 0 : index
    %swap3A_61 = tpu.vector_load %arg17[%swap3A_60] {strides = array<i32>} : memref<112xf32, #tpu.memory_space<vmem>>, vector<16xf32>,
    tpu.vector_store %arg17[%swap3A_60], %add3A_59 {strides = array<i32>} : memref<112xf32, #tpu.memory_space<vmem>>, vector<16xf32>,
    %bitcast_convert_type3A = tpu.bitcast %add3A_35 : vector<16xf32> -> vector<16xi32>
    %shift_right_arithmetic3A = arith.constant 23 : i32
    %shift_right_arithmetic3A_62 = vector.broadcast %shift_right_arithmetic3A : i32 to vector<16xi32>
    %shift_right_arithmetic3A_63 = arith.shrsi %bitcast_convert_type3A, %shift_right_arithmetic3A_62 : vector<16xi32>
    %and3A = arith.constant 255 : i32
    %and3A_64 = vector.broadcast %and3A : i32 to vector<16xi32>
    %and3A_65 = arith.andi %shift_right_arithmetic3A_63, %and3A_64 : vector<16xi32>
    %sub3A_66 = arith.constant 127 : i32
    %sub3A_67 = vector.broadcast %sub3A_66 : i32 to vector<16xi32>
    %sub3A_68 = arith.subi %and3A_65, %sub3A_67 : vector<16xi32>
    %and3A_69 = arith.constant 8388607 : i32
    %and3A_70 = vector.broadcast %and3A_69 : i32 to vector<16xi32>
    %and3A_71 = arith.andi %bitcast_convert_type3A, %and3A_70 : vector<16xi32>
    %or3A = arith.constant 1065353216 : i32
    %or3A_72 = vector.broadcast %or3A : i32 to vector<16xi32>
    %or3A_73 = arith.ori %and3A_71, %or3A_72 : vector<16xi32>
    %bitcast_convert_type3A_74 = tpu.bitcast %or3A_73 : vector<16xi32> -> vector<16xf32>
    %gt3A = arith.constant 1.41421354 : f32
    %gt3A_75 = vector.broadcast %gt3A : f32 to vector<16xf32>
    %gt3A_76 = arith.cmpf ogt, %bitcast_convert_type3A_74, %gt3A_75 : vector<16xf32>
    %mul3A_77 = arith.constant 5.000000e-01 : f32
    %mul3A_78 = vector.broadcast %mul3A_77 : f32 to vector<16xf32>
    %mul3A_79 = arith.mulf %bitcast_convert_type3A_74, %mul3A_78 : vector<16xf32>
    %select_n3A = arith.select %gt3A_76, %mul3A_79, %bitcast_convert_type3A_74 : vector<16xi1>, vector<16xf32>
    %add3A_80 = arith.constant 1 : i32
    %add3A_81 = vector.broadcast %add3A_80 : i32 to vector<16xi32>
    %add3A_82 = arith.addi %sub3A_68, %add3A_81 : vector<16xi32>
    %select_n3A_83 = arith.select %gt3A_76, %add3A_82, %sub3A_68 : vector<16xi1>, vector<16xi32>
    %sub3A_84 = arith.constant 1.000000e+00 : f32
    %sub3A_85 = vector.broadcast %sub3A_84 : f32 to vector<16xf32>
    %sub3A_86 = arith.subf %select_n3A, %sub3A_85 : vector<16xf32>
    %add3A_87 = arith.constant 1.000000e+00 : f32
    %add3A_88 = vector.broadcast %add3A_87 : f32 to vector<16xf32>
    %add3A_89 = arith.addf %select_n3A, %add3A_88 : vector<16xf32>
    %div3A = arith.divf %sub3A_86, %add3A_89 : vector<16xf32>
    %mul3A_90 = arith.mulf %div3A, %div3A : vector<16xf32>
    %mul3A_91 = arith.constant 2.000000e+00 : f32
    %mul3A_92 = vector.broadcast %mul3A_91 : f32 to vector<16xf32>
    %mul3A_93 = arith.mulf %mul3A_92, %div3A : vector<16xf32>
    %mul3A_94 = arith.constant 0.142857149 : f32
    %mul3A_95 = vector.broadcast %mul3A_94 : f32 to vector<16xf32>
    %mul3A_96 = arith.mulf %mul3A_90, %mul3A_95 : vector<16xf32>
    %add3A_97 = arith.constant 2.000000e-01 : f32
    %add3A_98 = vector.broadcast %add3A_97 : f32 to vector<16xf32>
    %add3A_99 = arith.addf %add3A_98, %mul3A_96 : vector<16xf32>
    %mul3A_100 = arith.mulf %mul3A_90, %add3A_99 : vector<16xf32>
    %add3A_101 = arith.constant 0.333333343 : f32
    %add3A_102 = vector.broadcast %add3A_101 : f32 to vector<16xf32>
    %add3A_103 = arith.addf %add3A_102, %mul3A_100 : vector<16xf32>
    %mul3A_104 = arith.mulf %mul3A_90, %add3A_103 : vector<16xf32>
    %add3A_105 = arith.constant 1.000000e+00 : f32
    %add3A_106 = vector.broadcast %add3A_105 : f32 to vector<16xf32>
    %add3A_107 = arith.addf %add3A_106, %mul3A_104 : vector<16xf32>
    %mul3A_108 = arith.mulf %mul3A_93, %add3A_107 : vector<16xf32>
    %convert_element_type3A = arith.sitofp %select_n3A_83 : vector<16xi32> to vector<16xf32>
    %mul3A_109 = arith.constant 0.693147182 : f32
    %mul3A_110 = vector.broadcast %mul3A_109 : f32 to vector<16xf32>
    %mul3A_111 = arith.mulf %convert_element_type3A, %mul3A_110 : vector<16xf32>
    %add3A_112 = arith.addf %mul3A_111, %mul3A_108 : vector<16xf32>
    %swap3A_113 = arith.constant 0 : index
    %swap3A_114 = tpu.vector_load %arg18[%swap3A_113] {strides = array<i32>} : memref<112xf32, #tpu.memory_space<vmem>>, vector<16xf32>,
    tpu.vector_store %arg18[%swap3A_113], %add3A_112 {strides = array<i32>} : memref<112xf32, #tpu.memory_space<vmem>>, vector<16xf32>,
    %bitcast_convert_type3A_115 = tpu.bitcast %add3A_39 : vector<16xf32> -> vector<16xi32>
    %shift_right_arithmetic3A_116 = arith.constant 23 : i32
    %shift_right_arithmetic3A_117 = vector.broadcast %shift_right_arithmetic3A_116 : i32 to vector<16xi32>
    %shift_right_arithmetic3A_118 = arith.shrsi %bitcast_convert_type3A_115, %shift_right_arithmetic3A_117 : vector<16xi32>
    %and3A_119 = arith.constant 255 : i32
    %and3A_120 = vector.broadcast %and3A_119 : i32 to vector<16xi32>
    %and3A_121 = arith.andi %shift_right_arithmetic3A_118, %and3A_120 : vector<16xi32>
    %sub3A_122 = arith.constant 127 : i32
    %sub3A_123 = vector.broadcast %sub3A_122 : i32 to vector<16xi32>
    %sub3A_124 = arith.subi %and3A_121, %sub3A_123 : vector<16xi32>
    %and3A_125 = arith.constant 8388607 : i32
    %and3A_126 = vector.broadcast %and3A_125 : i32 to vector<16xi32>
    %and3A_127 = arith.andi %bitcast_convert_type3A_115, %and3A_126 : vector<16xi32>
    %or3A_128 = arith.constant 1065353216 : i32
    %or3A_129 = vector.broadcast %or3A_128 : i32 to vector<16xi32>
    %or3A_130 = arith.ori %and3A_127, %or3A_129 : vector<16xi32>
    %bitcast_convert_type3A_131 = tpu.bitcast %or3A_130 : vector<16xi32> -> vector<16xf32>
    %gt3A_132 = arith.constant 1.41421354 : f32
    %gt3A_133 = vector.broadcast %gt3A_132 : f32 to vector<16xf32>
    %gt3A_134 = arith.cmpf ogt, %bitcast_convert_type3A_131, %gt3A_133 : vector<16xf32>
    %mul3A_135 = arith.constant 5.000000e-01 : f32
    %mul3A_136 = vector.broadcast %mul3A_135 : f32 to vector<16xf32>
    %mul3A_137 = arith.mulf %bitcast_convert_type3A_131, %mul3A_136 : vector<16xf32>
    %select_n3A_138 = arith.select %gt3A_134, %mul3A_137, %bitcast_convert_type3A_131 : vector<16xi1>, vector<16xf32>
    %add3A_139 = arith.constant 1 : i32
    %add3A_140 = vector.broadcast %add3A_139 : i32 to vector<16xi32>
    %add3A_141 = arith.addi %sub3A_124, %add3A_140 : vector<16xi32>
    %select_n3A_142 = arith.select %gt3A_134, %add3A_141, %sub3A_124 : vector<16xi1>, vector<16xi32>
    %sub3A_143 = arith.constant 1.000000e+00 : f32
    %sub3A_144 = vector.broadcast %sub3A_143 : f32 to vector<16xf32>
    %sub3A_145 = arith.subf %select_n3A_138, %sub3A_144 : vector<16xf32>
    %add3A_146 = arith.constant 1.000000e+00 : f32
    %add3A_147 = vector.broadcast %add3A_146 : f32 to vector<16xf32>
    %add3A_148 = arith.addf %select_n3A_138, %add3A_147 : vector<16xf32>
    %div3A_149 = arith.divf %sub3A_145, %add3A_148 : vector<16xf32>
    %mul3A_150 = arith.mulf %div3A_149, %div3A_149 : vector<16xf32>
    %mul3A_151 = arith.constant 2.000000e+00 : f32
    %mul3A_152 = vector.broadcast %mul3A_151 : f32 to vector<16xf32>
    %mul3A_153 = arith.mulf %mul3A_152, %div3A_149 : vector<16xf32>
    %mul3A_154 = arith.constant 0.142857149 : f32
    %mul3A_155 = vector.broadcast %mul3A_154 : f32 to vector<16xf32>
    %mul3A_156 = arith.mulf %mul3A_150, %mul3A_155 : vector<16xf32>
    %add3A_157 = arith.constant 2.000000e-01 : f32
    %add3A_158 = vector.broadcast %add3A_157 : f32 to vector<16xf32>
    %add3A_159 = arith.addf %add3A_158, %mul3A_156 : vector<16xf32>
    %mul3A_160 = arith.mulf %mul3A_150, %add3A_159 : vector<16xf32>
    %add3A_161 = arith.constant 0.333333343 : f32
    %add3A_162 = vector.broadcast %add3A_161 : f32 to vector<16xf32>
    %add3A_163 = arith.addf %add3A_162, %mul3A_160 : vector<16xf32>
    %mul3A_164 = arith.mulf %mul3A_150, %add3A_163 : vector<16xf32>
    %add3A_165 = arith.constant 1.000000e+00 : f32
    %add3A_166 = vector.broadcast %add3A_165 : f32 to vector<16xf32>
    %add3A_167 = arith.addf %add3A_166, %mul3A_164 : vector<16xf32>
    %mul3A_168 = arith.mulf %mul3A_153, %add3A_167 : vector<16xf32>
    %convert_element_type3A_169 = arith.sitofp %select_n3A_142 : vector<16xi32> to vector<16xf32>
    %mul3A_170 = arith.constant 0.693147182 : f32
    %mul3A_171 = vector.broadcast %mul3A_170 : f32 to vector<16xf32>
    %mul3A_172 = arith.mulf %convert_element_type3A_169, %mul3A_171 : vector<16xf32>
    %add3A_173 = arith.addf %mul3A_172, %mul3A_168 : vector<16xf32>
    %swap3A_174 = arith.constant 0 : index
    %swap3A_175 = tpu.vector_load %arg19[%swap3A_174] {strides = array<i32>} : memref<112xf32, #tpu.memory_space<vmem>>, vector<16xf32>,
    tpu.vector_store %arg19[%swap3A_174], %add3A_173 {strides = array<i32>} : memref<112xf32, #tpu.memory_space<vmem>>, vector<16xf32>,
    %swap3A_176 = arith.constant 0 : index
    %swap3A_177 = tpu.vector_load %arg20[%swap3A_176] {strides = array<i32>} : memref<112xf32, #tpu.memory_space<vmem>>, vector<16xf32>,
    tpu.vector_store %arg20[%swap3A_176], %get3A_32 {strides = array<i32>} : memref<112xf32, #tpu.memory_space<vmem>>, vector<16xf32>,
    %get3A_178 = arith.constant 0 : i32
    %get3A_179 = arith.index_cast %get3A_178 : i32 to index
    %get3A_180 = arith.constant 16 : index
    %get3A_181 = tpu.vector_load %arg9[%get3A_179, %get3A_180] {strides = array<i32>} : memref<5x112xf32, #tpu.memory_space<vmem>>, vector<16xf32>,
    %get3A_182 = arith.constant 1 : i32
    %get3A_183 = arith.index_cast %get3A_182 : i32 to index
    %get3A_184 = arith.constant 16 : index
    %get3A_185 = tpu.vector_load %arg9[%get3A_183, %get3A_184] {strides = array<i32>} : memref<5x112xf32, #tpu.memory_space<vmem>>, vector<16xf32>,
    %get3A_186 = arith.constant 2 : i32
    %get3A_187 = arith.index_cast %get3A_186 : i32 to index
    %get3A_188 = arith.constant 16 : index
    %get3A_189 = tpu.vector_load %arg9[%get3A_187, %get3A_188] {strides = array<i32>} : memref<5x112xf32, #tpu.memory_space<vmem>>, vector<16xf32>,
    %get3A_190 = arith.constant 3 : i32
    %get3A_191 = arith.index_cast %get3A_190 : i32 to index
    %get3A_192 = arith.constant 16 : index
    %get3A_193 = tpu.vector_load %arg9[%get3A_191, %get3A_192] {strides = array<i32>} : memref<5x112xf32, #tpu.memory_space<vmem>>, vector<16xf32>,
    %get3A_194 = arith.constant 4 : i32
    %get3A_195 = arith.index_cast %get3A_194 : i32 to index
    %get3A_196 = arith.constant 16 : index
    %get3A_197 = tpu.vector_load %arg9[%get3A_195, %get3A_196] {strides = array<i32>} : memref<5x112xf32, #tpu.memory_space<vmem>>, vector<16xf32>,
    %sub3A_198 = arith.subf %get3A_189, %get3A_181 : vector<16xf32>
    %add3A_199 = arith.constant 1.000000e+00 : f32
    %add3A_200 = vector.broadcast %add3A_199 : f32 to vector<16xf32>
    %add3A_201 = arith.addf %sub3A_198, %add3A_200 : vector<16xf32>
    %sub3A_202 = arith.subf %get3A_193, %get3A_185 : vector<16xf32>
    %add3A_203 = arith.constant 1.000000e+00 : f32
    %add3A_204 = vector.broadcast %add3A_203 : f32 to vector<16xf32>
    %add3A_205 = arith.addf %sub3A_202, %add3A_204 : vector<16xf32>
    %swap3A_206 = arith.constant 16 : index
    %swap3A_207 = tpu.vector_load %arg11[%swap3A_206] {strides = array<i32>} : memref<112xf32, #tpu.memory_space<vmem>>, vector<16xf32>,
    tpu.vector_store %arg11[%swap3A_206], %get3A_181 {strides = array<i32>} : memref<112xf32, #tpu.memory_space<vmem>>, vector<16xf32>,
    %swap3A_208 = arith.constant 16 : index
    %swap3A_209 = tpu.vector_load %arg12[%swap3A_208] {strides = array<i32>} : memref<112xf32, #tpu.memory_space<vmem>>, vector<16xf32>,
    tpu.vector_store %arg12[%swap3A_208], %get3A_185 {strides = array<i32>} : memref<112xf32, #tpu.memory_space<vmem>>, vector<16xf32>,
    %swap3A_210 = arith.constant 16 : index
    %swap3A_211 = tpu.vector_load %arg13[%swap3A_210] {strides = array<i32>} : memref<112xf32, #tpu.memory_space<vmem>>, vector<16xf32>,
    tpu.vector_store %arg13[%swap3A_210], %get3A_189 {strides = array<i32>} : memref<112xf32, #tpu.memory_space<vmem>>, vector<16xf32>,
    %swap3A_212 = arith.constant 16 : index
    %swap3A_213 = tpu.vector_load %arg14[%swap3A_212] {strides = array<i32>} : memref<112xf32, #tpu.memory_space<vmem>>, vector<16xf32>,
    tpu.vector_store %arg14[%swap3A_212], %get3A_193 {strides = array<i32>} : memref<112xf32, #tpu.memory_space<vmem>>, vector<16xf32>,
    %mul3A_214 = arith.mulf %add3A_201, %add3A_205 : vector<16xf32>
    %swap3A_215 = arith.constant 16 : index
    %swap3A_216 = tpu.vector_load %arg15[%swap3A_215] {strides = array<i32>} : memref<112xf32, #tpu.memory_space<vmem>>, vector<16xf32>,
    tpu.vector_store %arg15[%swap3A_215], %mul3A_214 {strides = array<i32>} : memref<112xf32, #tpu.memory_space<vmem>>, vector<16xf32>,
    %mul3A_217 = arith.constant 5.000000e-01 : f32
    %mul3A_218 = vector.broadcast %mul3A_217 : f32 to vector<16xf32>
    %mul3A_219 = arith.mulf %mul3A_218, %add3A_201 : vector<16xf32>
    %add3A_220 = arith.addf %get3A_181, %mul3A_219 : vector<16xf32>
    %swap3A_221 = arith.constant 16 : index
    %swap3A_222 = tpu.vector_load %arg16[%swap3A_221] {strides = array<i32>} : memref<112xf32, #tpu.memory_space<vmem>>, vector<16xf32>,
    tpu.vector_store %arg16[%swap3A_221], %add3A_220 {strides = array<i32>} : memref<112xf32, #tpu.memory_space<vmem>>, vector<16xf32>,
    %mul3A_223 = arith.constant 5.000000e-01 : f32
    %mul3A_224 = vector.broadcast %mul3A_223 : f32 to vector<16xf32>
    %mul3A_225 = arith.mulf %mul3A_224, %add3A_205 : vector<16xf32>
    %add3A_226 = arith.addf %get3A_185, %mul3A_225 : vector<16xf32>
    %swap3A_227 = arith.constant 16 : index
    %swap3A_228 = tpu.vector_load %arg17[%swap3A_227] {strides = array<i32>} : memref<112xf32, #tpu.memory_space<vmem>>, vector<16xf32>,
    tpu.vector_store %arg17[%swap3A_227], %add3A_226 {strides = array<i32>} : memref<112xf32, #tpu.memory_space<vmem>>, vector<16xf32>,
    %bitcast_convert_type3A_229 = tpu.bitcast %add3A_201 : vector<16xf32> -> vector<16xi32>
    %shift_right_arithmetic3A_230 = arith.constant 23 : i32
    %shift_right_arithmetic3A_231 = vector.broadcast %shift_right_arithmetic3A_230 : i32 to vector<16xi32>
    %shift_right_arithmetic3A_232 = arith.shrsi %bitcast_convert_type3A_229, %shift_right_arithmetic3A_231 : vector<16xi32>
    %and3A_233 = arith.constant 255 : i32
    %and3A_234 = vector.broadcast %and3A_233 : i32 to vector<16xi32>
    %and3A_235 = arith.andi %shift_right_arithmetic3A_232, %and3A_234 : vector<16xi32>
    %sub3A_236 = arith.constant 127 : i32
    %sub3A_237 = vector.broadcast %sub3A_236 : i32 to vector<16xi32>
    %sub3A_238 = arith.subi %and3A_235, %sub3A_237 : vector<16xi32>
    %and3A_239 = arith.constant 8388607 : i32
    %and3A_240 = vector.broadcast %and3A_239 : i32 to vector<16xi32>
    %and3A_241 = arith.andi %bitcast_convert_type3A_229, %and3A_240 : vector<16xi32>
    %or3A_242 = arith.constant 1065353216 : i32
    %or3A_243 = vector.broadcast %or3A_242 : i32 to vector<16xi32>
    %or3A_244 = arith.ori %and3A_241, %or3A_243 : vector<16xi32>
    %bitcast_convert_type3A_245 = tpu.bitcast %or3A_244 : vector<16xi32> -> vector<16xf32>
    %gt3A_246 = arith.constant 1.41421354 : f32
    %gt3A_247 = vector.broadcast %gt3A_246 : f32 to vector<16xf32>
    %gt3A_248 = arith.cmpf ogt, %bitcast_convert_type3A_245, %gt3A_247 : vector<16xf32>
    %mul3A_249 = arith.constant 5.000000e-01 : f32
    %mul3A_250 = vector.broadcast %mul3A_249 : f32 to vector<16xf32>
    %mul3A_251 = arith.mulf %bitcast_convert_type3A_245, %mul3A_250 : vector<16xf32>
    %select_n3A_252 = arith.select %gt3A_248, %mul3A_251, %bitcast_convert_type3A_245 : vector<16xi1>, vector<16xf32>
    %add3A_253 = arith.constant 1 : i32
    %add3A_254 = vector.broadcast %add3A_253 : i32 to vector<16xi32>
    %add3A_255 = arith.addi %sub3A_238, %add3A_254 : vector<16xi32>
    %select_n3A_256 = arith.select %gt3A_248, %add3A_255, %sub3A_238 : vector<16xi1>, vector<16xi32>
    %sub3A_257 = arith.constant 1.000000e+00 : f32
    %sub3A_258 = vector.broadcast %sub3A_257 : f32 to vector<16xf32>
    %sub3A_259 = arith.subf %select_n3A_252, %sub3A_258 : vector<16xf32>
    %add3A_260 = arith.constant 1.000000e+00 : f32
    %add3A_261 = vector.broadcast %add3A_260 : f32 to vector<16xf32>
    %add3A_262 = arith.addf %select_n3A_252, %add3A_261 : vector<16xf32>
    %div3A_263 = arith.divf %sub3A_259, %add3A_262 : vector<16xf32>
    %mul3A_264 = arith.mulf %div3A_263, %div3A_263 : vector<16xf32>
    %mul3A_265 = arith.constant 2.000000e+00 : f32
    %mul3A_266 = vector.broadcast %mul3A_265 : f32 to vector<16xf32>
    %mul3A_267 = arith.mulf %mul3A_266, %div3A_263 : vector<16xf32>
    %mul3A_268 = arith.constant 0.142857149 : f32
    %mul3A_269 = vector.broadcast %mul3A_268 : f32 to vector<16xf32>
    %mul3A_270 = arith.mulf %mul3A_264, %mul3A_269 : vector<16xf32>
    %add3A_271 = arith.constant 2.000000e-01 : f32
    %add3A_272 = vector.broadcast %add3A_271 : f32 to vector<16xf32>
    %add3A_273 = arith.addf %add3A_272, %mul3A_270 : vector<16xf32>
    %mul3A_274 = arith.mulf %mul3A_264, %add3A_273 : vector<16xf32>
    %add3A_275 = arith.constant 0.333333343 : f32
    %add3A_276 = vector.broadcast %add3A_275 : f32 to vector<16xf32>
    %add3A_277 = arith.addf %add3A_276, %mul3A_274 : vector<16xf32>
    %mul3A_278 = arith.mulf %mul3A_264, %add3A_277 : vector<16xf32>
    %add3A_279 = arith.constant 1.000000e+00 : f32
    %add3A_280 = vector.broadcast %add3A_279 : f32 to vector<16xf32>
    %add3A_281 = arith.addf %add3A_280, %mul3A_278 : vector<16xf32>
    %mul3A_282 = arith.mulf %mul3A_267, %add3A_281 : vector<16xf32>
    %convert_element_type3A_283 = arith.sitofp %select_n3A_256 : vector<16xi32> to vector<16xf32>
    %mul3A_284 = arith.constant 0.693147182 : f32
    %mul3A_285 = vector.broadcast %mul3A_284 : f32 to vector<16xf32>
    %mul3A_286 = arith.mulf %convert_element_type3A_283, %mul3A_285 : vector<16xf32>
    %add3A_287 = arith.addf %mul3A_286, %mul3A_282 : vector<16xf32>
    %swap3A_288 = arith.constant 16 : index
    %swap3A_289 = tpu.vector_load %arg18[%swap3A_288] {strides = array<i32>} : memref<112xf32, #tpu.memory_space<vmem>>, vector<16xf32>,
    tpu.vector_store %arg18[%swap3A_288], %add3A_287 {strides = array<i32>} : memref<112xf32, #tpu.memory_space<vmem>>, vector<16xf32>,
    %bitcast_convert_type3A_290 = tpu.bitcast %add3A_205 : vector<16xf32> -> vector<16xi32>
    %shift_right_arithmetic3A_291 = arith.constant 23 : i32
    %shift_right_arithmetic3A_292 = vector.broadcast %shift_right_arithmetic3A_291 : i32 to vector<16xi32>
    %shift_right_arithmetic3A_293 = arith.shrsi %bitcast_convert_type3A_290, %shift_right_arithmetic3A_292 : vector<16xi32>
    %and3A_294 = arith.constant 255 : i32
    %and3A_295 = vector.broadcast %and3A_294 : i32 to vector<16xi32>
    %and3A_296 = arith.andi %shift_right_arithmetic3A_293, %and3A_295 : vector<16xi32>
    %sub3A_297 = arith.constant 127 : i32
    %sub3A_298 = vector.broadcast %sub3A_297 : i32 to vector<16xi32>
    %sub3A_299 = arith.subi %and3A_296, %sub3A_298 : vector<16xi32>
    %and3A_300 = arith.constant 8388607 : i32
    %and3A_301 = vector.broadcast %and3A_300 : i32 to vector<16xi32>
    %and3A_302 = arith.andi %bitcast_convert_type3A_290, %and3A_301 : vector<16xi32>
    %or3A_303 = arith.constant 1065353216 : i32
    %or3A_304 = vector.broadcast %or3A_303 : i32 to vector<16xi32>
    %or3A_305 = arith.ori %and3A_302, %or3A_304 : vector<16xi32>
    %bitcast_convert_type3A_306 = tpu.bitcast %or3A_305 : vector<16xi32> -> vector<16xf32>
    %gt3A_307 = arith.constant 1.41421354 : f32
    %gt3A_308 = vector.broadcast %gt3A_307 : f32 to vector<16xf32>
    %gt3A_309 = arith.cmpf ogt, %bitcast_convert_type3A_306, %gt3A_308 : vector<16xf32>
    %mul3A_310 = arith.constant 5.000000e-01 : f32
    %mul3A_311 = vector.broadcast %mul3A_310 : f32 to vector<16xf32>
    %mul3A_312 = arith.mulf %bitcast_convert_type3A_306, %mul3A_311 : vector<16xf32>
    %select_n3A_313 = arith.select %gt3A_309, %mul3A_312, %bitcast_convert_type3A_306 : vector<16xi1>, vector<16xf32>
    %add3A_314 = arith.constant 1 : i32
    %add3A_315 = vector.broadcast %add3A_314 : i32 to vector<16xi32>
    %add3A_316 = arith.addi %sub3A_299, %add3A_315 : vector<16xi32>
    %select_n3A_317 = arith.select %gt3A_309, %add3A_316, %sub3A_299 : vector<16xi1>, vector<16xi32>
    %sub3A_318 = arith.constant 1.000000e+00 : f32
    %sub3A_319 = vector.broadcast %sub3A_318 : f32 to vector<16xf32>
    %sub3A_320 = arith.subf %select_n3A_313, %sub3A_319 : vector<16xf32>
    %add3A_321 = arith.constant 1.000000e+00 : f32
    %add3A_322 = vector.broadcast %add3A_321 : f32 to vector<16xf32>
    %add3A_323 = arith.addf %select_n3A_313, %add3A_322 : vector<16xf32>
    %div3A_324 = arith.divf %sub3A_320, %add3A_323 : vector<16xf32>
    %mul3A_325 = arith.mulf %div3A_324, %div3A_324 : vector<16xf32>
    %mul3A_326 = arith.constant 2.000000e+00 : f32
    %mul3A_327 = vector.broadcast %mul3A_326 : f32 to vector<16xf32>
    %mul3A_328 = arith.mulf %mul3A_327, %div3A_324 : vector<16xf32>
    %mul3A_329 = arith.constant 0.142857149 : f32
    %mul3A_330 = vector.broadcast %mul3A_329 : f32 to vector<16xf32>
    %mul3A_331 = arith.mulf %mul3A_325, %mul3A_330 : vector<16xf32>
    %add3A_332 = arith.constant 2.000000e-01 : f32
    %add3A_333 = vector.broadcast %add3A_332 : f32 to vector<16xf32>
    %add3A_334 = arith.addf %add3A_333, %mul3A_331 : vector<16xf32>
    %mul3A_335 = arith.mulf %mul3A_325, %add3A_334 : vector<16xf32>
    %add3A_336 = arith.constant 0.333333343 : f32
    %add3A_337 = vector.broadcast %add3A_336 : f32 to vector<16xf32>
    %add3A_338 = arith.addf %add3A_337, %mul3A_335 : vector<16xf32>
    %mul3A_339 = arith.mulf %mul3A_325, %add3A_338 : vector<16xf32>
    %add3A_340 = arith.constant 1.000000e+00 : f32
    %add3A_341 = vector.broadcast %add3A_340 : f32 to vector<16xf32>
    %add3A_342 = arith.addf %add3A_341, %mul3A_339 : vector<16xf32>
    %mul3A_343 = arith.mulf %mul3A_328, %add3A_342 : vector<16xf32>
    %convert_element_type3A_344 = arith.sitofp %select_n3A_317 : vector<16xi32> to vector<16xf32>
    %mul3A_345 = arith.constant 0.693147182 : f32
    %mul3A_346 = vector.broadcast %mul3A_345 : f32 to vector<16xf32>
    %mul3A_347 = arith.mulf %convert_element_type3A_344, %mul3A_346 : vector<16xf32>
    %add3A_348 = arith.addf %mul3A_347, %mul3A_343 : vector<16xf32>
    %swap3A_349 = arith.constant 16 : index
    %swap3A_350 = tpu.vector_load %arg19[%swap3A_349] {strides = array<i32>} : memref<112xf32, #tpu.memory_space<vmem>>, vector<16xf32>,
    tpu.vector_store %arg19[%swap3A_349], %add3A_348 {strides = array<i32>} : memref<112xf32, #tpu.memory_space<vmem>>, vector<16xf32>,
    %swap3A_351 = arith.constant 16 : index
    %swap3A_352 = tpu.vector_load %arg20[%swap3A_351] {strides = array<i32>} : memref<112xf32, #tpu.memory_space<vmem>>, vector<16xf32>,
    tpu.vector_store %arg20[%swap3A_351], %get3A_197 {strides = array<i32>} : memref<112xf32, #tpu.memory_space<vmem>>, vector<16xf32>,
    %get3A_353 = arith.constant 0 : i32
    %get3A_354 = arith.index_cast %get3A_353 : i32 to index
    %get3A_355 = arith.constant 32 : index
    %get3A_356 = tpu.vector_load %arg9[%get3A_354, %get3A_355] {strides = array<i32>} : memref<5x112xf32, #tpu.memory_space<vmem>>, vector<16xf32>,
    %get3A_357 = arith.constant 1 : i32
    %get3A_358 = arith.index_cast %get3A_357 : i32 to index
    %get3A_359 = arith.constant 32 : index
    %get3A_360 = tpu.vector_load %arg9[%get3A_358, %get3A_359] {strides = array<i32>} : memref<5x112xf32, #tpu.memory_space<vmem>>, vector<16xf32>,
    %get3A_361 = arith.constant 2 : i32
    %get3A_362 = arith.index_cast %get3A_361 : i32 to index
    %get3A_363 = arith.constant 32 : index
    %get3A_364 = tpu.vector_load %arg9[%get3A_362, %get3A_363] {strides = array<i32>} : memref<5x112xf32, #tpu.memory_space<vmem>>, vector<16xf32>,
    %get3A_365 = arith.constant 3 : i32
    %get3A_366 = arith.index_cast %get3A_365 : i32 to index
    %get3A_367 = arith.constant 32 : index
    %get3A_368 = tpu.vector_load %arg9[%get3A_366, %get3A_367] {strides = array<i32>} : memref<5x112xf32, #tpu.memory_space<vmem>>, vector<16xf32>,
    %get3A_369 = arith.constant 4 : i32
    %get3A_370 = arith.index_cast %get3A_369 : i32 to index
    %get3A_371 = arith.constant 32 : index
    %get3A_372 = tpu.vector_load %arg9[%get3A_370, %get3A_371] {strides = array<i32>} : memref<5x112xf32, #tpu.memory_space<vmem>>, vector<16xf32>,
    %sub3A_373 = arith.subf %get3A_364, %get3A_356 : vector<16xf32>
    %add3A_374 = arith.constant 1.000000e+00 : f32
    %add3A_375 = vector.broadcast %add3A_374 : f32 to vector<16xf32>
    %add3A_376 = arith.addf %sub3A_373, %add3A_375 : vector<16xf32>
    %sub3A_377 = arith.subf %get3A_368, %get3A_360 : vector<16xf32>
    %add3A_378 = arith.constant 1.000000e+00 : f32
    %add3A_379 = vector.broadcast %add3A_378 : f32 to vector<16xf32>
    %add3A_380 = arith.addf %sub3A_377, %add3A_379 : vector<16xf32>
    %swap3A_381 = arith.constant 32 : index
    %swap3A_382 = tpu.vector_load %arg11[%swap3A_381] {strides = array<i32>} : memref<112xf32, #tpu.memory_space<vmem>>, vector<16xf32>,
    tpu.vector_store %arg11[%swap3A_381], %get3A_356 {strides = array<i32>} : memref<112xf32, #tpu.memory_space<vmem>>, vector<16xf32>,
    %swap3A_383 = arith.constant 32 : index
    %swap3A_384 = tpu.vector_load %arg12[%swap3A_383] {strides = array<i32>} : memref<112xf32, #tpu.memory_space<vmem>>, vector<16xf32>,
    tpu.vector_store %arg12[%swap3A_383], %get3A_360 {strides = array<i32>} : memref<112xf32, #tpu.memory_space<vmem>>, vector<16xf32>,
    %swap3A_385 = arith.constant 32 : index
    %swap3A_386 = tpu.vector_load %arg13[%swap3A_385] {strides = array<i32>} : memref<112xf32, #tpu.memory_space<vmem>>, vector<16xf32>,
    tpu.vector_store %arg13[%swap3A_385], %get3A_364 {strides = array<i32>} : memref<112xf32, #tpu.memory_space<vmem>>, vector<16xf32>,
    %swap3A_387 = arith.constant 32 : index
    %swap3A_388 = tpu.vector_load %arg14[%swap3A_387] {strides = array<i32>} : memref<112xf32, #tpu.memory_space<vmem>>, vector<16xf32>,
    tpu.vector_store %arg14[%swap3A_387], %get3A_368 {strides = array<i32>} : memref<112xf32, #tpu.memory_space<vmem>>, vector<16xf32>,
    %mul3A_389 = arith.mulf %add3A_376, %add3A_380 : vector<16xf32>
    %swap3A_390 = arith.constant 32 : index
    %swap3A_391 = tpu.vector_load %arg15[%swap3A_390] {strides = array<i32>} : memref<112xf32, #tpu.memory_space<vmem>>, vector<16xf32>,
    tpu.vector_store %arg15[%swap3A_390], %mul3A_389 {strides = array<i32>} : memref<112xf32, #tpu.memory_space<vmem>>, vector<16xf32>,
    %mul3A_392 = arith.constant 5.000000e-01 : f32
    %mul3A_393 = vector.broadcast %mul3A_392 : f32 to vector<16xf32>
    %mul3A_394 = arith.mulf %mul3A_393, %add3A_376 : vector<16xf32>
    %add3A_395 = arith.addf %get3A_356, %mul3A_394 : vector<16xf32>
    %swap3A_396 = arith.constant 32 : index
    %swap3A_397 = tpu.vector_load %arg16[%swap3A_396] {strides = array<i32>} : memref<112xf32, #tpu.memory_space<vmem>>, vector<16xf32>,
    tpu.vector_store %arg16[%swap3A_396], %add3A_395 {strides = array<i32>} : memref<112xf32, #tpu.memory_space<vmem>>, vector<16xf32>,
    %mul3A_398 = arith.constant 5.000000e-01 : f32
    %mul3A_399 = vector.broadcast %mul3A_398 : f32 to vector<16xf32>
    %mul3A_400 = arith.mulf %mul3A_399, %add3A_380 : vector<16xf32>
    %add3A_401 = arith.addf %get3A_360, %mul3A_400 : vector<16xf32>
    %swap3A_402 = arith.constant 32 : index
    %swap3A_403 = tpu.vector_load %arg17[%swap3A_402] {strides = array<i32>} : memref<112xf32, #tpu.memory_space<vmem>>, vector<16xf32>,
    tpu.vector_store %arg17[%swap3A_402], %add3A_401 {strides = array<i32>} : memref<112xf32, #tpu.memory_space<vmem>>, vector<16xf32>,
    %bitcast_convert_type3A_404 = tpu.bitcast %add3A_376 : vector<16xf32> -> vector<16xi32>
    %shift_right_arithmetic3A_405 = arith.constant 23 : i32
    %shift_right_arithmetic3A_406 = vector.broadcast %shift_right_arithmetic3A_405 : i32 to vector<16xi32>
    %shift_right_arithmetic3A_407 = arith.shrsi %bitcast_convert_type3A_404, %shift_right_arithmetic3A_406 : vector<16xi32>
    %and3A_408 = arith.constant 255 : i32
    %and3A_409 = vector.broadcast %and3A_408 : i32 to vector<16xi32>
    %and3A_410 = arith.andi %shift_right_arithmetic3A_407, %and3A_409 : vector<16xi32>
    %sub3A_411 = arith.constant 127 : i32
    %sub3A_412 = vector.broadcast %sub3A_411 : i32 to vector<16xi32>
    %sub3A_413 = arith.subi %and3A_410, %sub3A_412 : vector<16xi32>
    %and3A_414 = arith.constant 8388607 : i32
    %and3A_415 = vector.broadcast %and3A_414 : i32 to vector<16xi32>
    %and3A_416 = arith.andi %bitcast_convert_type3A_404, %and3A_415 : vector<16xi32>
    %or3A_417 = arith.constant 1065353216 : i32
    %or3A_418 = vector.broadcast %or3A_417 : i32 to vector<16xi32>
    %or3A_419 = arith.ori %and3A_416, %or3A_418 : vector<16xi32>
    %bitcast_convert_type3A_420 = tpu.bitcast %or3A_419 : vector<16xi32> -> vector<16xf32>
    %gt3A_421 = arith.constant 1.41421354 : f32
    %gt3A_422 = vector.broadcast %gt3A_421 : f32 to vector<16xf32>
    %gt3A_423 = arith.cmpf ogt, %bitcast_convert_type3A_420, %gt3A_422 : vector<16xf32>
    %mul3A_424 = arith.constant 5.000000e-01 : f32
    %mul3A_425 = vector.broadcast %mul3A_424 : f32 to vector<16xf32>
    %mul3A_426 = arith.mulf %bitcast_convert_type3A_420, %mul3A_425 : vector<16xf32>
    %select_n3A_427 = arith.select %gt3A_423, %mul3A_426, %bitcast_convert_type3A_420 : vector<16xi1>, vector<16xf32>
    %add3A_428 = arith.constant 1 : i32
    %add3A_429 = vector.broadcast %add3A_428 : i32 to vector<16xi32>
    %add3A_430 = arith.addi %sub3A_413, %add3A_429 : vector<16xi32>
    %select_n3A_431 = arith.select %gt3A_423, %add3A_430, %sub3A_413 : vector<16xi1>, vector<16xi32>
    %sub3A_432 = arith.constant 1.000000e+00 : f32
    %sub3A_433 = vector.broadcast %sub3A_432 : f32 to vector<16xf32>
    %sub3A_434 = arith.subf %select_n3A_427, %sub3A_433 : vector<16xf32>
    %add3A_435 = arith.constant 1.000000e+00 : f32
    %add3A_436 = vector.broadcast %add3A_435 : f32 to vector<16xf32>
    %add3A_437 = arith.addf %select_n3A_427, %add3A_436 : vector<16xf32>
    %div3A_438 = arith.divf %sub3A_434, %add3A_437 : vector<16xf32>
    %mul3A_439 = arith.mulf %div3A_438, %div3A_438 : vector<16xf32>
    %mul3A_440 = arith.constant 2.000000e+00 : f32
    %mul3A_441 = vector.broadcast %mul3A_440 : f32 to vector<16xf32>
    %mul3A_442 = arith.mulf %mul3A_441, %div3A_438 : vector<16xf32>
    %mul3A_443 = arith.constant 0.142857149 : f32
    %mul3A_444 = vector.broadcast %mul3A_443 : f32 to vector<16xf32>
    %mul3A_445 = arith.mulf %mul3A_439, %mul3A_444 : vector<16xf32>
    %add3A_446 = arith.constant 2.000000e-01 : f32
    %add3A_447 = vector.broadcast %add3A_446 : f32 to vector<16xf32>
    %add3A_448 = arith.addf %add3A_447, %mul3A_445 : vector<16xf32>
    %mul3A_449 = arith.mulf %mul3A_439, %add3A_448 : vector<16xf32>
    %add3A_450 = arith.constant 0.333333343 : f32
    %add3A_451 = vector.broadcast %add3A_450 : f32 to vector<16xf32>
    %add3A_452 = arith.addf %add3A_451, %mul3A_449 : vector<16xf32>
    %mul3A_453 = arith.mulf %mul3A_439, %add3A_452 : vector<16xf32>
    %add3A_454 = arith.constant 1.000000e+00 : f32
    %add3A_455 = vector.broadcast %add3A_454 : f32 to vector<16xf32>
    %add3A_456 = arith.addf %add3A_455, %mul3A_453 : vector<16xf32>
    %mul3A_457 = arith.mulf %mul3A_442, %add3A_456 : vector<16xf32>
    %convert_element_type3A_458 = arith.sitofp %select_n3A_431 : vector<16xi32> to vector<16xf32>
    %mul3A_459 = arith.constant 0.693147182 : f32
    %mul3A_460 = vector.broadcast %mul3A_459 : f32 to vector<16xf32>
    %mul3A_461 = arith.mulf %convert_element_type3A_458, %mul3A_460 : vector<16xf32>
    %add3A_462 = arith.addf %mul3A_461, %mul3A_457 : vector<16xf32>
    %swap3A_463 = arith.constant 32 : index
    %swap3A_464 = tpu.vector_load %arg18[%swap3A_463] {strides = array<i32>} : memref<112xf32, #tpu.memory_space<vmem>>, vector<16xf32>,
    tpu.vector_store %arg18[%swap3A_463], %add3A_462 {strides = array<i32>} : memref<112xf32, #tpu.memory_space<vmem>>, vector<16xf32>,
    %bitcast_convert_type3A_465 = tpu.bitcast %add3A_380 : vector<16xf32> -> vector<16xi32>
    %shift_right_arithmetic3A_466 = arith.constant 23 : i32
    %shift_right_arithmetic3A_467 = vector.broadcast %shift_right_arithmetic3A_466 : i32 to vector<16xi32>
    %shift_right_arithmetic3A_468 = arith.shrsi %bitcast_convert_type3A_465, %shift_right_arithmetic3A_467 : vector<16xi32>
    %and3A_469 = arith.constant 255 : i32
    %and3A_470 = vector.broadcast %and3A_469 : i32 to vector<16xi32>
    %and3A_471 = arith.andi %shift_right_arithmetic3A_468, %and3A_470 : vector<16xi32>
    %sub3A_472 = arith.constant 127 : i32
    %sub3A_473 = vector.broadcast %sub3A_472 : i32 to vector<16xi32>
    %sub3A_474 = arith.subi %and3A_471, %sub3A_473 : vector<16xi32>
    %and3A_475 = arith.constant 8388607 : i32
    %and3A_476 = vector.broadcast %and3A_475 : i32 to vector<16xi32>
    %and3A_477 = arith.andi %bitcast_convert_type3A_465, %and3A_476 : vector<16xi32>
    %or3A_478 = arith.constant 1065353216 : i32
    %or3A_479 = vector.broadcast %or3A_478 : i32 to vector<16xi32>
    %or3A_480 = arith.ori %and3A_477, %or3A_479 : vector<16xi32>
    %bitcast_convert_type3A_481 = tpu.bitcast %or3A_480 : vector<16xi32> -> vector<16xf32>
    %gt3A_482 = arith.constant 1.41421354 : f32
    %gt3A_483 = vector.broadcast %gt3A_482 : f32 to vector<16xf32>
    %gt3A_484 = arith.cmpf ogt, %bitcast_convert_type3A_481, %gt3A_483 : vector<16xf32>
    %mul3A_485 = arith.constant 5.000000e-01 : f32
    %mul3A_486 = vector.broadcast %mul3A_485 : f32 to vector<16xf32>
    %mul3A_487 = arith.mulf %bitcast_convert_type3A_481, %mul3A_486 : vector<16xf32>
    %select_n3A_488 = arith.select %gt3A_484, %mul3A_487, %bitcast_convert_type3A_481 : vector<16xi1>, vector<16xf32>
    %add3A_489 = arith.constant 1 : i32
    %add3A_490 = vector.broadcast %add3A_489 : i32 to vector<16xi32>
    %add3A_491 = arith.addi %sub3A_474, %add3A_490 : vector<16xi32>
    %select_n3A_492 = arith.select %gt3A_484, %add3A_491, %sub3A_474 : vector<16xi1>, vector<16xi32>
    %sub3A_493 = arith.constant 1.000000e+00 : f32
    %sub3A_494 = vector.broadcast %sub3A_493 : f32 to vector<16xf32>
    %sub3A_495 = arith.subf %select_n3A_488, %sub3A_494 : vector<16xf32>
    %add3A_496 = arith.constant 1.000000e+00 : f32
    %add3A_497 = vector.broadcast %add3A_496 : f32 to vector<16xf32>
    %add3A_498 = arith.addf %select_n3A_488, %add3A_497 : vector<16xf32>
    %div3A_499 = arith.divf %sub3A_495, %add3A_498 : vector<16xf32>
    %mul3A_500 = arith.mulf %div3A_499, %div3A_499 : vector<16xf32>
    %mul3A_501 = arith.constant 2.000000e+00 : f32
    %mul3A_502 = vector.broadcast %mul3A_501 : f32 to vector<16xf32>
    %mul3A_503 = arith.mulf %mul3A_502, %div3A_499 : vector<16xf32>
    %mul3A_504 = arith.constant 0.142857149 : f32
    %mul3A_505 = vector.broadcast %mul3A_504 : f32 to vector<16xf32>
    %mul3A_506 = arith.mulf %mul3A_500, %mul3A_505 : vector<16xf32>
    %add3A_507 = arith.constant 2.000000e-01 : f32
    %add3A_508 = vector.broadcast %add3A_507 : f32 to vector<16xf32>
    %add3A_509 = arith.addf %add3A_508, %mul3A_506 : vector<16xf32>
    %mul3A_510 = arith.mulf %mul3A_500, %add3A_509 : vector<16xf32>
    %add3A_511 = arith.constant 0.333333343 : f32
    %add3A_512 = vector.broadcast %add3A_511 : f32 to vector<16xf32>
    %add3A_513 = arith.addf %add3A_512, %mul3A_510 : vector<16xf32>
    %mul3A_514 = arith.mulf %mul3A_500, %add3A_513 : vector<16xf32>
    %add3A_515 = arith.constant 1.000000e+00 : f32
    %add3A_516 = vector.broadcast %add3A_515 : f32 to vector<16xf32>
    %add3A_517 = arith.addf %add3A_516, %mul3A_514 : vector<16xf32>
    %mul3A_518 = arith.mulf %mul3A_503, %add3A_517 : vector<16xf32>
    %convert_element_type3A_519 = arith.sitofp %select_n3A_492 : vector<16xi32> to vector<16xf32>
    %mul3A_520 = arith.constant 0.693147182 : f32
    %mul3A_521 = vector.broadcast %mul3A_520 : f32 to vector<16xf32>
    %mul3A_522 = arith.mulf %convert_element_type3A_519, %mul3A_521 : vector<16xf32>
    %add3A_523 = arith.addf %mul3A_522, %mul3A_518 : vector<16xf32>
    %swap3A_524 = arith.constant 32 : index
    %swap3A_525 = tpu.vector_load %arg19[%swap3A_524] {strides = array<i32>} : memref<112xf32, #tpu.memory_space<vmem>>, vector<16xf32>,
    tpu.vector_store %arg19[%swap3A_524], %add3A_523 {strides = array<i32>} : memref<112xf32, #tpu.memory_space<vmem>>, vector<16xf32>,
    %swap3A_526 = arith.constant 32 : index
    %swap3A_527 = tpu.vector_load %arg20[%swap3A_526] {strides = array<i32>} : memref<112xf32, #tpu.memory_space<vmem>>, vector<16xf32>,
    tpu.vector_store %arg20[%swap3A_526], %get3A_372 {strides = array<i32>} : memref<112xf32, #tpu.memory_space<vmem>>, vector<16xf32>,
    %get3A_528 = arith.constant 0 : i32
    %get3A_529 = arith.index_cast %get3A_528 : i32 to index
    %get3A_530 = arith.constant 48 : index
    %get3A_531 = tpu.vector_load %arg9[%get3A_529, %get3A_530] {strides = array<i32>} : memref<5x112xf32, #tpu.memory_space<vmem>>, vector<16xf32>,
    %get3A_532 = arith.constant 1 : i32
    %get3A_533 = arith.index_cast %get3A_532 : i32 to index
    %get3A_534 = arith.constant 48 : index
    %get3A_535 = tpu.vector_load %arg9[%get3A_533, %get3A_534] {strides = array<i32>} : memref<5x112xf32, #tpu.memory_space<vmem>>, vector<16xf32>,
    %get3A_536 = arith.constant 2 : i32
    %get3A_537 = arith.index_cast %get3A_536 : i32 to index
    %get3A_538 = arith.constant 48 : index
    %get3A_539 = tpu.vector_load %arg9[%get3A_537, %get3A_538] {strides = array<i32>} : memref<5x112xf32, #tpu.memory_space<vmem>>, vector<16xf32>,
    %get3A_540 = arith.constant 3 : i32
    %get3A_541 = arith.index_cast %get3A_540 : i32 to index
    %get3A_542 = arith.constant 48 : index
    %get3A_543 = tpu.vector_load %arg9[%get3A_541, %get3A_542] {strides = array<i32>} : memref<5x112xf32, #tpu.memory_space<vmem>>, vector<16xf32>,
    %get3A_544 = arith.constant 4 : i32
    %get3A_545 = arith.index_cast %get3A_544 : i32 to index
    %get3A_546 = arith.constant 48 : index
    %get3A_547 = tpu.vector_load %arg9[%get3A_545, %get3A_546] {strides = array<i32>} : memref<5x112xf32, #tpu.memory_space<vmem>>, vector<16xf32>,
    %sub3A_548 = arith.subf %get3A_539, %get3A_531 : vector<16xf32>
    %add3A_549 = arith.constant 1.000000e+00 : f32
    %add3A_550 = vector.broadcast %add3A_549 : f32 to vector<16xf32>
    %add3A_551 = arith.addf %sub3A_548, %add3A_550 : vector<16xf32>
    %sub3A_552 = arith.subf %get3A_543, %get3A_535 : vector<16xf32>
    %add3A_553 = arith.constant 1.000000e+00 : f32
    %add3A_554 = vector.broadcast %add3A_553 : f32 to vector<16xf32>
    %add3A_555 = arith.addf %sub3A_552, %add3A_554 : vector<16xf32>
    %swap3A_556 = arith.constant 48 : index
    %swap3A_557 = tpu.vector_load %arg11[%swap3A_556] {strides = array<i32>} : memref<112xf32, #tpu.memory_space<vmem>>, vector<16xf32>,
    tpu.vector_store %arg11[%swap3A_556], %get3A_531 {strides = array<i32>} : memref<112xf32, #tpu.memory_space<vmem>>, vector<16xf32>,
    %swap3A_558 = arith.constant 48 : index
    %swap3A_559 = tpu.vector_load %arg12[%swap3A_558] {strides = array<i32>} : memref<112xf32, #tpu.memory_space<vmem>>, vector<16xf32>,
    tpu.vector_store %arg12[%swap3A_558], %get3A_535 {strides = array<i32>} : memref<112xf32, #tpu.memory_space<vmem>>, vector<16xf32>,
    %swap3A_560 = arith.constant 48 : index
    %swap3A_561 = tpu.vector_load %arg13[%swap3A_560] {strides = array<i32>} : memref<112xf32, #tpu.memory_space<vmem>>, vector<16xf32>,
    tpu.vector_store %arg13[%swap3A_560], %get3A_539 {strides = array<i32>} : memref<112xf32, #tpu.memory_space<vmem>>, vector<16xf32>,
    %swap3A_562 = arith.constant 48 : index
    %swap3A_563 = tpu.vector_load %arg14[%swap3A_562] {strides = array<i32>} : memref<112xf32, #tpu.memory_space<vmem>>, vector<16xf32>,
    tpu.vector_store %arg14[%swap3A_562], %get3A_543 {strides = array<i32>} : memref<112xf32, #tpu.memory_space<vmem>>, vector<16xf32>,
    %mul3A_564 = arith.mulf %add3A_551, %add3A_555 : vector<16xf32>
    %swap3A_565 = arith.constant 48 : index
    %swap3A_566 = tpu.vector_load %arg15[%swap3A_565] {strides = array<i32>} : memref<112xf32, #tpu.memory_space<vmem>>, vector<16xf32>,
    tpu.vector_store %arg15[%swap3A_565], %mul3A_564 {strides = array<i32>} : memref<112xf32, #tpu.memory_space<vmem>>, vector<16xf32>,
    %mul3A_567 = arith.constant 5.000000e-01 : f32
    %mul3A_568 = vector.broadcast %mul3A_567 : f32 to vector<16xf32>
    %mul3A_569 = arith.mulf %mul3A_568, %add3A_551 : vector<16xf32>
    %add3A_570 = arith.addf %get3A_531, %mul3A_569 : vector<16xf32>
    %swap3A_571 = arith.constant 48 : index
    %swap3A_572 = tpu.vector_load %arg16[%swap3A_571] {strides = array<i32>} : memref<112xf32, #tpu.memory_space<vmem>>, vector<16xf32>,
    tpu.vector_store %arg16[%swap3A_571], %add3A_570 {strides = array<i32>} : memref<112xf32, #tpu.memory_space<vmem>>, vector<16xf32>,
    %mul3A_573 = arith.constant 5.000000e-01 : f32
    %mul3A_574 = vector.broadcast %mul3A_573 : f32 to vector<16xf32>
    %mul3A_575 = arith.mulf %mul3A_574, %add3A_555 : vector<16xf32>
    %add3A_576 = arith.addf %get3A_535, %mul3A_575 : vector<16xf32>
    %swap3A_577 = arith.constant 48 : index
    %swap3A_578 = tpu.vector_load %arg17[%swap3A_577] {strides = array<i32>} : memref<112xf32, #tpu.memory_space<vmem>>, vector<16xf32>,
    tpu.vector_store %arg17[%swap3A_577], %add3A_576 {strides = array<i32>} : memref<112xf32, #tpu.memory_space<vmem>>, vector<16xf32>,
    %bitcast_convert_type3A_579 = tpu.bitcast %add3A_551 : vector<16xf32> -> vector<16xi32>
    %shift_right_arithmetic3A_580 = arith.constant 23 : i32
    %shift_right_arithmetic3A_581 = vector.broadcast %shift_right_arithmetic3A_580 : i32 to vector<16xi32>
    %shift_right_arithmetic3A_582 = arith.shrsi %bitcast_convert_type3A_579, %shift_right_arithmetic3A_581 : vector<16xi32>
    %and3A_583 = arith.constant 255 : i32
    %and3A_584 = vector.broadcast %and3A_583 : i32 to vector<16xi32>
    %and3A_585 = arith.andi %shift_right_arithmetic3A_582, %and3A_584 : vector<16xi32>
    %sub3A_586 = arith.constant 127 : i32
    %sub3A_587 = vector.broadcast %sub3A_586 : i32 to vector<16xi32>
    %sub3A_588 = arith.subi %and3A_585, %sub3A_587 : vector<16xi32>
    %and3A_589 = arith.constant 8388607 : i32
    %and3A_590 = vector.broadcast %and3A_589 : i32 to vector<16xi32>
    %and3A_591 = arith.andi %bitcast_convert_type3A_579, %and3A_590 : vector<16xi32>
    %or3A_592 = arith.constant 1065353216 : i32
    %or3A_593 = vector.broadcast %or3A_592 : i32 to vector<16xi32>
    %or3A_594 = arith.ori %and3A_591, %or3A_593 : vector<16xi32>
    %bitcast_convert_type3A_595 = tpu.bitcast %or3A_594 : vector<16xi32> -> vector<16xf32>
    %gt3A_596 = arith.constant 1.41421354 : f32
    %gt3A_597 = vector.broadcast %gt3A_596 : f32 to vector<16xf32>
    %gt3A_598 = arith.cmpf ogt, %bitcast_convert_type3A_595, %gt3A_597 : vector<16xf32>
    %mul3A_599 = arith.constant 5.000000e-01 : f32
    %mul3A_600 = vector.broadcast %mul3A_599 : f32 to vector<16xf32>
    %mul3A_601 = arith.mulf %bitcast_convert_type3A_595, %mul3A_600 : vector<16xf32>
    %select_n3A_602 = arith.select %gt3A_598, %mul3A_601, %bitcast_convert_type3A_595 : vector<16xi1>, vector<16xf32>
    %add3A_603 = arith.constant 1 : i32
    %add3A_604 = vector.broadcast %add3A_603 : i32 to vector<16xi32>
    %add3A_605 = arith.addi %sub3A_588, %add3A_604 : vector<16xi32>
    %select_n3A_606 = arith.select %gt3A_598, %add3A_605, %sub3A_588 : vector<16xi1>, vector<16xi32>
    %sub3A_607 = arith.constant 1.000000e+00 : f32
    %sub3A_608 = vector.broadcast %sub3A_607 : f32 to vector<16xf32>
    %sub3A_609 = arith.subf %select_n3A_602, %sub3A_608 : vector<16xf32>
    %add3A_610 = arith.constant 1.000000e+00 : f32
    %add3A_611 = vector.broadcast %add3A_610 : f32 to vector<16xf32>
    %add3A_612 = arith.addf %select_n3A_602, %add3A_611 : vector<16xf32>
    %div3A_613 = arith.divf %sub3A_609, %add3A_612 : vector<16xf32>
    %mul3A_614 = arith.mulf %div3A_613, %div3A_613 : vector<16xf32>
    %mul3A_615 = arith.constant 2.000000e+00 : f32
    %mul3A_616 = vector.broadcast %mul3A_615 : f32 to vector<16xf32>
    %mul3A_617 = arith.mulf %mul3A_616, %div3A_613 : vector<16xf32>
    %mul3A_618 = arith.constant 0.142857149 : f32
    %mul3A_619 = vector.broadcast %mul3A_618 : f32 to vector<16xf32>
    %mul3A_620 = arith.mulf %mul3A_614, %mul3A_619 : vector<16xf32>
    %add3A_621 = arith.constant 2.000000e-01 : f32
    %add3A_622 = vector.broadcast %add3A_621 : f32 to vector<16xf32>
    %add3A_623 = arith.addf %add3A_622, %mul3A_620 : vector<16xf32>
    %mul3A_624 = arith.mulf %mul3A_614, %add3A_623 : vector<16xf32>
    %add3A_625 = arith.constant 0.333333343 : f32
    %add3A_626 = vector.broadcast %add3A_625 : f32 to vector<16xf32>
    %add3A_627 = arith.addf %add3A_626, %mul3A_624 : vector<16xf32>
    %mul3A_628 = arith.mulf %mul3A_614, %add3A_627 : vector<16xf32>
    %add3A_629 = arith.constant 1.000000e+00 : f32
    %add3A_630 = vector.broadcast %add3A_629 : f32 to vector<16xf32>
    %add3A_631 = arith.addf %add3A_630, %mul3A_628 : vector<16xf32>
    %mul3A_632 = arith.mulf %mul3A_617, %add3A_631 : vector<16xf32>
    %convert_element_type3A_633 = arith.sitofp %select_n3A_606 : vector<16xi32> to vector<16xf32>
    %mul3A_634 = arith.constant 0.693147182 : f32
    %mul3A_635 = vector.broadcast %mul3A_634 : f32 to vector<16xf32>
    %mul3A_636 = arith.mulf %convert_element_type3A_633, %mul3A_635 : vector<16xf32>
    %add3A_637 = arith.addf %mul3A_636, %mul3A_632 : vector<16xf32>
    %swap3A_638 = arith.constant 48 : index
    %swap3A_639 = tpu.vector_load %arg18[%swap3A_638] {strides = array<i32>} : memref<112xf32, #tpu.memory_space<vmem>>, vector<16xf32>,
    tpu.vector_store %arg18[%swap3A_638], %add3A_637 {strides = array<i32>} : memref<112xf32, #tpu.memory_space<vmem>>, vector<16xf32>,
    %bitcast_convert_type3A_640 = tpu.bitcast %add3A_555 : vector<16xf32> -> vector<16xi32>
    %shift_right_arithmetic3A_641 = arith.constant 23 : i32
    %shift_right_arithmetic3A_642 = vector.broadcast %shift_right_arithmetic3A_641 : i32 to vector<16xi32>
    %shift_right_arithmetic3A_643 = arith.shrsi %bitcast_convert_type3A_640, %shift_right_arithmetic3A_642 : vector<16xi32>
    %and3A_644 = arith.constant 255 : i32
    %and3A_645 = vector.broadcast %and3A_644 : i32 to vector<16xi32>
    %and3A_646 = arith.andi %shift_right_arithmetic3A_643, %and3A_645 : vector<16xi32>
    %sub3A_647 = arith.constant 127 : i32
    %sub3A_648 = vector.broadcast %sub3A_647 : i32 to vector<16xi32>
    %sub3A_649 = arith.subi %and3A_646, %sub3A_648 : vector<16xi32>
    %and3A_650 = arith.constant 8388607 : i32
    %and3A_651 = vector.broadcast %and3A_650 : i32 to vector<16xi32>
    %and3A_652 = arith.andi %bitcast_convert_type3A_640, %and3A_651 : vector<16xi32>
    %or3A_653 = arith.constant 1065353216 : i32
    %or3A_654 = vector.broadcast %or3A_653 : i32 to vector<16xi32>
    %or3A_655 = arith.ori %and3A_652, %or3A_654 : vector<16xi32>
    %bitcast_convert_type3A_656 = tpu.bitcast %or3A_655 : vector<16xi32> -> vector<16xf32>
    %gt3A_657 = arith.constant 1.41421354 : f32
    %gt3A_658 = vector.broadcast %gt3A_657 : f32 to vector<16xf32>
    %gt3A_659 = arith.cmpf ogt, %bitcast_convert_type3A_656, %gt3A_658 : vector<16xf32>
    %mul3A_660 = arith.constant 5.000000e-01 : f32
    %mul3A_661 = vector.broadcast %mul3A_660 : f32 to vector<16xf32>
    %mul3A_662 = arith.mulf %bitcast_convert_type3A_656, %mul3A_661 : vector<16xf32>
    %select_n3A_663 = arith.select %gt3A_659, %mul3A_662, %bitcast_convert_type3A_656 : vector<16xi1>, vector<16xf32>
    %add3A_664 = arith.constant 1 : i32
    %add3A_665 = vector.broadcast %add3A_664 : i32 to vector<16xi32>
    %add3A_666 = arith.addi %sub3A_649, %add3A_665 : vector<16xi32>
    %select_n3A_667 = arith.select %gt3A_659, %add3A_666, %sub3A_649 : vector<16xi1>, vector<16xi32>
    %sub3A_668 = arith.constant 1.000000e+00 : f32
    %sub3A_669 = vector.broadcast %sub3A_668 : f32 to vector<16xf32>
    %sub3A_670 = arith.subf %select_n3A_663, %sub3A_669 : vector<16xf32>
    %add3A_671 = arith.constant 1.000000e+00 : f32
    %add3A_672 = vector.broadcast %add3A_671 : f32 to vector<16xf32>
    %add3A_673 = arith.addf %select_n3A_663, %add3A_672 : vector<16xf32>
    %div3A_674 = arith.divf %sub3A_670, %add3A_673 : vector<16xf32>
    %mul3A_675 = arith.mulf %div3A_674, %div3A_674 : vector<16xf32>
    %mul3A_676 = arith.constant 2.000000e+00 : f32
    %mul3A_677 = vector.broadcast %mul3A_676 : f32 to vector<16xf32>
    %mul3A_678 = arith.mulf %mul3A_677, %div3A_674 : vector<16xf32>
    %mul3A_679 = arith.constant 0.142857149 : f32
    %mul3A_680 = vector.broadcast %mul3A_679 : f32 to vector<16xf32>
    %mul3A_681 = arith.mulf %mul3A_675, %mul3A_680 : vector<16xf32>
    %add3A_682 = arith.constant 2.000000e-01 : f32
    %add3A_683 = vector.broadcast %add3A_682 : f32 to vector<16xf32>
    %add3A_684 = arith.addf %add3A_683, %mul3A_681 : vector<16xf32>
    %mul3A_685 = arith.mulf %mul3A_675, %add3A_684 : vector<16xf32>
    %add3A_686 = arith.constant 0.333333343 : f32
    %add3A_687 = vector.broadcast %add3A_686 : f32 to vector<16xf32>
    %add3A_688 = arith.addf %add3A_687, %mul3A_685 : vector<16xf32>
    %mul3A_689 = arith.mulf %mul3A_675, %add3A_688 : vector<16xf32>
    %add3A_690 = arith.constant 1.000000e+00 : f32
    %add3A_691 = vector.broadcast %add3A_690 : f32 to vector<16xf32>
    %add3A_692 = arith.addf %add3A_691, %mul3A_689 : vector<16xf32>
    %mul3A_693 = arith.mulf %mul3A_678, %add3A_692 : vector<16xf32>
    %convert_element_type3A_694 = arith.sitofp %select_n3A_667 : vector<16xi32> to vector<16xf32>
    %mul3A_695 = arith.constant 0.693147182 : f32
    %mul3A_696 = vector.broadcast %mul3A_695 : f32 to vector<16xf32>
    %mul3A_697 = arith.mulf %convert_element_type3A_694, %mul3A_696 : vector<16xf32>
    %add3A_698 = arith.addf %mul3A_697, %mul3A_693 : vector<16xf32>
    %swap3A_699 = arith.constant 48 : index
    %swap3A_700 = tpu.vector_load %arg19[%swap3A_699] {strides = array<i32>} : memref<112xf32, #tpu.memory_space<vmem>>, vector<16xf32>,
    tpu.vector_store %arg19[%swap3A_699], %add3A_698 {strides = array<i32>} : memref<112xf32, #tpu.memory_space<vmem>>, vector<16xf32>,
    %swap3A_701 = arith.constant 48 : index
    %swap3A_702 = tpu.vector_load %arg20[%swap3A_701] {strides = array<i32>} : memref<112xf32, #tpu.memory_space<vmem>>, vector<16xf32>,
    tpu.vector_store %arg20[%swap3A_701], %get3A_547 {strides = array<i32>} : memref<112xf32, #tpu.memory_space<vmem>>, vector<16xf32>,
    %get3A_703 = arith.constant 0 : i32
    %get3A_704 = arith.index_cast %get3A_703 : i32 to index
    %get3A_705 = arith.constant 64 : index
    %get3A_706 = tpu.vector_load %arg9[%get3A_704, %get3A_705] {strides = array<i32>} : memref<5x112xf32, #tpu.memory_space<vmem>>, vector<16xf32>,
    %get3A_707 = arith.constant 1 : i32
    %get3A_708 = arith.index_cast %get3A_707 : i32 to index
    %get3A_709 = arith.constant 64 : index
    %get3A_710 = tpu.vector_load %arg9[%get3A_708, %get3A_709] {strides = array<i32>} : memref<5x112xf32, #tpu.memory_space<vmem>>, vector<16xf32>,
    %get3A_711 = arith.constant 2 : i32
    %get3A_712 = arith.index_cast %get3A_711 : i32 to index
    %get3A_713 = arith.constant 64 : index
    %get3A_714 = tpu.vector_load %arg9[%get3A_712, %get3A_713] {strides = array<i32>} : memref<5x112xf32, #tpu.memory_space<vmem>>, vector<16xf32>,
    %get3A_715 = arith.constant 3 : i32
    %get3A_716 = arith.index_cast %get3A_715 : i32 to index
    %get3A_717 = arith.constant 64 : index
    %get3A_718 = tpu.vector_load %arg9[%get3A_716, %get3A_717] {strides = array<i32>} : memref<5x112xf32, #tpu.memory_space<vmem>>, vector<16xf32>,
    %get3A_719 = arith.constant 4 : i32
    %get3A_720 = arith.index_cast %get3A_719 : i32 to index
    %get3A_721 = arith.constant 64 : index
    %get3A_722 = tpu.vector_load %arg9[%get3A_720, %get3A_721] {strides = array<i32>} : memref<5x112xf32, #tpu.memory_space<vmem>>, vector<16xf32>,
    %sub3A_723 = arith.subf %get3A_714, %get3A_706 : vector<16xf32>
    %add3A_724 = arith.constant 1.000000e+00 : f32
    %add3A_725 = vector.broadcast %add3A_724 : f32 to vector<16xf32>
    %add3A_726 = arith.addf %sub3A_723, %add3A_725 : vector<16xf32>
    %sub3A_727 = arith.subf %get3A_718, %get3A_710 : vector<16xf32>
    %add3A_728 = arith.constant 1.000000e+00 : f32
    %add3A_729 = vector.broadcast %add3A_728 : f32 to vector<16xf32>
    %add3A_730 = arith.addf %sub3A_727, %add3A_729 : vector<16xf32>
    %swap3A_731 = arith.constant 64 : index
    %swap3A_732 = tpu.vector_load %arg11[%swap3A_731] {strides = array<i32>} : memref<112xf32, #tpu.memory_space<vmem>>, vector<16xf32>,
    tpu.vector_store %arg11[%swap3A_731], %get3A_706 {strides = array<i32>} : memref<112xf32, #tpu.memory_space<vmem>>, vector<16xf32>,
    %swap3A_733 = arith.constant 64 : index
    %swap3A_734 = tpu.vector_load %arg12[%swap3A_733] {strides = array<i32>} : memref<112xf32, #tpu.memory_space<vmem>>, vector<16xf32>,
    tpu.vector_store %arg12[%swap3A_733], %get3A_710 {strides = array<i32>} : memref<112xf32, #tpu.memory_space<vmem>>, vector<16xf32>,
    %swap3A_735 = arith.constant 64 : index
    %swap3A_736 = tpu.vector_load %arg13[%swap3A_735] {strides = array<i32>} : memref<112xf32, #tpu.memory_space<vmem>>, vector<16xf32>,
    tpu.vector_store %arg13[%swap3A_735], %get3A_714 {strides = array<i32>} : memref<112xf32, #tpu.memory_space<vmem>>, vector<16xf32>,
    %swap3A_737 = arith.constant 64 : index
    %swap3A_738 = tpu.vector_load %arg14[%swap3A_737] {strides = array<i32>} : memref<112xf32, #tpu.memory_space<vmem>>, vector<16xf32>,
    tpu.vector_store %arg14[%swap3A_737], %get3A_718 {strides = array<i32>} : memref<112xf32, #tpu.memory_space<vmem>>, vector<16xf32>,
    %mul3A_739 = arith.mulf %add3A_726, %add3A_730 : vector<16xf32>
    %swap3A_740 = arith.constant 64 : index
    %swap3A_741 = tpu.vector_load %arg15[%swap3A_740] {strides = array<i32>} : memref<112xf32, #tpu.memory_space<vmem>>, vector<16xf32>,
    tpu.vector_store %arg15[%swap3A_740], %mul3A_739 {strides = array<i32>} : memref<112xf32, #tpu.memory_space<vmem>>, vector<16xf32>,
    %mul3A_742 = arith.constant 5.000000e-01 : f32
    %mul3A_743 = vector.broadcast %mul3A_742 : f32 to vector<16xf32>
    %mul3A_744 = arith.mulf %mul3A_743, %add3A_726 : vector<16xf32>
    %add3A_745 = arith.addf %get3A_706, %mul3A_744 : vector<16xf32>
    %swap3A_746 = arith.constant 64 : index
    %swap3A_747 = tpu.vector_load %arg16[%swap3A_746] {strides = array<i32>} : memref<112xf32, #tpu.memory_space<vmem>>, vector<16xf32>,
    tpu.vector_store %arg16[%swap3A_746], %add3A_745 {strides = array<i32>} : memref<112xf32, #tpu.memory_space<vmem>>, vector<16xf32>,
    %mul3A_748 = arith.constant 5.000000e-01 : f32
    %mul3A_749 = vector.broadcast %mul3A_748 : f32 to vector<16xf32>
    %mul3A_750 = arith.mulf %mul3A_749, %add3A_730 : vector<16xf32>
    %add3A_751 = arith.addf %get3A_710, %mul3A_750 : vector<16xf32>
    %swap3A_752 = arith.constant 64 : index
    %swap3A_753 = tpu.vector_load %arg17[%swap3A_752] {strides = array<i32>} : memref<112xf32, #tpu.memory_space<vmem>>, vector<16xf32>,
    tpu.vector_store %arg17[%swap3A_752], %add3A_751 {strides = array<i32>} : memref<112xf32, #tpu.memory_space<vmem>>, vector<16xf32>,
    %bitcast_convert_type3A_754 = tpu.bitcast %add3A_726 : vector<16xf32> -> vector<16xi32>
    %shift_right_arithmetic3A_755 = arith.constant 23 : i32
    %shift_right_arithmetic3A_756 = vector.broadcast %shift_right_arithmetic3A_755 : i32 to vector<16xi32>
    %shift_right_arithmetic3A_757 = arith.shrsi %bitcast_convert_type3A_754, %shift_right_arithmetic3A_756 : vector<16xi32>
    %and3A_758 = arith.constant 255 : i32
    %and3A_759 = vector.broadcast %and3A_758 : i32 to vector<16xi32>
    %and3A_760 = arith.andi %shift_right_arithmetic3A_757, %and3A_759 : vector<16xi32>
    %sub3A_761 = arith.constant 127 : i32
    %sub3A_762 = vector.broadcast %sub3A_761 : i32 to vector<16xi32>
    %sub3A_763 = arith.subi %and3A_760, %sub3A_762 : vector<16xi32>
    %and3A_764 = arith.constant 8388607 : i32
    %and3A_765 = vector.broadcast %and3A_764 : i32 to vector<16xi32>
    %and3A_766 = arith.andi %bitcast_convert_type3A_754, %and3A_765 : vector<16xi32>
    %or3A_767 = arith.constant 1065353216 : i32
    %or3A_768 = vector.broadcast %or3A_767 : i32 to vector<16xi32>
    %or3A_769 = arith.ori %and3A_766, %or3A_768 : vector<16xi32>
    %bitcast_convert_type3A_770 = tpu.bitcast %or3A_769 : vector<16xi32> -> vector<16xf32>
    %gt3A_771 = arith.constant 1.41421354 : f32
    %gt3A_772 = vector.broadcast %gt3A_771 : f32 to vector<16xf32>
    %gt3A_773 = arith.cmpf ogt, %bitcast_convert_type3A_770, %gt3A_772 : vector<16xf32>
    %mul3A_774 = arith.constant 5.000000e-01 : f32
    %mul3A_775 = vector.broadcast %mul3A_774 : f32 to vector<16xf32>
    %mul3A_776 = arith.mulf %bitcast_convert_type3A_770, %mul3A_775 : vector<16xf32>
    %select_n3A_777 = arith.select %gt3A_773, %mul3A_776, %bitcast_convert_type3A_770 : vector<16xi1>, vector<16xf32>
    %add3A_778 = arith.constant 1 : i32
    %add3A_779 = vector.broadcast %add3A_778 : i32 to vector<16xi32>
    %add3A_780 = arith.addi %sub3A_763, %add3A_779 : vector<16xi32>
    %select_n3A_781 = arith.select %gt3A_773, %add3A_780, %sub3A_763 : vector<16xi1>, vector<16xi32>
    %sub3A_782 = arith.constant 1.000000e+00 : f32
    %sub3A_783 = vector.broadcast %sub3A_782 : f32 to vector<16xf32>
    %sub3A_784 = arith.subf %select_n3A_777, %sub3A_783 : vector<16xf32>
    %add3A_785 = arith.constant 1.000000e+00 : f32
    %add3A_786 = vector.broadcast %add3A_785 : f32 to vector<16xf32>
    %add3A_787 = arith.addf %select_n3A_777, %add3A_786 : vector<16xf32>
    %div3A_788 = arith.divf %sub3A_784, %add3A_787 : vector<16xf32>
    %mul3A_789 = arith.mulf %div3A_788, %div3A_788 : vector<16xf32>
    %mul3A_790 = arith.constant 2.000000e+00 : f32
    %mul3A_791 = vector.broadcast %mul3A_790 : f32 to vector<16xf32>
    %mul3A_792 = arith.mulf %mul3A_791, %div3A_788 : vector<16xf32>
    %mul3A_793 = arith.constant 0.142857149 : f32
    %mul3A_794 = vector.broadcast %mul3A_793 : f32 to vector<16xf32>
    %mul3A_795 = arith.mulf %mul3A_789, %mul3A_794 : vector<16xf32>
    %add3A_796 = arith.constant 2.000000e-01 : f32
    %add3A_797 = vector.broadcast %add3A_796 : f32 to vector<16xf32>
    %add3A_798 = arith.addf %add3A_797, %mul3A_795 : vector<16xf32>
    %mul3A_799 = arith.mulf %mul3A_789, %add3A_798 : vector<16xf32>
    %add3A_800 = arith.constant 0.333333343 : f32
    %add3A_801 = vector.broadcast %add3A_800 : f32 to vector<16xf32>
    %add3A_802 = arith.addf %add3A_801, %mul3A_799 : vector<16xf32>
    %mul3A_803 = arith.mulf %mul3A_789, %add3A_802 : vector<16xf32>
    %add3A_804 = arith.constant 1.000000e+00 : f32
    %add3A_805 = vector.broadcast %add3A_804 : f32 to vector<16xf32>
    %add3A_806 = arith.addf %add3A_805, %mul3A_803 : vector<16xf32>
    %mul3A_807 = arith.mulf %mul3A_792, %add3A_806 : vector<16xf32>
    %convert_element_type3A_808 = arith.sitofp %select_n3A_781 : vector<16xi32> to vector<16xf32>
    %mul3A_809 = arith.constant 0.693147182 : f32
    %mul3A_810 = vector.broadcast %mul3A_809 : f32 to vector<16xf32>
    %mul3A_811 = arith.mulf %convert_element_type3A_808, %mul3A_810 : vector<16xf32>
    %add3A_812 = arith.addf %mul3A_811, %mul3A_807 : vector<16xf32>
    %swap3A_813 = arith.constant 64 : index
    %swap3A_814 = tpu.vector_load %arg18[%swap3A_813] {strides = array<i32>} : memref<112xf32, #tpu.memory_space<vmem>>, vector<16xf32>,
    tpu.vector_store %arg18[%swap3A_813], %add3A_812 {strides = array<i32>} : memref<112xf32, #tpu.memory_space<vmem>>, vector<16xf32>,
    %bitcast_convert_type3A_815 = tpu.bitcast %add3A_730 : vector<16xf32> -> vector<16xi32>
    %shift_right_arithmetic3A_816 = arith.constant 23 : i32
    %shift_right_arithmetic3A_817 = vector.broadcast %shift_right_arithmetic3A_816 : i32 to vector<16xi32>
    %shift_right_arithmetic3A_818 = arith.shrsi %bitcast_convert_type3A_815, %shift_right_arithmetic3A_817 : vector<16xi32>
    %and3A_819 = arith.constant 255 : i32
    %and3A_820 = vector.broadcast %and3A_819 : i32 to vector<16xi32>
    %and3A_821 = arith.andi %shift_right_arithmetic3A_818, %and3A_820 : vector<16xi32>
    %sub3A_822 = arith.constant 127 : i32
    %sub3A_823 = vector.broadcast %sub3A_822 : i32 to vector<16xi32>
    %sub3A_824 = arith.subi %and3A_821, %sub3A_823 : vector<16xi32>
    %and3A_825 = arith.constant 8388607 : i32
    %and3A_826 = vector.broadcast %and3A_825 : i32 to vector<16xi32>
    %and3A_827 = arith.andi %bitcast_convert_type3A_815, %and3A_826 : vector<16xi32>
    %or3A_828 = arith.constant 1065353216 : i32
    %or3A_829 = vector.broadcast %or3A_828 : i32 to vector<16xi32>
    %or3A_830 = arith.ori %and3A_827, %or3A_829 : vector<16xi32>
    %bitcast_convert_type3A_831 = tpu.bitcast %or3A_830 : vector<16xi32> -> vector<16xf32>
    %gt3A_832 = arith.constant 1.41421354 : f32
    %gt3A_833 = vector.broadcast %gt3A_832 : f32 to vector<16xf32>
    %gt3A_834 = arith.cmpf ogt, %bitcast_convert_type3A_831, %gt3A_833 : vector<16xf32>
    %mul3A_835 = arith.constant 5.000000e-01 : f32
    %mul3A_836 = vector.broadcast %mul3A_835 : f32 to vector<16xf32>
    %mul3A_837 = arith.mulf %bitcast_convert_type3A_831, %mul3A_836 : vector<16xf32>
    %select_n3A_838 = arith.select %gt3A_834, %mul3A_837, %bitcast_convert_type3A_831 : vector<16xi1>, vector<16xf32>
    %add3A_839 = arith.constant 1 : i32
    %add3A_840 = vector.broadcast %add3A_839 : i32 to vector<16xi32>
    %add3A_841 = arith.addi %sub3A_824, %add3A_840 : vector<16xi32>
    %select_n3A_842 = arith.select %gt3A_834, %add3A_841, %sub3A_824 : vector<16xi1>, vector<16xi32>
    %sub3A_843 = arith.constant 1.000000e+00 : f32
    %sub3A_844 = vector.broadcast %sub3A_843 : f32 to vector<16xf32>
    %sub3A_845 = arith.subf %select_n3A_838, %sub3A_844 : vector<16xf32>
    %add3A_846 = arith.constant 1.000000e+00 : f32
    %add3A_847 = vector.broadcast %add3A_846 : f32 to vector<16xf32>
    %add3A_848 = arith.addf %select_n3A_838, %add3A_847 : vector<16xf32>
    %div3A_849 = arith.divf %sub3A_845, %add3A_848 : vector<16xf32>
    %mul3A_850 = arith.mulf %div3A_849, %div3A_849 : vector<16xf32>
    %mul3A_851 = arith.constant 2.000000e+00 : f32
    %mul3A_852 = vector.broadcast %mul3A_851 : f32 to vector<16xf32>
    %mul3A_853 = arith.mulf %mul3A_852, %div3A_849 : vector<16xf32>
    %mul3A_854 = arith.constant 0.142857149 : f32
    %mul3A_855 = vector.broadcast %mul3A_854 : f32 to vector<16xf32>
    %mul3A_856 = arith.mulf %mul3A_850, %mul3A_855 : vector<16xf32>
    %add3A_857 = arith.constant 2.000000e-01 : f32
    %add3A_858 = vector.broadcast %add3A_857 : f32 to vector<16xf32>
    %add3A_859 = arith.addf %add3A_858, %mul3A_856 : vector<16xf32>
    %mul3A_860 = arith.mulf %mul3A_850, %add3A_859 : vector<16xf32>
    %add3A_861 = arith.constant 0.333333343 : f32
    %add3A_862 = vector.broadcast %add3A_861 : f32 to vector<16xf32>
    %add3A_863 = arith.addf %add3A_862, %mul3A_860 : vector<16xf32>
    %mul3A_864 = arith.mulf %mul3A_850, %add3A_863 : vector<16xf32>
    %add3A_865 = arith.constant 1.000000e+00 : f32
    %add3A_866 = vector.broadcast %add3A_865 : f32 to vector<16xf32>
    %add3A_867 = arith.addf %add3A_866, %mul3A_864 : vector<16xf32>
    %mul3A_868 = arith.mulf %mul3A_853, %add3A_867 : vector<16xf32>
    %convert_element_type3A_869 = arith.sitofp %select_n3A_842 : vector<16xi32> to vector<16xf32>
    %mul3A_870 = arith.constant 0.693147182 : f32
    %mul3A_871 = vector.broadcast %mul3A_870 : f32 to vector<16xf32>
    %mul3A_872 = arith.mulf %convert_element_type3A_869, %mul3A_871 : vector<16xf32>
    %add3A_873 = arith.addf %mul3A_872, %mul3A_868 : vector<16xf32>
    %swap3A_874 = arith.constant 64 : index
    %swap3A_875 = tpu.vector_load %arg19[%swap3A_874] {strides = array<i32>} : memref<112xf32, #tpu.memory_space<vmem>>, vector<16xf32>,
    tpu.vector_store %arg19[%swap3A_874], %add3A_873 {strides = array<i32>} : memref<112xf32, #tpu.memory_space<vmem>>, vector<16xf32>,
    %swap3A_876 = arith.constant 64 : index
    %swap3A_877 = tpu.vector_load %arg20[%swap3A_876] {strides = array<i32>} : memref<112xf32, #tpu.memory_space<vmem>>, vector<16xf32>,
    tpu.vector_store %arg20[%swap3A_876], %get3A_722 {strides = array<i32>} : memref<112xf32, #tpu.memory_space<vmem>>, vector<16xf32>,
    %get3A_878 = arith.constant 0 : i32
    %get3A_879 = arith.index_cast %get3A_878 : i32 to index
    %get3A_880 = arith.constant 80 : index
    %get3A_881 = tpu.vector_load %arg9[%get3A_879, %get3A_880] {strides = array<i32>} : memref<5x112xf32, #tpu.memory_space<vmem>>, vector<16xf32>,
    %get3A_882 = arith.constant 1 : i32
    %get3A_883 = arith.index_cast %get3A_882 : i32 to index
    %get3A_884 = arith.constant 80 : index
    %get3A_885 = tpu.vector_load %arg9[%get3A_883, %get3A_884] {strides = array<i32>} : memref<5x112xf32, #tpu.memory_space<vmem>>, vector<16xf32>,
    %get3A_886 = arith.constant 2 : i32
    %get3A_887 = arith.index_cast %get3A_886 : i32 to index
    %get3A_888 = arith.constant 80 : index
    %get3A_889 = tpu.vector_load %arg9[%get3A_887, %get3A_888] {strides = array<i32>} : memref<5x112xf32, #tpu.memory_space<vmem>>, vector<16xf32>,
    %get3A_890 = arith.constant 3 : i32
    %get3A_891 = arith.index_cast %get3A_890 : i32 to index
    %get3A_892 = arith.constant 80 : index
    %get3A_893 = tpu.vector_load %arg9[%get3A_891, %get3A_892] {strides = array<i32>} : memref<5x112xf32, #tpu.memory_space<vmem>>, vector<16xf32>,
    %get3A_894 = arith.constant 4 : i32
    %get3A_895 = arith.index_cast %get3A_894 : i32 to index
    %get3A_896 = arith.constant 80 : index
    %get3A_897 = tpu.vector_load %arg9[%get3A_895, %get3A_896] {strides = array<i32>} : memref<5x112xf32, #tpu.memory_space<vmem>>, vector<16xf32>,
    %sub3A_898 = arith.subf %get3A_889, %get3A_881 : vector<16xf32>
    %add3A_899 = arith.constant 1.000000e+00 : f32
    %add3A_900 = vector.broadcast %add3A_899 : f32 to vector<16xf32>
    %add3A_901 = arith.addf %sub3A_898, %add3A_900 : vector<16xf32>
    %sub3A_902 = arith.subf %get3A_893, %get3A_885 : vector<16xf32>
    %add3A_903 = arith.constant 1.000000e+00 : f32
    %add3A_904 = vector.broadcast %add3A_903 : f32 to vector<16xf32>
    %add3A_905 = arith.addf %sub3A_902, %add3A_904 : vector<16xf32>
    %swap3A_906 = arith.constant 80 : index
    %swap3A_907 = tpu.vector_load %arg11[%swap3A_906] {strides = array<i32>} : memref<112xf32, #tpu.memory_space<vmem>>, vector<16xf32>,
    tpu.vector_store %arg11[%swap3A_906], %get3A_881 {strides = array<i32>} : memref<112xf32, #tpu.memory_space<vmem>>, vector<16xf32>,
    %swap3A_908 = arith.constant 80 : index
    %swap3A_909 = tpu.vector_load %arg12[%swap3A_908] {strides = array<i32>} : memref<112xf32, #tpu.memory_space<vmem>>, vector<16xf32>,
    tpu.vector_store %arg12[%swap3A_908], %get3A_885 {strides = array<i32>} : memref<112xf32, #tpu.memory_space<vmem>>, vector<16xf32>,
    %swap3A_910 = arith.constant 80 : index
    %swap3A_911 = tpu.vector_load %arg13[%swap3A_910] {strides = array<i32>} : memref<112xf32, #tpu.memory_space<vmem>>, vector<16xf32>,
    tpu.vector_store %arg13[%swap3A_910], %get3A_889 {strides = array<i32>} : memref<112xf32, #tpu.memory_space<vmem>>, vector<16xf32>,
    %swap3A_912 = arith.constant 80 : index
    %swap3A_913 = tpu.vector_load %arg14[%swap3A_912] {strides = array<i32>} : memref<112xf32, #tpu.memory_space<vmem>>, vector<16xf32>,
    tpu.vector_store %arg14[%swap3A_912], %get3A_893 {strides = array<i32>} : memref<112xf32, #tpu.memory_space<vmem>>, vector<16xf32>,
    %mul3A_914 = arith.mulf %add3A_901, %add3A_905 : vector<16xf32>
    %swap3A_915 = arith.constant 80 : index
    %swap3A_916 = tpu.vector_load %arg15[%swap3A_915] {strides = array<i32>} : memref<112xf32, #tpu.memory_space<vmem>>, vector<16xf32>,
    tpu.vector_store %arg15[%swap3A_915], %mul3A_914 {strides = array<i32>} : memref<112xf32, #tpu.memory_space<vmem>>, vector<16xf32>,
    %mul3A_917 = arith.constant 5.000000e-01 : f32
    %mul3A_918 = vector.broadcast %mul3A_917 : f32 to vector<16xf32>
    %mul3A_919 = arith.mulf %mul3A_918, %add3A_901 : vector<16xf32>
    %add3A_920 = arith.addf %get3A_881, %mul3A_919 : vector<16xf32>
    %swap3A_921 = arith.constant 80 : index
    %swap3A_922 = tpu.vector_load %arg16[%swap3A_921] {strides = array<i32>} : memref<112xf32, #tpu.memory_space<vmem>>, vector<16xf32>,
    tpu.vector_store %arg16[%swap3A_921], %add3A_920 {strides = array<i32>} : memref<112xf32, #tpu.memory_space<vmem>>, vector<16xf32>,
    %mul3A_923 = arith.constant 5.000000e-01 : f32
    %mul3A_924 = vector.broadcast %mul3A_923 : f32 to vector<16xf32>
    %mul3A_925 = arith.mulf %mul3A_924, %add3A_905 : vector<16xf32>
    %add3A_926 = arith.addf %get3A_885, %mul3A_925 : vector<16xf32>
    %swap3A_927 = arith.constant 80 : index
    %swap3A_928 = tpu.vector_load %arg17[%swap3A_927] {strides = array<i32>} : memref<112xf32, #tpu.memory_space<vmem>>, vector<16xf32>,
    tpu.vector_store %arg17[%swap3A_927], %add3A_926 {strides = array<i32>} : memref<112xf32, #tpu.memory_space<vmem>>, vector<16xf32>,
    %bitcast_convert_type3A_929 = tpu.bitcast %add3A_901 : vector<16xf32> -> vector<16xi32>
    %shift_right_arithmetic3A_930 = arith.constant 23 : i32
    %shift_right_arithmetic3A_931 = vector.broadcast %shift_right_arithmetic3A_930 : i32 to vector<16xi32>
    %shift_right_arithmetic3A_932 = arith.shrsi %bitcast_convert_type3A_929, %shift_right_arithmetic3A_931 : vector<16xi32>
    %and3A_933 = arith.constant 255 : i32
    %and3A_934 = vector.broadcast %and3A_933 : i32 to vector<16xi32>
    %and3A_935 = arith.andi %shift_right_arithmetic3A_932, %and3A_934 : vector<16xi32>
    %sub3A_936 = arith.constant 127 : i32
    %sub3A_937 = vector.broadcast %sub3A_936 : i32 to vector<16xi32>
    %sub3A_938 = arith.subi %and3A_935, %sub3A_937 : vector<16xi32>
    %and3A_939 = arith.constant 8388607 : i32
    %and3A_940 = vector.broadcast %and3A_939 : i32 to vector<16xi32>
    %and3A_941 = arith.andi %bitcast_convert_type3A_929, %and3A_940 : vector<16xi32>
    %or3A_942 = arith.constant 1065353216 : i32
    %or3A_943 = vector.broadcast %or3A_942 : i32 to vector<16xi32>
    %or3A_944 = arith.ori %and3A_941, %or3A_943 : vector<16xi32>
    %bitcast_convert_type3A_945 = tpu.bitcast %or3A_944 : vector<16xi32> -> vector<16xf32>
    %gt3A_946 = arith.constant 1.41421354 : f32
    %gt3A_947 = vector.broadcast %gt3A_946 : f32 to vector<16xf32>
    %gt3A_948 = arith.cmpf ogt, %bitcast_convert_type3A_945, %gt3A_947 : vector<16xf32>
    %mul3A_949 = arith.constant 5.000000e-01 : f32
    %mul3A_950 = vector.broadcast %mul3A_949 : f32 to vector<16xf32>
    %mul3A_951 = arith.mulf %bitcast_convert_type3A_945, %mul3A_950 : vector<16xf32>
    %select_n3A_952 = arith.select %gt3A_948, %mul3A_951, %bitcast_convert_type3A_945 : vector<16xi1>, vector<16xf32>
    %add3A_953 = arith.constant 1 : i32
    %add3A_954 = vector.broadcast %add3A_953 : i32 to vector<16xi32>
    %add3A_955 = arith.addi %sub3A_938, %add3A_954 : vector<16xi32>
    %select_n3A_956 = arith.select %gt3A_948, %add3A_955, %sub3A_938 : vector<16xi1>, vector<16xi32>
    %sub3A_957 = arith.constant 1.000000e+00 : f32
    %sub3A_958 = vector.broadcast %sub3A_957 : f32 to vector<16xf32>
    %sub3A_959 = arith.subf %select_n3A_952, %sub3A_958 : vector<16xf32>
    %add3A_960 = arith.constant 1.000000e+00 : f32
    %add3A_961 = vector.broadcast %add3A_960 : f32 to vector<16xf32>
    %add3A_962 = arith.addf %select_n3A_952, %add3A_961 : vector<16xf32>
    %div3A_963 = arith.divf %sub3A_959, %add3A_962 : vector<16xf32>
    %mul3A_964 = arith.mulf %div3A_963, %div3A_963 : vector<16xf32>
    %mul3A_965 = arith.constant 2.000000e+00 : f32
    %mul3A_966 = vector.broadcast %mul3A_965 : f32 to vector<16xf32>
    %mul3A_967 = arith.mulf %mul3A_966, %div3A_963 : vector<16xf32>
    %mul3A_968 = arith.constant 0.142857149 : f32
    %mul3A_969 = vector.broadcast %mul3A_968 : f32 to vector<16xf32>
    %mul3A_970 = arith.mulf %mul3A_964, %mul3A_969 : vector<16xf32>
    %add3A_971 = arith.constant 2.000000e-01 : f32
    %add3A_972 = vector.broadcast %add3A_971 : f32 to vector<16xf32>
    %add3A_973 = arith.addf %add3A_972, %mul3A_970 : vector<16xf32>
    %mul3A_974 = arith.mulf %mul3A_964, %add3A_973 : vector<16xf32>
    %add3A_975 = arith.constant 0.333333343 : f32
    %add3A_976 = vector.broadcast %add3A_975 : f32 to vector<16xf32>
    %add3A_977 = arith.addf %add3A_976, %mul3A_974 : vector<16xf32>
    %mul3A_978 = arith.mulf %mul3A_964, %add3A_977 : vector<16xf32>
    %add3A_979 = arith.constant 1.000000e+00 : f32
    %add3A_980 = vector.broadcast %add3A_979 : f32 to vector<16xf32>
    %add3A_981 = arith.addf %add3A_980, %mul3A_978 : vector<16xf32>
    %mul3A_982 = arith.mulf %mul3A_967, %add3A_981 : vector<16xf32>
    %convert_element_type3A_983 = arith.sitofp %select_n3A_956 : vector<16xi32> to vector<16xf32>
    %mul3A_984 = arith.constant 0.693147182 : f32
    %mul3A_985 = vector.broadcast %mul3A_984 : f32 to vector<16xf32>
    %mul3A_986 = arith.mulf %convert_element_type3A_983, %mul3A_985 : vector<16xf32>
    %add3A_987 = arith.addf %mul3A_986, %mul3A_982 : vector<16xf32>
    %swap3A_988 = arith.constant 80 : index
    %swap3A_989 = tpu.vector_load %arg18[%swap3A_988] {strides = array<i32>} : memref<112xf32, #tpu.memory_space<vmem>>, vector<16xf32>,
    tpu.vector_store %arg18[%swap3A_988], %add3A_987 {strides = array<i32>} : memref<112xf32, #tpu.memory_space<vmem>>, vector<16xf32>,
    %bitcast_convert_type3A_990 = tpu.bitcast %add3A_905 : vector<16xf32> -> vector<16xi32>
    %shift_right_arithmetic3A_991 = arith.constant 23 : i32
    %shift_right_arithmetic3A_992 = vector.broadcast %shift_right_arithmetic3A_991 : i32 to vector<16xi32>
    %shift_right_arithmetic3A_993 = arith.shrsi %bitcast_convert_type3A_990, %shift_right_arithmetic3A_992 : vector<16xi32>
    %and3A_994 = arith.constant 255 : i32
    %and3A_995 = vector.broadcast %and3A_994 : i32 to vector<16xi32>
    %and3A_996 = arith.andi %shift_right_arithmetic3A_993, %and3A_995 : vector<16xi32>
    %sub3A_997 = arith.constant 127 : i32
    %sub3A_998 = vector.broadcast %sub3A_997 : i32 to vector<16xi32>
    %sub3A_999 = arith.subi %and3A_996, %sub3A_998 : vector<16xi32>
    %and3A_1000 = arith.constant 8388607 : i32
    %and3A_1001 = vector.broadcast %and3A_1000 : i32 to vector<16xi32>
    %and3A_1002 = arith.andi %bitcast_convert_type3A_990, %and3A_1001 : vector<16xi32>
    %or3A_1003 = arith.constant 1065353216 : i32
    %or3A_1004 = vector.broadcast %or3A_1003 : i32 to vector<16xi32>
    %or3A_1005 = arith.ori %and3A_1002, %or3A_1004 : vector<16xi32>
    %bitcast_convert_type3A_1006 = tpu.bitcast %or3A_1005 : vector<16xi32> -> vector<16xf32>
    %gt3A_1007 = arith.constant 1.41421354 : f32
    %gt3A_1008 = vector.broadcast %gt3A_1007 : f32 to vector<16xf32>
    %gt3A_1009 = arith.cmpf ogt, %bitcast_convert_type3A_1006, %gt3A_1008 : vector<16xf32>
    %mul3A_1010 = arith.constant 5.000000e-01 : f32
    %mul3A_1011 = vector.broadcast %mul3A_1010 : f32 to vector<16xf32>
    %mul3A_1012 = arith.mulf %bitcast_convert_type3A_1006, %mul3A_1011 : vector<16xf32>
    %select_n3A_1013 = arith.select %gt3A_1009, %mul3A_1012, %bitcast_convert_type3A_1006 : vector<16xi1>, vector<16xf32>
    %add3A_1014 = arith.constant 1 : i32
    %add3A_1015 = vector.broadcast %add3A_1014 : i32 to vector<16xi32>
    %add3A_1016 = arith.addi %sub3A_999, %add3A_1015 : vector<16xi32>
    %select_n3A_1017 = arith.select %gt3A_1009, %add3A_1016, %sub3A_999 : vector<16xi1>, vector<16xi32>
    %sub3A_1018 = arith.constant 1.000000e+00 : f32
    %sub3A_1019 = vector.broadcast %sub3A_1018 : f32 to vector<16xf32>
    %sub3A_1020 = arith.subf %select_n3A_1013, %sub3A_1019 : vector<16xf32>
    %add3A_1021 = arith.constant 1.000000e+00 : f32
    %add3A_1022 = vector.broadcast %add3A_1021 : f32 to vector<16xf32>
    %add3A_1023 = arith.addf %select_n3A_1013, %add3A_1022 : vector<16xf32>
    %div3A_1024 = arith.divf %sub3A_1020, %add3A_1023 : vector<16xf32>
    %mul3A_1025 = arith.mulf %div3A_1024, %div3A_1024 : vector<16xf32>
    %mul3A_1026 = arith.constant 2.000000e+00 : f32
    %mul3A_1027 = vector.broadcast %mul3A_1026 : f32 to vector<16xf32>
    %mul3A_1028 = arith.mulf %mul3A_1027, %div3A_1024 : vector<16xf32>
    %mul3A_1029 = arith.constant 0.142857149 : f32
    %mul3A_1030 = vector.broadcast %mul3A_1029 : f32 to vector<16xf32>
    %mul3A_1031 = arith.mulf %mul3A_1025, %mul3A_1030 : vector<16xf32>
    %add3A_1032 = arith.constant 2.000000e-01 : f32
    %add3A_1033 = vector.broadcast %add3A_1032 : f32 to vector<16xf32>
    %add3A_1034 = arith.addf %add3A_1033, %mul3A_1031 : vector<16xf32>
    %mul3A_1035 = arith.mulf %mul3A_1025, %add3A_1034 : vector<16xf32>
    %add3A_1036 = arith.constant 0.333333343 : f32
    %add3A_1037 = vector.broadcast %add3A_1036 : f32 to vector<16xf32>
    %add3A_1038 = arith.addf %add3A_1037, %mul3A_1035 : vector<16xf32>
    %mul3A_1039 = arith.mulf %mul3A_1025, %add3A_1038 : vector<16xf32>
    %add3A_1040 = arith.constant 1.000000e+00 : f32
    %add3A_1041 = vector.broadcast %add3A_1040 : f32 to vector<16xf32>
    %add3A_1042 = arith.addf %add3A_1041, %mul3A_1039 : vector<16xf32>
    %mul3A_1043 = arith.mulf %mul3A_1028, %add3A_1042 : vector<16xf32>
    %convert_element_type3A_1044 = arith.sitofp %select_n3A_1017 : vector<16xi32> to vector<16xf32>
    %mul3A_1045 = arith.constant 0.693147182 : f32
    %mul3A_1046 = vector.broadcast %mul3A_1045 : f32 to vector<16xf32>
    %mul3A_1047 = arith.mulf %convert_element_type3A_1044, %mul3A_1046 : vector<16xf32>
    %add3A_1048 = arith.addf %mul3A_1047, %mul3A_1043 : vector<16xf32>
    %swap3A_1049 = arith.constant 80 : index
    %swap3A_1050 = tpu.vector_load %arg19[%swap3A_1049] {strides = array<i32>} : memref<112xf32, #tpu.memory_space<vmem>>, vector<16xf32>,
    tpu.vector_store %arg19[%swap3A_1049], %add3A_1048 {strides = array<i32>} : memref<112xf32, #tpu.memory_space<vmem>>, vector<16xf32>,
    %swap3A_1051 = arith.constant 80 : index
    %swap3A_1052 = tpu.vector_load %arg20[%swap3A_1051] {strides = array<i32>} : memref<112xf32, #tpu.memory_space<vmem>>, vector<16xf32>,
    tpu.vector_store %arg20[%swap3A_1051], %get3A_897 {strides = array<i32>} : memref<112xf32, #tpu.memory_space<vmem>>, vector<16xf32>,
    %get3A_1053 = arith.constant 0 : i32
    %get3A_1054 = arith.index_cast %get3A_1053 : i32 to index
    %get3A_1055 = arith.constant 96 : index
    %get3A_1056 = tpu.vector_load %arg9[%get3A_1054, %get3A_1055] {strides = array<i32>} : memref<5x112xf32, #tpu.memory_space<vmem>>, vector<16xf32>,
    %get3A_1057 = arith.constant 1 : i32
    %get3A_1058 = arith.index_cast %get3A_1057 : i32 to index
    %get3A_1059 = arith.constant 96 : index
    %get3A_1060 = tpu.vector_load %arg9[%get3A_1058, %get3A_1059] {strides = array<i32>} : memref<5x112xf32, #tpu.memory_space<vmem>>, vector<16xf32>,
    %get3A_1061 = arith.constant 2 : i32
    %get3A_1062 = arith.index_cast %get3A_1061 : i32 to index
    %get3A_1063 = arith.constant 96 : index
    %get3A_1064 = tpu.vector_load %arg9[%get3A_1062, %get3A_1063] {strides = array<i32>} : memref<5x112xf32, #tpu.memory_space<vmem>>, vector<16xf32>,
    %get3A_1065 = arith.constant 3 : i32
    %get3A_1066 = arith.index_cast %get3A_1065 : i32 to index
    %get3A_1067 = arith.constant 96 : index
    %get3A_1068 = tpu.vector_load %arg9[%get3A_1066, %get3A_1067] {strides = array<i32>} : memref<5x112xf32, #tpu.memory_space<vmem>>, vector<16xf32>,
    %get3A_1069 = arith.constant 4 : i32
    %get3A_1070 = arith.index_cast %get3A_1069 : i32 to index
    %get3A_1071 = arith.constant 96 : index
    %get3A_1072 = tpu.vector_load %arg9[%get3A_1070, %get3A_1071] {strides = array<i32>} : memref<5x112xf32, #tpu.memory_space<vmem>>, vector<16xf32>,
    %sub3A_1073 = arith.subf %get3A_1064, %get3A_1056 : vector<16xf32>
    %add3A_1074 = arith.constant 1.000000e+00 : f32
    %add3A_1075 = vector.broadcast %add3A_1074 : f32 to vector<16xf32>
    %add3A_1076 = arith.addf %sub3A_1073, %add3A_1075 : vector<16xf32>
    %sub3A_1077 = arith.subf %get3A_1068, %get3A_1060 : vector<16xf32>
    %add3A_1078 = arith.constant 1.000000e+00 : f32
    %add3A_1079 = vector.broadcast %add3A_1078 : f32 to vector<16xf32>
    %add3A_1080 = arith.addf %sub3A_1077, %add3A_1079 : vector<16xf32>
    %swap3A_1081 = arith.constant 96 : index
    %swap3A_1082 = tpu.vector_load %arg11[%swap3A_1081] {strides = array<i32>} : memref<112xf32, #tpu.memory_space<vmem>>, vector<16xf32>,
    tpu.vector_store %arg11[%swap3A_1081], %get3A_1056 {strides = array<i32>} : memref<112xf32, #tpu.memory_space<vmem>>, vector<16xf32>,
    %swap3A_1083 = arith.constant 96 : index
    %swap3A_1084 = tpu.vector_load %arg12[%swap3A_1083] {strides = array<i32>} : memref<112xf32, #tpu.memory_space<vmem>>, vector<16xf32>,
    tpu.vector_store %arg12[%swap3A_1083], %get3A_1060 {strides = array<i32>} : memref<112xf32, #tpu.memory_space<vmem>>, vector<16xf32>,
    %swap3A_1085 = arith.constant 96 : index
    %swap3A_1086 = tpu.vector_load %arg13[%swap3A_1085] {strides = array<i32>} : memref<112xf32, #tpu.memory_space<vmem>>, vector<16xf32>,
    tpu.vector_store %arg13[%swap3A_1085], %get3A_1064 {strides = array<i32>} : memref<112xf32, #tpu.memory_space<vmem>>, vector<16xf32>,
    %swap3A_1087 = arith.constant 96 : index
    %swap3A_1088 = tpu.vector_load %arg14[%swap3A_1087] {strides = array<i32>} : memref<112xf32, #tpu.memory_space<vmem>>, vector<16xf32>,
    tpu.vector_store %arg14[%swap3A_1087], %get3A_1068 {strides = array<i32>} : memref<112xf32, #tpu.memory_space<vmem>>, vector<16xf32>,
    %mul3A_1089 = arith.mulf %add3A_1076, %add3A_1080 : vector<16xf32>
    %swap3A_1090 = arith.constant 96 : index
    %swap3A_1091 = tpu.vector_load %arg15[%swap3A_1090] {strides = array<i32>} : memref<112xf32, #tpu.memory_space<vmem>>, vector<16xf32>,
    tpu.vector_store %arg15[%swap3A_1090], %mul3A_1089 {strides = array<i32>} : memref<112xf32, #tpu.memory_space<vmem>>, vector<16xf32>,
    %mul3A_1092 = arith.constant 5.000000e-01 : f32
    %mul3A_1093 = vector.broadcast %mul3A_1092 : f32 to vector<16xf32>
    %mul3A_1094 = arith.mulf %mul3A_1093, %add3A_1076 : vector<16xf32>
    %add3A_1095 = arith.addf %get3A_1056, %mul3A_1094 : vector<16xf32>
    %swap3A_1096 = arith.constant 96 : index
    %swap3A_1097 = tpu.vector_load %arg16[%swap3A_1096] {strides = array<i32>} : memref<112xf32, #tpu.memory_space<vmem>>, vector<16xf32>,
    tpu.vector_store %arg16[%swap3A_1096], %add3A_1095 {strides = array<i32>} : memref<112xf32, #tpu.memory_space<vmem>>, vector<16xf32>,
    %mul3A_1098 = arith.constant 5.000000e-01 : f32
    %mul3A_1099 = vector.broadcast %mul3A_1098 : f32 to vector<16xf32>
    %mul3A_1100 = arith.mulf %mul3A_1099, %add3A_1080 : vector<16xf32>
    %add3A_1101 = arith.addf %get3A_1060, %mul3A_1100 : vector<16xf32>
    %swap3A_1102 = arith.constant 96 : index
    %swap3A_1103 = tpu.vector_load %arg17[%swap3A_1102] {strides = array<i32>} : memref<112xf32, #tpu.memory_space<vmem>>, vector<16xf32>,
    tpu.vector_store %arg17[%swap3A_1102], %add3A_1101 {strides = array<i32>} : memref<112xf32, #tpu.memory_space<vmem>>, vector<16xf32>,
    %bitcast_convert_type3A_1104 = tpu.bitcast %add3A_1076 : vector<16xf32> -> vector<16xi32>
    %shift_right_arithmetic3A_1105 = arith.constant 23 : i32
    %shift_right_arithmetic3A_1106 = vector.broadcast %shift_right_arithmetic3A_1105 : i32 to vector<16xi32>
    %shift_right_arithmetic3A_1107 = arith.shrsi %bitcast_convert_type3A_1104, %shift_right_arithmetic3A_1106 : vector<16xi32>
    %and3A_1108 = arith.constant 255 : i32
    %and3A_1109 = vector.broadcast %and3A_1108 : i32 to vector<16xi32>
    %and3A_1110 = arith.andi %shift_right_arithmetic3A_1107, %and3A_1109 : vector<16xi32>
    %sub3A_1111 = arith.constant 127 : i32
    %sub3A_1112 = vector.broadcast %sub3A_1111 : i32 to vector<16xi32>
    %sub3A_1113 = arith.subi %and3A_1110, %sub3A_1112 : vector<16xi32>
    %and3A_1114 = arith.constant 8388607 : i32
    %and3A_1115 = vector.broadcast %and3A_1114 : i32 to vector<16xi32>
    %and3A_1116 = arith.andi %bitcast_convert_type3A_1104, %and3A_1115 : vector<16xi32>
    %or3A_1117 = arith.constant 1065353216 : i32
    %or3A_1118 = vector.broadcast %or3A_1117 : i32 to vector<16xi32>
    %or3A_1119 = arith.ori %and3A_1116, %or3A_1118 : vector<16xi32>
    %bitcast_convert_type3A_1120 = tpu.bitcast %or3A_1119 : vector<16xi32> -> vector<16xf32>
    %gt3A_1121 = arith.constant 1.41421354 : f32
    %gt3A_1122 = vector.broadcast %gt3A_1121 : f32 to vector<16xf32>
    %gt3A_1123 = arith.cmpf ogt, %bitcast_convert_type3A_1120, %gt3A_1122 : vector<16xf32>
    %mul3A_1124 = arith.constant 5.000000e-01 : f32
    %mul3A_1125 = vector.broadcast %mul3A_1124 : f32 to vector<16xf32>
    %mul3A_1126 = arith.mulf %bitcast_convert_type3A_1120, %mul3A_1125 : vector<16xf32>
    %select_n3A_1127 = arith.select %gt3A_1123, %mul3A_1126, %bitcast_convert_type3A_1120 : vector<16xi1>, vector<16xf32>
    %add3A_1128 = arith.constant 1 : i32
    %add3A_1129 = vector.broadcast %add3A_1128 : i32 to vector<16xi32>
    %add3A_1130 = arith.addi %sub3A_1113, %add3A_1129 : vector<16xi32>
    %select_n3A_1131 = arith.select %gt3A_1123, %add3A_1130, %sub3A_1113 : vector<16xi1>, vector<16xi32>
    %sub3A_1132 = arith.constant 1.000000e+00 : f32
    %sub3A_1133 = vector.broadcast %sub3A_1132 : f32 to vector<16xf32>
    %sub3A_1134 = arith.subf %select_n3A_1127, %sub3A_1133 : vector<16xf32>
    %add3A_1135 = arith.constant 1.000000e+00 : f32
    %add3A_1136 = vector.broadcast %add3A_1135 : f32 to vector<16xf32>
    %add3A_1137 = arith.addf %select_n3A_1127, %add3A_1136 : vector<16xf32>
    %div3A_1138 = arith.divf %sub3A_1134, %add3A_1137 : vector<16xf32>
    %mul3A_1139 = arith.mulf %div3A_1138, %div3A_1138 : vector<16xf32>
    %mul3A_1140 = arith.constant 2.000000e+00 : f32
    %mul3A_1141 = vector.broadcast %mul3A_1140 : f32 to vector<16xf32>
    %mul3A_1142 = arith.mulf %mul3A_1141, %div3A_1138 : vector<16xf32>
    %mul3A_1143 = arith.constant 0.142857149 : f32
    %mul3A_1144 = vector.broadcast %mul3A_1143 : f32 to vector<16xf32>
    %mul3A_1145 = arith.mulf %mul3A_1139, %mul3A_1144 : vector<16xf32>
    %add3A_1146 = arith.constant 2.000000e-01 : f32
    %add3A_1147 = vector.broadcast %add3A_1146 : f32 to vector<16xf32>
    %add3A_1148 = arith.addf %add3A_1147, %mul3A_1145 : vector<16xf32>
    %mul3A_1149 = arith.mulf %mul3A_1139, %add3A_1148 : vector<16xf32>
    %add3A_1150 = arith.constant 0.333333343 : f32
    %add3A_1151 = vector.broadcast %add3A_1150 : f32 to vector<16xf32>
    %add3A_1152 = arith.addf %add3A_1151, %mul3A_1149 : vector<16xf32>
    %mul3A_1153 = arith.mulf %mul3A_1139, %add3A_1152 : vector<16xf32>
    %add3A_1154 = arith.constant 1.000000e+00 : f32
    %add3A_1155 = vector.broadcast %add3A_1154 : f32 to vector<16xf32>
    %add3A_1156 = arith.addf %add3A_1155, %mul3A_1153 : vector<16xf32>
    %mul3A_1157 = arith.mulf %mul3A_1142, %add3A_1156 : vector<16xf32>
    %convert_element_type3A_1158 = arith.sitofp %select_n3A_1131 : vector<16xi32> to vector<16xf32>
    %mul3A_1159 = arith.constant 0.693147182 : f32
    %mul3A_1160 = vector.broadcast %mul3A_1159 : f32 to vector<16xf32>
    %mul3A_1161 = arith.mulf %convert_element_type3A_1158, %mul3A_1160 : vector<16xf32>
    %add3A_1162 = arith.addf %mul3A_1161, %mul3A_1157 : vector<16xf32>
    %swap3A_1163 = arith.constant 96 : index
    %swap3A_1164 = tpu.vector_load %arg18[%swap3A_1163] {strides = array<i32>} : memref<112xf32, #tpu.memory_space<vmem>>, vector<16xf32>,
    tpu.vector_store %arg18[%swap3A_1163], %add3A_1162 {strides = array<i32>} : memref<112xf32, #tpu.memory_space<vmem>>, vector<16xf32>,
    %bitcast_convert_type3A_1165 = tpu.bitcast %add3A_1080 : vector<16xf32> -> vector<16xi32>
    %shift_right_arithmetic3A_1166 = arith.constant 23 : i32
    %shift_right_arithmetic3A_1167 = vector.broadcast %shift_right_arithmetic3A_1166 : i32 to vector<16xi32>
    %shift_right_arithmetic3A_1168 = arith.shrsi %bitcast_convert_type3A_1165, %shift_right_arithmetic3A_1167 : vector<16xi32>
    %and3A_1169 = arith.constant 255 : i32
    %and3A_1170 = vector.broadcast %and3A_1169 : i32 to vector<16xi32>
    %and3A_1171 = arith.andi %shift_right_arithmetic3A_1168, %and3A_1170 : vector<16xi32>
    %sub3A_1172 = arith.constant 127 : i32
    %sub3A_1173 = vector.broadcast %sub3A_1172 : i32 to vector<16xi32>
    %sub3A_1174 = arith.subi %and3A_1171, %sub3A_1173 : vector<16xi32>
    %and3A_1175 = arith.constant 8388607 : i32
    %and3A_1176 = vector.broadcast %and3A_1175 : i32 to vector<16xi32>
    %and3A_1177 = arith.andi %bitcast_convert_type3A_1165, %and3A_1176 : vector<16xi32>
    %or3A_1178 = arith.constant 1065353216 : i32
    %or3A_1179 = vector.broadcast %or3A_1178 : i32 to vector<16xi32>
    %or3A_1180 = arith.ori %and3A_1177, %or3A_1179 : vector<16xi32>
    %bitcast_convert_type3A_1181 = tpu.bitcast %or3A_1180 : vector<16xi32> -> vector<16xf32>
    %gt3A_1182 = arith.constant 1.41421354 : f32
    %gt3A_1183 = vector.broadcast %gt3A_1182 : f32 to vector<16xf32>
    %gt3A_1184 = arith.cmpf ogt, %bitcast_convert_type3A_1181, %gt3A_1183 : vector<16xf32>
    %mul3A_1185 = arith.constant 5.000000e-01 : f32
    %mul3A_1186 = vector.broadcast %mul3A_1185 : f32 to vector<16xf32>
    %mul3A_1187 = arith.mulf %bitcast_convert_type3A_1181, %mul3A_1186 : vector<16xf32>
    %select_n3A_1188 = arith.select %gt3A_1184, %mul3A_1187, %bitcast_convert_type3A_1181 : vector<16xi1>, vector<16xf32>
    %add3A_1189 = arith.constant 1 : i32
    %add3A_1190 = vector.broadcast %add3A_1189 : i32 to vector<16xi32>
    %add3A_1191 = arith.addi %sub3A_1174, %add3A_1190 : vector<16xi32>
    %select_n3A_1192 = arith.select %gt3A_1184, %add3A_1191, %sub3A_1174 : vector<16xi1>, vector<16xi32>
    %sub3A_1193 = arith.constant 1.000000e+00 : f32
    %sub3A_1194 = vector.broadcast %sub3A_1193 : f32 to vector<16xf32>
    %sub3A_1195 = arith.subf %select_n3A_1188, %sub3A_1194 : vector<16xf32>
    %add3A_1196 = arith.constant 1.000000e+00 : f32
    %add3A_1197 = vector.broadcast %add3A_1196 : f32 to vector<16xf32>
    %add3A_1198 = arith.addf %select_n3A_1188, %add3A_1197 : vector<16xf32>
    %div3A_1199 = arith.divf %sub3A_1195, %add3A_1198 : vector<16xf32>
    %mul3A_1200 = arith.mulf %div3A_1199, %div3A_1199 : vector<16xf32>
    %mul3A_1201 = arith.constant 2.000000e+00 : f32
    %mul3A_1202 = vector.broadcast %mul3A_1201 : f32 to vector<16xf32>
    %mul3A_1203 = arith.mulf %mul3A_1202, %div3A_1199 : vector<16xf32>
    %mul3A_1204 = arith.constant 0.142857149 : f32
    %mul3A_1205 = vector.broadcast %mul3A_1204 : f32 to vector<16xf32>
    %mul3A_1206 = arith.mulf %mul3A_1200, %mul3A_1205 : vector<16xf32>
    %add3A_1207 = arith.constant 2.000000e-01 : f32
    %add3A_1208 = vector.broadcast %add3A_1207 : f32 to vector<16xf32>
    %add3A_1209 = arith.addf %add3A_1208, %mul3A_1206 : vector<16xf32>
    %mul3A_1210 = arith.mulf %mul3A_1200, %add3A_1209 : vector<16xf32>
    %add3A_1211 = arith.constant 0.333333343 : f32
    %add3A_1212 = vector.broadcast %add3A_1211 : f32 to vector<16xf32>
    %add3A_1213 = arith.addf %add3A_1212, %mul3A_1210 : vector<16xf32>
    %mul3A_1214 = arith.mulf %mul3A_1200, %add3A_1213 : vector<16xf32>
    %add3A_1215 = arith.constant 1.000000e+00 : f32
    %add3A_1216 = vector.broadcast %add3A_1215 : f32 to vector<16xf32>
    %add3A_1217 = arith.addf %add3A_1216, %mul3A_1214 : vector<16xf32>
    %mul3A_1218 = arith.mulf %mul3A_1203, %add3A_1217 : vector<16xf32>
    %convert_element_type3A_1219 = arith.sitofp %select_n3A_1192 : vector<16xi32> to vector<16xf32>
    %mul3A_1220 = arith.constant 0.693147182 : f32
    %mul3A_1221 = vector.broadcast %mul3A_1220 : f32 to vector<16xf32>
    %mul3A_1222 = arith.mulf %convert_element_type3A_1219, %mul3A_1221 : vector<16xf32>
    %add3A_1223 = arith.addf %mul3A_1222, %mul3A_1218 : vector<16xf32>
    %swap3A_1224 = arith.constant 96 : index
    %swap3A_1225 = tpu.vector_load %arg19[%swap3A_1224] {strides = array<i32>} : memref<112xf32, #tpu.memory_space<vmem>>, vector<16xf32>,
    tpu.vector_store %arg19[%swap3A_1224], %add3A_1223 {strides = array<i32>} : memref<112xf32, #tpu.memory_space<vmem>>, vector<16xf32>,
    %swap3A_1226 = arith.constant 96 : index
    %swap3A_1227 = tpu.vector_load %arg20[%swap3A_1226] {strides = array<i32>} : memref<112xf32, #tpu.memory_space<vmem>>, vector<16xf32>,
    tpu.vector_store %arg20[%swap3A_1226], %get3A_1072 {strides = array<i32>} : memref<112xf32, #tpu.memory_space<vmem>>, vector<16xf32>,
    %scan3A = arith.constant 0 : i32
    %scan3A_1228 = arith.constant 0 : i32
    %scan3A_1229 = arith.constant 9 : i32
    %scan3A_1230 = arith.addi %scan3A_1228, %scan3A_1229 : i32
    %scan3A_1231 = arith.constant 1 : i32
    %scan3A_1232 = scf.for %scan3A_1282 = %scan3A_1228 to %scan3A_1230 step %scan3A_1231 iter_args(%scan3A_1283 = %scan3A) -> (i32)  : i32 {
      %mul3A_1284 = arith.constant 2 : i32
      %mul3A_1285 = arith.muli %scan3A_1282, %mul3A_1284 : i32
      %add3A_1286 = arith.constant 0 : i32
      %add3A_1287 = arith.addi %mul3A_1285, %add3A_1286 : i32
      %mul3A_1288 = arith.constant 16 : i32
      %mul3A_1289 = arith.muli %add3A_1287, %mul3A_1288 : i32
      %get3A_1290 = arith.constant 0 : i32
      %get3A_1291 = arith.index_cast %get3A_1290 : i32 to index
      %get3A_1292 = arith.index_cast %mul3A_1289 : i32 to index
      %get3A_1293 = tpu.vector_load %arg8[%get3A_1291, %get3A_1292] {strides = array<i32>} : memref<12x288xf32, #tpu.memory_space<vmem>>, vector<16xf32>,
      %get3A_1294 = arith.constant 1 : i32
      %get3A_1295 = arith.index_cast %get3A_1294 : i32 to index
      %get3A_1296 = arith.index_cast %mul3A_1289 : i32 to index
      %get3A_1297 = tpu.vector_load %arg8[%get3A_1295, %get3A_1296] {strides = array<i32>} : memref<12x288xf32, #tpu.memory_space<vmem>>, vector<16xf32>,
      %get3A_1298 = arith.constant 2 : i32
      %get3A_1299 = arith.index_cast %get3A_1298 : i32 to index
      %get3A_1300 = arith.index_cast %mul3A_1289 : i32 to index
      %get3A_1301 = tpu.vector_load %arg8[%get3A_1299, %get3A_1300] {strides = array<i32>} : memref<12x288xf32, #tpu.memory_space<vmem>>, vector<16xf32>,
      %get3A_1302 = arith.constant 3 : i32
      %get3A_1303 = arith.index_cast %get3A_1302 : i32 to index
      %get3A_1304 = arith.index_cast %mul3A_1289 : i32 to index
      %get3A_1305 = tpu.vector_load %arg8[%get3A_1303, %get3A_1304] {strides = array<i32>} : memref<12x288xf32, #tpu.memory_space<vmem>>, vector<16xf32>,
      %get3A_1306 = arith.constant 4 : i32
      %get3A_1307 = arith.index_cast %get3A_1306 : i32 to index
      %get3A_1308 = arith.index_cast %mul3A_1289 : i32 to index
      %get3A_1309 = tpu.vector_load %arg8[%get3A_1307, %get3A_1308] {strides = array<i32>} : memref<12x288xf32, #tpu.memory_space<vmem>>, vector<16xf32>,
      %mul3A_1310 = arith.constant 2 : i32
      %mul3A_1311 = arith.muli %scan3A_1282, %mul3A_1310 : i32
      %add3A_1312 = arith.constant 1 : i32
      %add3A_1313 = arith.addi %mul3A_1311, %add3A_1312 : i32
      %mul3A_1314 = arith.constant 16 : i32
      %mul3A_1315 = arith.muli %add3A_1313, %mul3A_1314 : i32
      %get3A_1316 = arith.constant 0 : i32
      %get3A_1317 = arith.index_cast %get3A_1316 : i32 to index
      %get3A_1318 = arith.index_cast %mul3A_1315 : i32 to index
      %get3A_1319 = tpu.vector_load %arg8[%get3A_1317, %get3A_1318] {strides = array<i32>} : memref<12x288xf32, #tpu.memory_space<vmem>>, vector<16xf32>,
      %get3A_1320 = arith.constant 1 : i32
      %get3A_1321 = arith.index_cast %get3A_1320 : i32 to index
      %get3A_1322 = arith.index_cast %mul3A_1315 : i32 to index
      %get3A_1323 = tpu.vector_load %arg8[%get3A_1321, %get3A_1322] {strides = array<i32>} : memref<12x288xf32, #tpu.memory_space<vmem>>, vector<16xf32>,
      %get3A_1324 = arith.constant 2 : i32
      %get3A_1325 = arith.index_cast %get3A_1324 : i32 to index
      %get3A_1326 = arith.index_cast %mul3A_1315 : i32 to index
      %get3A_1327 = tpu.vector_load %arg8[%get3A_1325, %get3A_1326] {strides = array<i32>} : memref<12x288xf32, #tpu.memory_space<vmem>>, vector<16xf32>,
      %get3A_1328 = arith.constant 3 : i32
      %get3A_1329 = arith.index_cast %get3A_1328 : i32 to index
      %get3A_1330 = arith.index_cast %mul3A_1315 : i32 to index
      %get3A_1331 = tpu.vector_load %arg8[%get3A_1329, %get3A_1330] {strides = array<i32>} : memref<12x288xf32, #tpu.memory_space<vmem>>, vector<16xf32>,
      %get3A_1332 = arith.constant 4 : i32
      %get3A_1333 = arith.index_cast %get3A_1332 : i32 to index
      %get3A_1334 = arith.index_cast %mul3A_1315 : i32 to index
      %get3A_1335 = tpu.vector_load %arg8[%get3A_1333, %get3A_1334] {strides = array<i32>} : memref<12x288xf32, #tpu.memory_space<vmem>>, vector<16xf32>,
      %broadcast_in_dim3A_1336 = arith.constant -1.000000e+00 : f32
      %broadcast_in_dim3A_1337 = vector.broadcast %broadcast_in_dim3A_1336 : f32 to vector<16xf32>
      %broadcast_in_dim3A_1338 = arith.constant -1.000000e+00 : f32
      %broadcast_in_dim3A_1339 = vector.broadcast %broadcast_in_dim3A_1338 : f32 to vector<16xf32>
      %broadcast_in_dim3A_1340 = arith.constant 1.000000e+00 : f32
      %broadcast_in_dim3A_1341 = vector.broadcast %broadcast_in_dim3A_1340 : f32 to vector<16xf32>
      %broadcast_in_dim3A_1342 = arith.constant 1.000000e+00 : f32
      %broadcast_in_dim3A_1343 = vector.broadcast %broadcast_in_dim3A_1342 : f32 to vector<16xf32>
      %broadcast_in_dim3A_1344 = arith.constant 0 : i32
      %broadcast_in_dim3A_1345 = vector.broadcast %broadcast_in_dim3A_1344 : i32 to vector<16xi32>
      %broadcast_in_dim3A_1346 = arith.constant 0 : i32
      %broadcast_in_dim3A_1347 = vector.broadcast %broadcast_in_dim3A_1346 : i32 to vector<16xi32>
      %scan3A_1348 = arith.constant 0 : i32
      %scan3A_1349 = arith.constant 50 : i32
      %scan3A_1350 = arith.addi %scan3A_1348, %scan3A_1349 : i32
      %scan3A_1351 = arith.constant 1 : i32
      %scan3A_1352:6 = scf.for %scan3A_1822 = %scan3A_1348 to %scan3A_1350 step %scan3A_1351 iter_args(%scan3A_1823 = %broadcast_in_dim3A_1337, %scan3A_1824 = %broadcast_in_dim3A_1339, %scan3A_1825 = %broadcast_in_dim3A_1341, %scan3A_1826 = %broadcast_in_dim3A_1343, %scan3A_1827 = %broadcast_in_dim3A_1345, %scan3A_1828 = %broadcast_in_dim3A_1347) -> (vector<16xf32>, vector<16xf32>, vector<16xf32>, vector<16xf32>, vector<16xi32>, vector<16xi32>)  : i32 {
        %mul3A_1829 = arith.constant 2 : i32
        %mul3A_1830 = arith.muli %scan3A_1822, %mul3A_1829 : i32
        %add3A_1831 = arith.constant 0 : i32
        %add3A_1832 = arith.addi %mul3A_1830, %add3A_1831 : i32
        %broadcast_in_dim3A_1833 = vector.broadcast %add3A_1832 : i32 to vector<16xi32>
        %gather3A_1834 = tpu.vector_load_idx %arg11[%broadcast_in_dim3A_1833] : memref<112xf32, #tpu.memory_space<vmem>>[vector<16xi32>], vector<16xf32>,
        %gather3A_1835 = tpu.vector_load_idx %arg12[%broadcast_in_dim3A_1833] : memref<112xf32, #tpu.memory_space<vmem>>[vector<16xi32>], vector<16xf32>,
        %gather3A_1836 = tpu.vector_load_idx %arg13[%broadcast_in_dim3A_1833] : memref<112xf32, #tpu.memory_space<vmem>>[vector<16xi32>], vector<16xf32>,
        %gather3A_1837 = tpu.vector_load_idx %arg14[%broadcast_in_dim3A_1833] : memref<112xf32, #tpu.memory_space<vmem>>[vector<16xi32>], vector<16xf32>,
        %gather3A_1838 = tpu.vector_load_idx %arg15[%broadcast_in_dim3A_1833] : memref<112xf32, #tpu.memory_space<vmem>>[vector<16xi32>], vector<16xf32>,
        %min3A = arith.minimumf %get3A_1301, %gather3A_1836 : vector<16xf32>
        %max3A = arith.maximumf %get3A_1293, %gather3A_1834 : vector<16xf32>
        %sub3A_1839 = arith.subf %min3A, %max3A : vector<16xf32>
        %add3A_1840 = arith.constant 1.000000e+00 : f32
        %add3A_1841 = vector.broadcast %add3A_1840 : f32 to vector<16xf32>
        %add3A_1842 = arith.addf %sub3A_1839, %add3A_1841 : vector<16xf32>
        %min3A_1843 = arith.minimumf %get3A_1305, %gather3A_1837 : vector<16xf32>
        %max3A_1844 = arith.maximumf %get3A_1297, %gather3A_1835 : vector<16xf32>
        %sub3A_1845 = arith.subf %min3A_1843, %max3A_1844 : vector<16xf32>
        %add3A_1846 = arith.constant 1.000000e+00 : f32
        %add3A_1847 = vector.broadcast %add3A_1846 : f32 to vector<16xf32>
        %add3A_1848 = arith.addf %sub3A_1845, %add3A_1847 : vector<16xf32>
        %max3A_1849 = arith.constant 0.000000e+00 : f32
        %max3A_1850 = vector.broadcast %max3A_1849 : f32 to vector<16xf32>
        %max3A_1851 = arith.maximumf %add3A_1842, %max3A_1850 : vector<16xf32>
        %max3A_1852 = arith.constant 0.000000e+00 : f32
        %max3A_1853 = vector.broadcast %max3A_1852 : f32 to vector<16xf32>
        %max3A_1854 = arith.maximumf %add3A_1848, %max3A_1853 : vector<16xf32>
        %mul3A_1855 = arith.mulf %max3A_1851, %max3A_1854 : vector<16xf32>
        %add3A_1856 = arith.addf %get3A_1309, %gather3A_1838 : vector<16xf32>
        %sub3A_1857 = arith.subf %add3A_1856, %mul3A_1855 : vector<16xf32>
        %mul3A_1858 = arith.mulf %mul3A_1855, %scan3A_1825 : vector<16xf32>
        %mul3A_1859 = arith.mulf %scan3A_1823, %sub3A_1857 : vector<16xf32>
        %gt3A_1860 = arith.cmpf ogt, %mul3A_1858, %mul3A_1859 : vector<16xf32>
        %select_n3A_1861 = arith.select %gt3A_1860, %mul3A_1855, %scan3A_1823 : vector<16xi1>, vector<16xf32>
        %select_n3A_1862 = arith.select %gt3A_1860, %sub3A_1857, %scan3A_1825 : vector<16xi1>, vector<16xf32>
        %select_n3A_1863 = arith.select %gt3A_1860, %broadcast_in_dim3A_1833, %scan3A_1827 : vector<16xi1>, vector<16xi32>
        %min3A_1864 = arith.minimumf %get3A_1327, %gather3A_1836 : vector<16xf32>
        %max3A_1865 = arith.maximumf %get3A_1319, %gather3A_1834 : vector<16xf32>
        %sub3A_1866 = arith.subf %min3A_1864, %max3A_1865 : vector<16xf32>
        %add3A_1867 = arith.constant 1.000000e+00 : f32
        %add3A_1868 = vector.broadcast %add3A_1867 : f32 to vector<16xf32>
        %add3A_1869 = arith.addf %sub3A_1866, %add3A_1868 : vector<16xf32>
        %min3A_1870 = arith.minimumf %get3A_1331, %gather3A_1837 : vector<16xf32>
        %max3A_1871 = arith.maximumf %get3A_1323, %gather3A_1835 : vector<16xf32>
        %sub3A_1872 = arith.subf %min3A_1870, %max3A_1871 : vector<16xf32>
        %add3A_1873 = arith.constant 1.000000e+00 : f32
        %add3A_1874 = vector.broadcast %add3A_1873 : f32 to vector<16xf32>
        %add3A_1875 = arith.addf %sub3A_1872, %add3A_1874 : vector<16xf32>
        %max3A_1876 = arith.constant 0.000000e+00 : f32
        %max3A_1877 = vector.broadcast %max3A_1876 : f32 to vector<16xf32>
        %max3A_1878 = arith.maximumf %add3A_1869, %max3A_1877 : vector<16xf32>
        %max3A_1879 = arith.constant 0.000000e+00 : f32
        %max3A_1880 = vector.broadcast %max3A_1879 : f32 to vector<16xf32>
        %max3A_1881 = arith.maximumf %add3A_1875, %max3A_1880 : vector<16xf32>
        %mul3A_1882 = arith.mulf %max3A_1878, %max3A_1881 : vector<16xf32>
        %add3A_1883 = arith.addf %get3A_1335, %gather3A_1838 : vector<16xf32>
        %sub3A_1884 = arith.subf %add3A_1883, %mul3A_1882 : vector<16xf32>
        %mul3A_1885 = arith.mulf %mul3A_1882, %scan3A_1826 : vector<16xf32>
        %mul3A_1886 = arith.mulf %scan3A_1824, %sub3A_1884 : vector<16xf32>
        %gt3A_1887 = arith.cmpf ogt, %mul3A_1885, %mul3A_1886 : vector<16xf32>
        %select_n3A_1888 = arith.select %gt3A_1887, %mul3A_1882, %scan3A_1824 : vector<16xi1>, vector<16xf32>
        %select_n3A_1889 = arith.select %gt3A_1887, %sub3A_1884, %scan3A_1826 : vector<16xi1>, vector<16xf32>
        %select_n3A_1890 = arith.select %gt3A_1887, %broadcast_in_dim3A_1833, %scan3A_1828 : vector<16xi1>, vector<16xi32>
        %mul3A_1891 = arith.constant 2 : i32
        %mul3A_1892 = arith.muli %scan3A_1822, %mul3A_1891 : i32
        %add3A_1893 = arith.constant 1 : i32
        %add3A_1894 = arith.addi %mul3A_1892, %add3A_1893 : i32
        %broadcast_in_dim3A_1895 = vector.broadcast %add3A_1894 : i32 to vector<16xi32>
        %gather3A_1896 = tpu.vector_load_idx %arg11[%broadcast_in_dim3A_1895] : memref<112xf32, #tpu.memory_space<vmem>>[vector<16xi32>], vector<16xf32>,
        %gather3A_1897 = tpu.vector_load_idx %arg12[%broadcast_in_dim3A_1895] : memref<112xf32, #tpu.memory_space<vmem>>[vector<16xi32>], vector<16xf32>,
        %gather3A_1898 = tpu.vector_load_idx %arg13[%broadcast_in_dim3A_1895] : memref<112xf32, #tpu.memory_space<vmem>>[vector<16xi32>], vector<16xf32>,
        %gather3A_1899 = tpu.vector_load_idx %arg14[%broadcast_in_dim3A_1895] : memref<112xf32, #tpu.memory_space<vmem>>[vector<16xi32>], vector<16xf32>,
        %gather3A_1900 = tpu.vector_load_idx %arg15[%broadcast_in_dim3A_1895] : memref<112xf32, #tpu.memory_space<vmem>>[vector<16xi32>], vector<16xf32>,
        %min3A_1901 = arith.minimumf %get3A_1301, %gather3A_1898 : vector<16xf32>
        %max3A_1902 = arith.maximumf %get3A_1293, %gather3A_1896 : vector<16xf32>
        %sub3A_1903 = arith.subf %min3A_1901, %max3A_1902 : vector<16xf32>
        %add3A_1904 = arith.constant 1.000000e+00 : f32
        %add3A_1905 = vector.broadcast %add3A_1904 : f32 to vector<16xf32>
        %add3A_1906 = arith.addf %sub3A_1903, %add3A_1905 : vector<16xf32>
        %min3A_1907 = arith.minimumf %get3A_1305, %gather3A_1899 : vector<16xf32>
        %max3A_1908 = arith.maximumf %get3A_1297, %gather3A_1897 : vector<16xf32>
        %sub3A_1909 = arith.subf %min3A_1907, %max3A_1908 : vector<16xf32>
        %add3A_1910 = arith.constant 1.000000e+00 : f32
        %add3A_1911 = vector.broadcast %add3A_1910 : f32 to vector<16xf32>
        %add3A_1912 = arith.addf %sub3A_1909, %add3A_1911 : vector<16xf32>
        %max3A_1913 = arith.constant 0.000000e+00 : f32
        %max3A_1914 = vector.broadcast %max3A_1913 : f32 to vector<16xf32>
        %max3A_1915 = arith.maximumf %add3A_1906, %max3A_1914 : vector<16xf32>
        %max3A_1916 = arith.constant 0.000000e+00 : f32
        %max3A_1917 = vector.broadcast %max3A_1916 : f32 to vector<16xf32>
        %max3A_1918 = arith.maximumf %add3A_1912, %max3A_1917 : vector<16xf32>
        %mul3A_1919 = arith.mulf %max3A_1915, %max3A_1918 : vector<16xf32>
        %add3A_1920 = arith.addf %get3A_1309, %gather3A_1900 : vector<16xf32>
        %sub3A_1921 = arith.subf %add3A_1920, %mul3A_1919 : vector<16xf32>
        %mul3A_1922 = arith.mulf %mul3A_1919, %select_n3A_1862 : vector<16xf32>
        %mul3A_1923 = arith.mulf %select_n3A_1861, %sub3A_1921 : vector<16xf32>
        %gt3A_1924 = arith.cmpf ogt, %mul3A_1922, %mul3A_1923 : vector<16xf32>
        %select_n3A_1925 = arith.select %gt3A_1924, %mul3A_1919, %select_n3A_1861 : vector<16xi1>, vector<16xf32>
        %select_n3A_1926 = arith.select %gt3A_1924, %sub3A_1921, %select_n3A_1862 : vector<16xi1>, vector<16xf32>
        %select_n3A_1927 = arith.select %gt3A_1924, %broadcast_in_dim3A_1895, %select_n3A_1863 : vector<16xi1>, vector<16xi32>
        %min3A_1928 = arith.minimumf %get3A_1327, %gather3A_1898 : vector<16xf32>
        %max3A_1929 = arith.maximumf %get3A_1319, %gather3A_1896 : vector<16xf32>
        %sub3A_1930 = arith.subf %min3A_1928, %max3A_1929 : vector<16xf32>
        %add3A_1931 = arith.constant 1.000000e+00 : f32
        %add3A_1932 = vector.broadcast %add3A_1931 : f32 to vector<16xf32>
        %add3A_1933 = arith.addf %sub3A_1930, %add3A_1932 : vector<16xf32>
        %min3A_1934 = arith.minimumf %get3A_1331, %gather3A_1899 : vector<16xf32>
        %max3A_1935 = arith.maximumf %get3A_1323, %gather3A_1897 : vector<16xf32>
        %sub3A_1936 = arith.subf %min3A_1934, %max3A_1935 : vector<16xf32>
        %add3A_1937 = arith.constant 1.000000e+00 : f32
        %add3A_1938 = vector.broadcast %add3A_1937 : f32 to vector<16xf32>
        %add3A_1939 = arith.addf %sub3A_1936, %add3A_1938 : vector<16xf32>
        %max3A_1940 = arith.constant 0.000000e+00 : f32
        %max3A_1941 = vector.broadcast %max3A_1940 : f32 to vector<16xf32>
        %max3A_1942 = arith.maximumf %add3A_1933, %max3A_1941 : vector<16xf32>
        %max3A_1943 = arith.constant 0.000000e+00 : f32
        %max3A_1944 = vector.broadcast %max3A_1943 : f32 to vector<16xf32>
        %max3A_1945 = arith.maximumf %add3A_1939, %max3A_1944 : vector<16xf32>
        %mul3A_1946 = arith.mulf %max3A_1942, %max3A_1945 : vector<16xf32>
        %add3A_1947 = arith.addf %get3A_1335, %gather3A_1900 : vector<16xf32>
        %sub3A_1948 = arith.subf %add3A_1947, %mul3A_1946 : vector<16xf32>
        %mul3A_1949 = arith.mulf %mul3A_1946, %select_n3A_1889 : vector<16xf32>
        %mul3A_1950 = arith.mulf %select_n3A_1888, %sub3A_1948 : vector<16xf32>
        %gt3A_1951 = arith.cmpf ogt, %mul3A_1949, %mul3A_1950 : vector<16xf32>
        %select_n3A_1952 = arith.select %gt3A_1951, %mul3A_1946, %select_n3A_1888 : vector<16xi1>, vector<16xf32>
        %select_n3A_1953 = arith.select %gt3A_1951, %sub3A_1948, %select_n3A_1889 : vector<16xi1>, vector<16xf32>
        %select_n3A_1954 = arith.select %gt3A_1951, %broadcast_in_dim3A_1895, %select_n3A_1890 : vector<16xi1>, vector<16xi32>
        scf.yield %select_n3A_1925, %select_n3A_1952, %select_n3A_1926, %select_n3A_1953, %select_n3A_1927, %select_n3A_1954 : vector<16xf32>, vector<16xf32>, vector<16xf32>, vector<16xf32>, vector<16xi32>, vector<16xi32>
      }
      %scan3A_1353 = arith.constant 50 : i32
      %mul3A_1354 = arith.constant 2 : i32
      %mul3A_1355 = arith.muli %scan3A_1282, %mul3A_1354 : i32
      %add3A_1356 = arith.constant 0 : i32
      %add3A_1357 = arith.addi %mul3A_1355, %add3A_1356 : i32
      %mul3A_1358 = arith.constant 16 : i32
      %mul3A_1359 = arith.muli %add3A_1357, %mul3A_1358 : i32
      %div3A_1360 = arith.divf %scan3A_1352#0, %scan3A_1352#2 : vector<16xf32>
      %gather3A = tpu.vector_load_idx %arg16[%scan3A_1352#4] : memref<112xf32, #tpu.memory_space<vmem>>[vector<16xi32>], vector<16xf32>,
      %gather3A_1361 = tpu.vector_load_idx %arg17[%scan3A_1352#4] : memref<112xf32, #tpu.memory_space<vmem>>[vector<16xi32>], vector<16xf32>,
      %gather3A_1362 = tpu.vector_load_idx %arg18[%scan3A_1352#4] : memref<112xf32, #tpu.memory_space<vmem>>[vector<16xi32>], vector<16xf32>,
      %gather3A_1363 = tpu.vector_load_idx %arg19[%scan3A_1352#4] : memref<112xf32, #tpu.memory_space<vmem>>[vector<16xi32>], vector<16xf32>,
      %gather3A_1364 = tpu.vector_load_idx %arg20[%scan3A_1352#4] : memref<112xf32, #tpu.memory_space<vmem>>[vector<16xi32>], vector<16xf32>,
      %broadcast_in_dim3A_1365 = arith.constant -2.000000e+00 : f32
      %broadcast_in_dim3A_1366 = vector.broadcast %broadcast_in_dim3A_1365 : f32 to vector<16xf32>
      %lt3A = arith.constant 4.000000e-01 : f32
      %lt3A_1367 = vector.broadcast %lt3A : f32 to vector<16xf32>
      %lt3A_1368 = arith.cmpf olt, %div3A_1360, %lt3A_1367 : vector<16xf32>
      %jit3A = arith.constant -1.000000e+00 : f32
      %broadcast_in_dim3A_1369 = vector.broadcast %jit3A : f32 to vector<16xf32>
      %select_n3A_1370 = arith.select %lt3A_1368, %broadcast_in_dim3A_1369, %broadcast_in_dim3A_1366 : vector<16xi1>, vector<16xf32>
      %ge3A = arith.constant 5.000000e-01 : f32
      %ge3A_1371 = vector.broadcast %ge3A : f32 to vector<16xf32>
      %ge3A_1372 = arith.cmpf oge, %div3A_1360, %ge3A_1371 : vector<16xf32>
      %jit3A_1373 = arith.constant 1.000000e+00 : f32
      %broadcast_in_dim3A_1374 = vector.broadcast %jit3A_1373 : f32 to vector<16xf32>
      %select_n3A_1375 = arith.select %ge3A_1372, %broadcast_in_dim3A_1374, %select_n3A_1370 : vector<16xi1>, vector<16xf32>
      %get3A_1376 = arith.constant 11 : i32
      %get3A_1377 = arith.index_cast %get3A_1376 : i32 to index
      %get3A_1378 = arith.index_cast %mul3A_1359 : i32 to index
      %get3A_1379 = tpu.vector_load %arg8[%get3A_1377, %get3A_1378] {strides = array<i32>} : memref<12x288xf32, #tpu.memory_space<vmem>>, vector<16xf32>,
      %gt3A_1380 = arith.constant 0.000000e+00 : f32
      %gt3A_1381 = vector.broadcast %gt3A_1380 : f32 to vector<16xf32>
      %gt3A_1382 = arith.cmpf ogt, %get3A_1379, %gt3A_1381 : vector<16xf32>
      %lt3A_1383 = arith.cmpf olt, %get3A_1301, %get3A_12 : vector<16xf32>
      %and3A_1384 = arith.andi %gt3A_1382, %lt3A_1383 : vector<16xi1>
      %lt3A_1385 = arith.cmpf olt, %get3A_1305, %get3A_8 : vector<16xf32>
      %and3A_1386 = arith.andi %and3A_1384, %lt3A_1385 : vector<16xi1>
      %jit3A_1387 = arith.constant -2.000000e+00 : f32
      %broadcast_in_dim3A_1388 = vector.broadcast %jit3A_1387 : f32 to vector<16xf32>
      %select_n3A_1389 = arith.select %and3A_1386, %select_n3A_1375, %broadcast_in_dim3A_1388 : vector<16xi1>, vector<16xf32>
      %eq3A = arith.constant 1.000000e+00 : f32
      %eq3A_1390 = vector.broadcast %eq3A : f32 to vector<16xf32>
      %eq3A_1391 = arith.cmpf oeq, %select_n3A_1389, %eq3A_1390 : vector<16xf32>
      %select_n3A_1392 = arith.select %eq3A_1391, %gather3A_1364, %select_n3A_1389 : vector<16xi1>, vector<16xf32>
      %get3A_1393 = arith.constant 5 : i32
      %get3A_1394 = arith.index_cast %get3A_1393 : i32 to index
      %get3A_1395 = arith.index_cast %mul3A_1359 : i32 to index
      %get3A_1396 = tpu.vector_load %arg8[%get3A_1394, %get3A_1395] {strides = array<i32>} : memref<12x288xf32, #tpu.memory_space<vmem>>, vector<16xf32>,
      %sub3A_1397 = arith.subf %gather3A, %get3A_1396 : vector<16xf32>
      %get3A_1398 = arith.constant 7 : i32
      %get3A_1399 = arith.index_cast %get3A_1398 : i32 to index
      %get3A_1400 = arith.index_cast %mul3A_1359 : i32 to index
      %get3A_1401 = tpu.vector_load %arg8[%get3A_1399, %get3A_1400] {strides = array<i32>} : memref<12x288xf32, #tpu.memory_space<vmem>>, vector<16xf32>,
      %mul3A_1402 = arith.mulf %sub3A_1397, %get3A_1401 : vector<16xf32>
      %get3A_1403 = arith.constant 6 : i32
      %get3A_1404 = arith.index_cast %get3A_1403 : i32 to index
      %get3A_1405 = arith.index_cast %mul3A_1359 : i32 to index
      %get3A_1406 = tpu.vector_load %arg8[%get3A_1404, %get3A_1405] {strides = array<i32>} : memref<12x288xf32, #tpu.memory_space<vmem>>, vector<16xf32>,
      %sub3A_1407 = arith.subf %gather3A_1361, %get3A_1406 : vector<16xf32>
      %get3A_1408 = arith.constant 8 : i32
      %get3A_1409 = arith.index_cast %get3A_1408 : i32 to index
      %get3A_1410 = arith.index_cast %mul3A_1359 : i32 to index
      %get3A_1411 = tpu.vector_load %arg8[%get3A_1409, %get3A_1410] {strides = array<i32>} : memref<12x288xf32, #tpu.memory_space<vmem>>, vector<16xf32>,
      %mul3A_1412 = arith.mulf %sub3A_1407, %get3A_1411 : vector<16xf32>
      %get3A_1413 = arith.constant 9 : i32
      %get3A_1414 = arith.index_cast %get3A_1413 : i32 to index
      %get3A_1415 = arith.index_cast %mul3A_1359 : i32 to index
      %get3A_1416 = tpu.vector_load %arg8[%get3A_1414, %get3A_1415] {strides = array<i32>} : memref<12x288xf32, #tpu.memory_space<vmem>>, vector<16xf32>,
      %sub3A_1417 = arith.subf %gather3A_1362, %get3A_1416 : vector<16xf32>
      %get3A_1418 = arith.constant 10 : i32
      %get3A_1419 = arith.index_cast %get3A_1418 : i32 to index
      %get3A_1420 = arith.index_cast %mul3A_1359 : i32 to index
      %get3A_1421 = tpu.vector_load %arg8[%get3A_1419, %get3A_1420] {strides = array<i32>} : memref<12x288xf32, #tpu.memory_space<vmem>>, vector<16xf32>,
      %sub3A_1422 = arith.subf %gather3A_1363, %get3A_1421 : vector<16xf32>
      %swap3A_1423 = arith.index_cast %mul3A_1359 : i32 to index
      %swap3A_1424 = tpu.vector_load %arg21[%swap3A_1423] {strides = array<i32>} : memref<288xf32, #tpu.memory_space<vmem>>, vector<16xf32>,
      tpu.vector_store %arg21[%swap3A_1423], %select_n3A_1392 {strides = array<i32>} : memref<288xf32, #tpu.memory_space<vmem>>, vector<16xf32>,
      %mul3A_1425 = arith.constant 16 : i32
      %mul3A_1426 = arith.muli %add3A_1357, %mul3A_1425 : i32
      %add3A_1427 = vector.broadcast %mul3A_1426 : i32 to vector<16xi32>
      %add3A_1428 = arith.addi %add3A_1427, %iota3A : vector<16xi32>
      %mul3A_1429 = arith.constant 16 : i32
      %mul3A_1430 = arith.muli %add3A_1357, %mul3A_1429 : i32
      %add3A_1431 = arith.constant 0 : i32
      %add3A_1432 = arith.addi %add3A_1431, %mul3A_1430 : i32
      %swap3A_1433 = arith.index_cast %add3A_1432 : i32 to index
      %swap3A_1434 = tpu.vector_load %arg22[%swap3A_1433] {strides = array<i32>} : memref<1152xf32, #tpu.memory_space<vmem>>, vector<16xf32>,
      tpu.vector_store %arg22[%swap3A_1433], %mul3A_1402 {strides = array<i32>} : memref<1152xf32, #tpu.memory_space<vmem>>, vector<16xf32>,
      %mul3A_1435 = arith.constant 16 : i32
      %mul3A_1436 = arith.muli %add3A_1357, %mul3A_1435 : i32
      %add3A_1437 = arith.constant 288 : i32
      %add3A_1438 = arith.addi %add3A_1437, %mul3A_1436 : i32
      %swap3A_1439 = arith.index_cast %add3A_1438 : i32 to index
      %swap3A_1440 = tpu.vector_load %arg22[%swap3A_1439] {strides = array<i32>} : memref<1152xf32, #tpu.memory_space<vmem>>, vector<16xf32>,
      tpu.vector_store %arg22[%swap3A_1439], %mul3A_1412 {strides = array<i32>} : memref<1152xf32, #tpu.memory_space<vmem>>, vector<16xf32>,
      %mul3A_1441 = arith.constant 16 : i32
      %mul3A_1442 = arith.muli %add3A_1357, %mul3A_1441 : i32
      %add3A_1443 = arith.constant 576 : i32
      %add3A_1444 = arith.addi %add3A_1443, %mul3A_1442 : i32
      %swap3A_1445 = arith.index_cast %add3A_1444 : i32 to index
      %swap3A_1446 = tpu.vector_load %arg22[%swap3A_1445] {strides = array<i32>} : memref<1152xf32, #tpu.memory_space<vmem>>, vector<16xf32>,
      tpu.vector_store %arg22[%swap3A_1445], %sub3A_1417 {strides = array<i32>} : memref<1152xf32, #tpu.memory_space<vmem>>, vector<16xf32>,
      %mul3A_1447 = arith.constant 16 : i32
      %mul3A_1448 = arith.muli %add3A_1357, %mul3A_1447 : i32
      %add3A_1449 = arith.constant 864 : i32
      %add3A_1450 = arith.addi %add3A_1449, %mul3A_1448 : i32
      %swap3A_1451 = arith.index_cast %add3A_1450 : i32 to index
      %swap3A_1452 = tpu.vector_load %arg22[%swap3A_1451] {strides = array<i32>} : memref<1152xf32, #tpu.memory_space<vmem>>, vector<16xf32>,
      tpu.vector_store %arg22[%swap3A_1451], %sub3A_1422 {strides = array<i32>} : memref<1152xf32, #tpu.memory_space<vmem>>, vector<16xf32>,
      %mul3A_1453 = arith.constant 16 : i32
      %mul3A_1454 = arith.muli %add3A_1357, %mul3A_1453 : i32
      %add3A_1455 = arith.constant 0 : i32
      %add3A_1456 = arith.addi %add3A_1455, %mul3A_1454 : i32
      %swap3A_1457 = arith.index_cast %add3A_1456 : i32 to index
      %swap3A_1458 = tpu.vector_load %arg23[%swap3A_1457] {strides = array<i32>} : memref<5760xf32, #tpu.memory_space<vmem>>, vector<16xf32>,
      tpu.vector_store %arg23[%swap3A_1457], %broadcast_in_dim3A_3 {strides = array<i32>} : memref<5760xf32, #tpu.memory_space<vmem>>, vector<16xf32>,
      %mul3A_1459 = arith.constant 16 : i32
      %mul3A_1460 = arith.muli %add3A_1357, %mul3A_1459 : i32
      %add3A_1461 = arith.constant 288 : i32
      %add3A_1462 = arith.addi %add3A_1461, %mul3A_1460 : i32
      %swap3A_1463 = arith.index_cast %add3A_1462 : i32 to index
      %swap3A_1464 = tpu.vector_load %arg23[%swap3A_1463] {strides = array<i32>} : memref<5760xf32, #tpu.memory_space<vmem>>, vector<16xf32>,
      tpu.vector_store %arg23[%swap3A_1463], %broadcast_in_dim3A_3 {strides = array<i32>} : memref<5760xf32, #tpu.memory_space<vmem>>, vector<16xf32>,
      %mul3A_1465 = arith.constant 16 : i32
      %mul3A_1466 = arith.muli %add3A_1357, %mul3A_1465 : i32
      %add3A_1467 = arith.constant 576 : i32
      %add3A_1468 = arith.addi %add3A_1467, %mul3A_1466 : i32
      %swap3A_1469 = arith.index_cast %add3A_1468 : i32 to index
      %swap3A_1470 = tpu.vector_load %arg23[%swap3A_1469] {strides = array<i32>} : memref<5760xf32, #tpu.memory_space<vmem>>, vector<16xf32>,
      tpu.vector_store %arg23[%swap3A_1469], %broadcast_in_dim3A_3 {strides = array<i32>} : memref<5760xf32, #tpu.memory_space<vmem>>, vector<16xf32>,
      %mul3A_1471 = arith.constant 16 : i32
      %mul3A_1472 = arith.muli %add3A_1357, %mul3A_1471 : i32
      %add3A_1473 = arith.constant 864 : i32
      %add3A_1474 = arith.addi %add3A_1473, %mul3A_1472 : i32
      %swap3A_1475 = arith.index_cast %add3A_1474 : i32 to index
      %swap3A_1476 = tpu.vector_load %arg23[%swap3A_1475] {strides = array<i32>} : memref<5760xf32, #tpu.memory_space<vmem>>, vector<16xf32>,
      tpu.vector_store %arg23[%swap3A_1475], %broadcast_in_dim3A_3 {strides = array<i32>} : memref<5760xf32, #tpu.memory_space<vmem>>, vector<16xf32>,
      %mul3A_1477 = arith.constant 16 : i32
      %mul3A_1478 = arith.muli %add3A_1357, %mul3A_1477 : i32
      %add3A_1479 = arith.constant 1152 : i32
      %add3A_1480 = arith.addi %add3A_1479, %mul3A_1478 : i32
      %swap3A_1481 = arith.index_cast %add3A_1480 : i32 to index
      %swap3A_1482 = tpu.vector_load %arg23[%swap3A_1481] {strides = array<i32>} : memref<5760xf32, #tpu.memory_space<vmem>>, vector<16xf32>,
      tpu.vector_store %arg23[%swap3A_1481], %broadcast_in_dim3A_3 {strides = array<i32>} : memref<5760xf32, #tpu.memory_space<vmem>>, vector<16xf32>,
      %mul3A_1483 = arith.constant 16 : i32
      %mul3A_1484 = arith.muli %add3A_1357, %mul3A_1483 : i32
      %add3A_1485 = arith.constant 1440 : i32
      %add3A_1486 = arith.addi %add3A_1485, %mul3A_1484 : i32
      %swap3A_1487 = arith.index_cast %add3A_1486 : i32 to index
      %swap3A_1488 = tpu.vector_load %arg23[%swap3A_1487] {strides = array<i32>} : memref<5760xf32, #tpu.memory_space<vmem>>, vector<16xf32>,
      tpu.vector_store %arg23[%swap3A_1487], %broadcast_in_dim3A_3 {strides = array<i32>} : memref<5760xf32, #tpu.memory_space<vmem>>, vector<16xf32>,
      %mul3A_1489 = arith.constant 16 : i32
      %mul3A_1490 = arith.muli %add3A_1357, %mul3A_1489 : i32
      %add3A_1491 = arith.constant 1728 : i32
      %add3A_1492 = arith.addi %add3A_1491, %mul3A_1490 : i32
      %swap3A_1493 = arith.index_cast %add3A_1492 : i32 to index
      %swap3A_1494 = tpu.vector_load %arg23[%swap3A_1493] {strides = array<i32>} : memref<5760xf32, #tpu.memory_space<vmem>>, vector<16xf32>,
      tpu.vector_store %arg23[%swap3A_1493], %broadcast_in_dim3A_3 {strides = array<i32>} : memref<5760xf32, #tpu.memory_space<vmem>>, vector<16xf32>,
      %mul3A_1495 = arith.constant 16 : i32
      %mul3A_1496 = arith.muli %add3A_1357, %mul3A_1495 : i32
      %add3A_1497 = arith.constant 2016 : i32
      %add3A_1498 = arith.addi %add3A_1497, %mul3A_1496 : i32
      %swap3A_1499 = arith.index_cast %add3A_1498 : i32 to index
      %swap3A_1500 = tpu.vector_load %arg23[%swap3A_1499] {strides = array<i32>} : memref<5760xf32, #tpu.memory_space<vmem>>, vector<16xf32>,
      tpu.vector_store %arg23[%swap3A_1499], %broadcast_in_dim3A_3 {strides = array<i32>} : memref<5760xf32, #tpu.memory_space<vmem>>, vector<16xf32>,
      %mul3A_1501 = arith.constant 16 : i32
      %mul3A_1502 = arith.muli %add3A_1357, %mul3A_1501 : i32
      %add3A_1503 = arith.constant 2304 : i32
      %add3A_1504 = arith.addi %add3A_1503, %mul3A_1502 : i32
      %swap3A_1505 = arith.index_cast %add3A_1504 : i32 to index
      %swap3A_1506 = tpu.vector_load %arg23[%swap3A_1505] {strides = array<i32>} : memref<5760xf32, #tpu.memory_space<vmem>>, vector<16xf32>,
      tpu.vector_store %arg23[%swap3A_1505], %broadcast_in_dim3A_3 {strides = array<i32>} : memref<5760xf32, #tpu.memory_space<vmem>>, vector<16xf32>,
      %mul3A_1507 = arith.constant 16 : i32
      %mul3A_1508 = arith.muli %add3A_1357, %mul3A_1507 : i32
      %add3A_1509 = arith.constant 2592 : i32
      %add3A_1510 = arith.addi %add3A_1509, %mul3A_1508 : i32
      %swap3A_1511 = arith.index_cast %add3A_1510 : i32 to index
      %swap3A_1512 = tpu.vector_load %arg23[%swap3A_1511] {strides = array<i32>} : memref<5760xf32, #tpu.memory_space<vmem>>, vector<16xf32>,
      tpu.vector_store %arg23[%swap3A_1511], %broadcast_in_dim3A_3 {strides = array<i32>} : memref<5760xf32, #tpu.memory_space<vmem>>, vector<16xf32>,
      %mul3A_1513 = arith.constant 16 : i32
      %mul3A_1514 = arith.muli %add3A_1357, %mul3A_1513 : i32
      %add3A_1515 = arith.constant 2880 : i32
      %add3A_1516 = arith.addi %add3A_1515, %mul3A_1514 : i32
      %swap3A_1517 = arith.index_cast %add3A_1516 : i32 to index
      %swap3A_1518 = tpu.vector_load %arg23[%swap3A_1517] {strides = array<i32>} : memref<5760xf32, #tpu.memory_space<vmem>>, vector<16xf32>,
      tpu.vector_store %arg23[%swap3A_1517], %broadcast_in_dim3A_3 {strides = array<i32>} : memref<5760xf32, #tpu.memory_space<vmem>>, vector<16xf32>,
      %mul3A_1519 = arith.constant 16 : i32
      %mul3A_1520 = arith.muli %add3A_1357, %mul3A_1519 : i32
      %add3A_1521 = arith.constant 3168 : i32
      %add3A_1522 = arith.addi %add3A_1521, %mul3A_1520 : i32
      %swap3A_1523 = arith.index_cast %add3A_1522 : i32 to index
      %swap3A_1524 = tpu.vector_load %arg23[%swap3A_1523] {strides = array<i32>} : memref<5760xf32, #tpu.memory_space<vmem>>, vector<16xf32>,
      tpu.vector_store %arg23[%swap3A_1523], %broadcast_in_dim3A_3 {strides = array<i32>} : memref<5760xf32, #tpu.memory_space<vmem>>, vector<16xf32>,
      %mul3A_1525 = arith.constant 16 : i32
      %mul3A_1526 = arith.muli %add3A_1357, %mul3A_1525 : i32
      %add3A_1527 = arith.constant 3456 : i32
      %add3A_1528 = arith.addi %add3A_1527, %mul3A_1526 : i32
      %swap3A_1529 = arith.index_cast %add3A_1528 : i32 to index
      %swap3A_1530 = tpu.vector_load %arg23[%swap3A_1529] {strides = array<i32>} : memref<5760xf32, #tpu.memory_space<vmem>>, vector<16xf32>,
      tpu.vector_store %arg23[%swap3A_1529], %broadcast_in_dim3A_3 {strides = array<i32>} : memref<5760xf32, #tpu.memory_space<vmem>>, vector<16xf32>,
      %mul3A_1531 = arith.constant 16 : i32
      %mul3A_1532 = arith.muli %add3A_1357, %mul3A_1531 : i32
      %add3A_1533 = arith.constant 3744 : i32
      %add3A_1534 = arith.addi %add3A_1533, %mul3A_1532 : i32
      %swap3A_1535 = arith.index_cast %add3A_1534 : i32 to index
      %swap3A_1536 = tpu.vector_load %arg23[%swap3A_1535] {strides = array<i32>} : memref<5760xf32, #tpu.memory_space<vmem>>, vector<16xf32>,
      tpu.vector_store %arg23[%swap3A_1535], %broadcast_in_dim3A_3 {strides = array<i32>} : memref<5760xf32, #tpu.memory_space<vmem>>, vector<16xf32>,
      %mul3A_1537 = arith.constant 16 : i32
      %mul3A_1538 = arith.muli %add3A_1357, %mul3A_1537 : i32
      %add3A_1539 = arith.constant 4032 : i32
      %add3A_1540 = arith.addi %add3A_1539, %mul3A_1538 : i32
      %swap3A_1541 = arith.index_cast %add3A_1540 : i32 to index
      %swap3A_1542 = tpu.vector_load %arg23[%swap3A_1541] {strides = array<i32>} : memref<5760xf32, #tpu.memory_space<vmem>>, vector<16xf32>,
      tpu.vector_store %arg23[%swap3A_1541], %broadcast_in_dim3A_3 {strides = array<i32>} : memref<5760xf32, #tpu.memory_space<vmem>>, vector<16xf32>,
      %mul3A_1543 = arith.constant 16 : i32
      %mul3A_1544 = arith.muli %add3A_1357, %mul3A_1543 : i32
      %add3A_1545 = arith.constant 4320 : i32
      %add3A_1546 = arith.addi %add3A_1545, %mul3A_1544 : i32
      %swap3A_1547 = arith.index_cast %add3A_1546 : i32 to index
      %swap3A_1548 = tpu.vector_load %arg23[%swap3A_1547] {strides = array<i32>} : memref<5760xf32, #tpu.memory_space<vmem>>, vector<16xf32>,
      tpu.vector_store %arg23[%swap3A_1547], %broadcast_in_dim3A_3 {strides = array<i32>} : memref<5760xf32, #tpu.memory_space<vmem>>, vector<16xf32>,
      %mul3A_1549 = arith.constant 16 : i32
      %mul3A_1550 = arith.muli %add3A_1357, %mul3A_1549 : i32
      %add3A_1551 = arith.constant 4608 : i32
      %add3A_1552 = arith.addi %add3A_1551, %mul3A_1550 : i32
      %swap3A_1553 = arith.index_cast %add3A_1552 : i32 to index
      %swap3A_1554 = tpu.vector_load %arg23[%swap3A_1553] {strides = array<i32>} : memref<5760xf32, #tpu.memory_space<vmem>>, vector<16xf32>,
      tpu.vector_store %arg23[%swap3A_1553], %broadcast_in_dim3A_3 {strides = array<i32>} : memref<5760xf32, #tpu.memory_space<vmem>>, vector<16xf32>,
      %mul3A_1555 = arith.constant 16 : i32
      %mul3A_1556 = arith.muli %add3A_1357, %mul3A_1555 : i32
      %add3A_1557 = arith.constant 4896 : i32
      %add3A_1558 = arith.addi %add3A_1557, %mul3A_1556 : i32
      %swap3A_1559 = arith.index_cast %add3A_1558 : i32 to index
      %swap3A_1560 = tpu.vector_load %arg23[%swap3A_1559] {strides = array<i32>} : memref<5760xf32, #tpu.memory_space<vmem>>, vector<16xf32>,
      tpu.vector_store %arg23[%swap3A_1559], %broadcast_in_dim3A_3 {strides = array<i32>} : memref<5760xf32, #tpu.memory_space<vmem>>, vector<16xf32>,
      %mul3A_1561 = arith.constant 16 : i32
      %mul3A_1562 = arith.muli %add3A_1357, %mul3A_1561 : i32
      %add3A_1563 = arith.constant 5184 : i32
      %add3A_1564 = arith.addi %add3A_1563, %mul3A_1562 : i32
      %swap3A_1565 = arith.index_cast %add3A_1564 : i32 to index
      %swap3A_1566 = tpu.vector_load %arg23[%swap3A_1565] {strides = array<i32>} : memref<5760xf32, #tpu.memory_space<vmem>>, vector<16xf32>,
      tpu.vector_store %arg23[%swap3A_1565], %broadcast_in_dim3A_3 {strides = array<i32>} : memref<5760xf32, #tpu.memory_space<vmem>>, vector<16xf32>,
      %mul3A_1567 = arith.constant 16 : i32
      %mul3A_1568 = arith.muli %add3A_1357, %mul3A_1567 : i32
      %add3A_1569 = arith.constant 5472 : i32
      %add3A_1570 = arith.addi %add3A_1569, %mul3A_1568 : i32
      %swap3A_1571 = arith.index_cast %add3A_1570 : i32 to index
      %swap3A_1572 = tpu.vector_load %arg23[%swap3A_1571] {strides = array<i32>} : memref<5760xf32, #tpu.memory_space<vmem>>, vector<16xf32>,
      tpu.vector_store %arg23[%swap3A_1571], %broadcast_in_dim3A_3 {strides = array<i32>} : memref<5760xf32, #tpu.memory_space<vmem>>, vector<16xf32>,
      %convert_element_type3A_1573 = arith.fptosi %select_n3A_1392 : vector<16xf32> to vector<16xi32>
      %ge3A_1574 = arith.constant 0 : i32
      %ge3A_1575 = vector.broadcast %ge3A_1574 : i32 to vector<16xi32>
      %ge3A_1576 = arith.cmpi sge, %convert_element_type3A_1573, %ge3A_1575 : vector<16xi32>
      %lt3A_1577 = arith.constant 20 : i32
      %lt3A_1578 = vector.broadcast %lt3A_1577 : i32 to vector<16xi32>
      %lt3A_1579 = arith.cmpi slt, %convert_element_type3A_1573, %lt3A_1578 : vector<16xi32>
      %and3A_1580 = arith.andi %ge3A_1576, %lt3A_1579 : vector<16xi1>
      %mul3A_1581 = arith.constant 288 : i32
      %mul3A_1582 = vector.broadcast %mul3A_1581 : i32 to vector<16xi32>
      %mul3A_1583 = arith.muli %convert_element_type3A_1573, %mul3A_1582 : vector<16xi32>
      %add3A_1584 = arith.addi %mul3A_1583, %add3A_1428 : vector<16xi32>
      tpu.vector_store_idx %arg23[%add3A_1584], %broadcast_in_dim3A_5 masked %and3A_1580 : memref<5760xf32, #tpu.memory_space<vmem>>[vector<16xi32>], vector<16xf32>, vector<16xi1>
      %mul3A_1585 = arith.constant 2 : i32
      %mul3A_1586 = arith.muli %scan3A_1282, %mul3A_1585 : i32
      %add3A_1587 = arith.constant 1 : i32
      %add3A_1588 = arith.addi %mul3A_1586, %add3A_1587 : i32
      %mul3A_1589 = arith.constant 16 : i32
      %mul3A_1590 = arith.muli %add3A_1588, %mul3A_1589 : i32
      %div3A_1591 = arith.divf %scan3A_1352#1, %scan3A_1352#3 : vector<16xf32>
      %gather3A_1592 = tpu.vector_load_idx %arg16[%scan3A_1352#5] : memref<112xf32, #tpu.memory_space<vmem>>[vector<16xi32>], vector<16xf32>,
      %gather3A_1593 = tpu.vector_load_idx %arg17[%scan3A_1352#5] : memref<112xf32, #tpu.memory_space<vmem>>[vector<16xi32>], vector<16xf32>,
      %gather3A_1594 = tpu.vector_load_idx %arg18[%scan3A_1352#5] : memref<112xf32, #tpu.memory_space<vmem>>[vector<16xi32>], vector<16xf32>,
      %gather3A_1595 = tpu.vector_load_idx %arg19[%scan3A_1352#5] : memref<112xf32, #tpu.memory_space<vmem>>[vector<16xi32>], vector<16xf32>,
      %gather3A_1596 = tpu.vector_load_idx %arg20[%scan3A_1352#5] : memref<112xf32, #tpu.memory_space<vmem>>[vector<16xi32>], vector<16xf32>,
      %broadcast_in_dim3A_1597 = arith.constant -2.000000e+00 : f32
      %broadcast_in_dim3A_1598 = vector.broadcast %broadcast_in_dim3A_1597 : f32 to vector<16xf32>
      %lt3A_1599 = arith.constant 4.000000e-01 : f32
      %lt3A_1600 = vector.broadcast %lt3A_1599 : f32 to vector<16xf32>
      %lt3A_1601 = arith.cmpf olt, %div3A_1591, %lt3A_1600 : vector<16xf32>
      %jit3A_1602 = arith.constant -1.000000e+00 : f32
      %broadcast_in_dim3A_1603 = vector.broadcast %jit3A_1602 : f32 to vector<16xf32>
      %select_n3A_1604 = arith.select %lt3A_1601, %broadcast_in_dim3A_1603, %broadcast_in_dim3A_1598 : vector<16xi1>, vector<16xf32>
      %ge3A_1605 = arith.constant 5.000000e-01 : f32
      %ge3A_1606 = vector.broadcast %ge3A_1605 : f32 to vector<16xf32>
      %ge3A_1607 = arith.cmpf oge, %div3A_1591, %ge3A_1606 : vector<16xf32>
      %jit3A_1608 = arith.constant 1.000000e+00 : f32
      %broadcast_in_dim3A_1609 = vector.broadcast %jit3A_1608 : f32 to vector<16xf32>
      %select_n3A_1610 = arith.select %ge3A_1607, %broadcast_in_dim3A_1609, %select_n3A_1604 : vector<16xi1>, vector<16xf32>
      %get3A_1611 = arith.constant 11 : i32
      %get3A_1612 = arith.index_cast %get3A_1611 : i32 to index
      %get3A_1613 = arith.index_cast %mul3A_1590 : i32 to index
      %get3A_1614 = tpu.vector_load %arg8[%get3A_1612, %get3A_1613] {strides = array<i32>} : memref<12x288xf32, #tpu.memory_space<vmem>>, vector<16xf32>,
      %gt3A_1615 = arith.constant 0.000000e+00 : f32
      %gt3A_1616 = vector.broadcast %gt3A_1615 : f32 to vector<16xf32>
      %gt3A_1617 = arith.cmpf ogt, %get3A_1614, %gt3A_1616 : vector<16xf32>
      %lt3A_1618 = arith.cmpf olt, %get3A_1327, %get3A_12 : vector<16xf32>
      %and3A_1619 = arith.andi %gt3A_1617, %lt3A_1618 : vector<16xi1>
      %lt3A_1620 = arith.cmpf olt, %get3A_1331, %get3A_8 : vector<16xf32>
      %and3A_1621 = arith.andi %and3A_1619, %lt3A_1620 : vector<16xi1>
      %jit3A_1622 = arith.constant -2.000000e+00 : f32
      %broadcast_in_dim3A_1623 = vector.broadcast %jit3A_1622 : f32 to vector<16xf32>
      %select_n3A_1624 = arith.select %and3A_1621, %select_n3A_1610, %broadcast_in_dim3A_1623 : vector<16xi1>, vector<16xf32>
      %eq3A_1625 = arith.constant 1.000000e+00 : f32
      %eq3A_1626 = vector.broadcast %eq3A_1625 : f32 to vector<16xf32>
      %eq3A_1627 = arith.cmpf oeq, %select_n3A_1624, %eq3A_1626 : vector<16xf32>
      %select_n3A_1628 = arith.select %eq3A_1627, %gather3A_1596, %select_n3A_1624 : vector<16xi1>, vector<16xf32>
      %get3A_1629 = arith.constant 5 : i32
      %get3A_1630 = arith.index_cast %get3A_1629 : i32 to index
      %get3A_1631 = arith.index_cast %mul3A_1590 : i32 to index
      %get3A_1632 = tpu.vector_load %arg8[%get3A_1630, %get3A_1631] {strides = array<i32>} : memref<12x288xf32, #tpu.memory_space<vmem>>, vector<16xf32>,
      %sub3A_1633 = arith.subf %gather3A_1592, %get3A_1632 : vector<16xf32>
      %get3A_1634 = arith.constant 7 : i32
      %get3A_1635 = arith.index_cast %get3A_1634 : i32 to index
      %get3A_1636 = arith.index_cast %mul3A_1590 : i32 to index
      %get3A_1637 = tpu.vector_load %arg8[%get3A_1635, %get3A_1636] {strides = array<i32>} : memref<12x288xf32, #tpu.memory_space<vmem>>, vector<16xf32>,
      %mul3A_1638 = arith.mulf %sub3A_1633, %get3A_1637 : vector<16xf32>
      %get3A_1639 = arith.constant 6 : i32
      %get3A_1640 = arith.index_cast %get3A_1639 : i32 to index
      %get3A_1641 = arith.index_cast %mul3A_1590 : i32 to index
      %get3A_1642 = tpu.vector_load %arg8[%get3A_1640, %get3A_1641] {strides = array<i32>} : memref<12x288xf32, #tpu.memory_space<vmem>>, vector<16xf32>,
      %sub3A_1643 = arith.subf %gather3A_1593, %get3A_1642 : vector<16xf32>
      %get3A_1644 = arith.constant 8 : i32
      %get3A_1645 = arith.index_cast %get3A_1644 : i32 to index
      %get3A_1646 = arith.index_cast %mul3A_1590 : i32 to index
      %get3A_1647 = tpu.vector_load %arg8[%get3A_1645, %get3A_1646] {strides = array<i32>} : memref<12x288xf32, #tpu.memory_space<vmem>>, vector<16xf32>,
      %mul3A_1648 = arith.mulf %sub3A_1643, %get3A_1647 : vector<16xf32>
      %get3A_1649 = arith.constant 9 : i32
      %get3A_1650 = arith.index_cast %get3A_1649 : i32 to index
      %get3A_1651 = arith.index_cast %mul3A_1590 : i32 to index
      %get3A_1652 = tpu.vector_load %arg8[%get3A_1650, %get3A_1651] {strides = array<i32>} : memref<12x288xf32, #tpu.memory_space<vmem>>, vector<16xf32>,
      %sub3A_1653 = arith.subf %gather3A_1594, %get3A_1652 : vector<16xf32>
      %get3A_1654 = arith.constant 10 : i32
      %get3A_1655 = arith.index_cast %get3A_1654 : i32 to index
      %get3A_1656 = arith.index_cast %mul3A_1590 : i32 to index
      %get3A_1657 = tpu.vector_load %arg8[%get3A_1655, %get3A_1656] {strides = array<i32>} : memref<12x288xf32, #tpu.memory_space<vmem>>, vector<16xf32>,
      %sub3A_1658 = arith.subf %gather3A_1595, %get3A_1657 : vector<16xf32>
      %swap3A_1659 = arith.index_cast %mul3A_1590 : i32 to index
      %swap3A_1660 = tpu.vector_load %arg21[%swap3A_1659] {strides = array<i32>} : memref<288xf32, #tpu.memory_space<vmem>>, vector<16xf32>,
      tpu.vector_store %arg21[%swap3A_1659], %select_n3A_1628 {strides = array<i32>} : memref<288xf32, #tpu.memory_space<vmem>>, vector<16xf32>,
      %mul3A_1661 = arith.constant 16 : i32
      %mul3A_1662 = arith.muli %add3A_1588, %mul3A_1661 : i32
      %add3A_1663 = vector.broadcast %mul3A_1662 : i32 to vector<16xi32>
      %add3A_1664 = arith.addi %add3A_1663, %iota3A : vector<16xi32>
      %mul3A_1665 = arith.constant 16 : i32
      %mul3A_1666 = arith.muli %add3A_1588, %mul3A_1665 : i32
      %add3A_1667 = arith.constant 0 : i32
      %add3A_1668 = arith.addi %add3A_1667, %mul3A_1666 : i32
      %swap3A_1669 = arith.index_cast %add3A_1668 : i32 to index
      %swap3A_1670 = tpu.vector_load %arg22[%swap3A_1669] {strides = array<i32>} : memref<1152xf32, #tpu.memory_space<vmem>>, vector<16xf32>,
      tpu.vector_store %arg22[%swap3A_1669], %mul3A_1638 {strides = array<i32>} : memref<1152xf32, #tpu.memory_space<vmem>>, vector<16xf32>,
      %mul3A_1671 = arith.constant 16 : i32
      %mul3A_1672 = arith.muli %add3A_1588, %mul3A_1671 : i32
      %add3A_1673 = arith.constant 288 : i32
      %add3A_1674 = arith.addi %add3A_1673, %mul3A_1672 : i32
      %swap3A_1675 = arith.index_cast %add3A_1674 : i32 to index
      %swap3A_1676 = tpu.vector_load %arg22[%swap3A_1675] {strides = array<i32>} : memref<1152xf32, #tpu.memory_space<vmem>>, vector<16xf32>,
      tpu.vector_store %arg22[%swap3A_1675], %mul3A_1648 {strides = array<i32>} : memref<1152xf32, #tpu.memory_space<vmem>>, vector<16xf32>,
      %mul3A_1677 = arith.constant 16 : i32
      %mul3A_1678 = arith.muli %add3A_1588, %mul3A_1677 : i32
      %add3A_1679 = arith.constant 576 : i32
      %add3A_1680 = arith.addi %add3A_1679, %mul3A_1678 : i32
      %swap3A_1681 = arith.index_cast %add3A_1680 : i32 to index
      %swap3A_1682 = tpu.vector_load %arg22[%swap3A_1681] {strides = array<i32>} : memref<1152xf32, #tpu.memory_space<vmem>>, vector<16xf32>,
      tpu.vector_store %arg22[%swap3A_1681], %sub3A_1653 {strides = array<i32>} : memref<1152xf32, #tpu.memory_space<vmem>>, vector<16xf32>,
      %mul3A_1683 = arith.constant 16 : i32
      %mul3A_1684 = arith.muli %add3A_1588, %mul3A_1683 : i32
      %add3A_1685 = arith.constant 864 : i32
      %add3A_1686 = arith.addi %add3A_1685, %mul3A_1684 : i32
      %swap3A_1687 = arith.index_cast %add3A_1686 : i32 to index
      %swap3A_1688 = tpu.vector_load %arg22[%swap3A_1687] {strides = array<i32>} : memref<1152xf32, #tpu.memory_space<vmem>>, vector<16xf32>,
      tpu.vector_store %arg22[%swap3A_1687], %sub3A_1658 {strides = array<i32>} : memref<1152xf32, #tpu.memory_space<vmem>>, vector<16xf32>,
      %mul3A_1689 = arith.constant 16 : i32
      %mul3A_1690 = arith.muli %add3A_1588, %mul3A_1689 : i32
      %add3A_1691 = arith.constant 0 : i32
      %add3A_1692 = arith.addi %add3A_1691, %mul3A_1690 : i32
      %swap3A_1693 = arith.index_cast %add3A_1692 : i32 to index
      %swap3A_1694 = tpu.vector_load %arg23[%swap3A_1693] {strides = array<i32>} : memref<5760xf32, #tpu.memory_space<vmem>>, vector<16xf32>,
      tpu.vector_store %arg23[%swap3A_1693], %broadcast_in_dim3A_3 {strides = array<i32>} : memref<5760xf32, #tpu.memory_space<vmem>>, vector<16xf32>,
      %mul3A_1695 = arith.constant 16 : i32
      %mul3A_1696 = arith.muli %add3A_1588, %mul3A_1695 : i32
      %add3A_1697 = arith.constant 288 : i32
      %add3A_1698 = arith.addi %add3A_1697, %mul3A_1696 : i32
      %swap3A_1699 = arith.index_cast %add3A_1698 : i32 to index
      %swap3A_1700 = tpu.vector_load %arg23[%swap3A_1699] {strides = array<i32>} : memref<5760xf32, #tpu.memory_space<vmem>>, vector<16xf32>,
      tpu.vector_store %arg23[%swap3A_1699], %broadcast_in_dim3A_3 {strides = array<i32>} : memref<5760xf32, #tpu.memory_space<vmem>>, vector<16xf32>,
      %mul3A_1701 = arith.constant 16 : i32
      %mul3A_1702 = arith.muli %add3A_1588, %mul3A_1701 : i32
      %add3A_1703 = arith.constant 576 : i32
      %add3A_1704 = arith.addi %add3A_1703, %mul3A_1702 : i32
      %swap3A_1705 = arith.index_cast %add3A_1704 : i32 to index
      %swap3A_1706 = tpu.vector_load %arg23[%swap3A_1705] {strides = array<i32>} : memref<5760xf32, #tpu.memory_space<vmem>>, vector<16xf32>,
      tpu.vector_store %arg23[%swap3A_1705], %broadcast_in_dim3A_3 {strides = array<i32>} : memref<5760xf32, #tpu.memory_space<vmem>>, vector<16xf32>,
      %mul3A_1707 = arith.constant 16 : i32
      %mul3A_1708 = arith.muli %add3A_1588, %mul3A_1707 : i32
      %add3A_1709 = arith.constant 864 : i32
      %add3A_1710 = arith.addi %add3A_1709, %mul3A_1708 : i32
      %swap3A_1711 = arith.index_cast %add3A_1710 : i32 to index
      %swap3A_1712 = tpu.vector_load %arg23[%swap3A_1711] {strides = array<i32>} : memref<5760xf32, #tpu.memory_space<vmem>>, vector<16xf32>,
      tpu.vector_store %arg23[%swap3A_1711], %broadcast_in_dim3A_3 {strides = array<i32>} : memref<5760xf32, #tpu.memory_space<vmem>>, vector<16xf32>,
      %mul3A_1713 = arith.constant 16 : i32
      %mul3A_1714 = arith.muli %add3A_1588, %mul3A_1713 : i32
      %add3A_1715 = arith.constant 1152 : i32
      %add3A_1716 = arith.addi %add3A_1715, %mul3A_1714 : i32
      %swap3A_1717 = arith.index_cast %add3A_1716 : i32 to index
      %swap3A_1718 = tpu.vector_load %arg23[%swap3A_1717] {strides = array<i32>} : memref<5760xf32, #tpu.memory_space<vmem>>, vector<16xf32>,
      tpu.vector_store %arg23[%swap3A_1717], %broadcast_in_dim3A_3 {strides = array<i32>} : memref<5760xf32, #tpu.memory_space<vmem>>, vector<16xf32>,
      %mul3A_1719 = arith.constant 16 : i32
      %mul3A_1720 = arith.muli %add3A_1588, %mul3A_1719 : i32
      %add3A_1721 = arith.constant 1440 : i32
      %add3A_1722 = arith.addi %add3A_1721, %mul3A_1720 : i32
      %swap3A_1723 = arith.index_cast %add3A_1722 : i32 to index
      %swap3A_1724 = tpu.vector_load %arg23[%swap3A_1723] {strides = array<i32>} : memref<5760xf32, #tpu.memory_space<vmem>>, vector<16xf32>,
      tpu.vector_store %arg23[%swap3A_1723], %broadcast_in_dim3A_3 {strides = array<i32>} : memref<5760xf32, #tpu.memory_space<vmem>>, vector<16xf32>,
      %mul3A_1725 = arith.constant 16 : i32
      %mul3A_1726 = arith.muli %add3A_1588, %mul3A_1725 : i32
      %add3A_1727 = arith.constant 1728 : i32
      %add3A_1728 = arith.addi %add3A_1727, %mul3A_1726 : i32
      %swap3A_1729 = arith.index_cast %add3A_1728 : i32 to index
      %swap3A_1730 = tpu.vector_load %arg23[%swap3A_1729] {strides = array<i32>} : memref<5760xf32, #tpu.memory_space<vmem>>, vector<16xf32>,
      tpu.vector_store %arg23[%swap3A_1729], %broadcast_in_dim3A_3 {strides = array<i32>} : memref<5760xf32, #tpu.memory_space<vmem>>, vector<16xf32>,
      %mul3A_1731 = arith.constant 16 : i32
      %mul3A_1732 = arith.muli %add3A_1588, %mul3A_1731 : i32
      %add3A_1733 = arith.constant 2016 : i32
      %add3A_1734 = arith.addi %add3A_1733, %mul3A_1732 : i32
      %swap3A_1735 = arith.index_cast %add3A_1734 : i32 to index
      %swap3A_1736 = tpu.vector_load %arg23[%swap3A_1735] {strides = array<i32>} : memref<5760xf32, #tpu.memory_space<vmem>>, vector<16xf32>,
      tpu.vector_store %arg23[%swap3A_1735], %broadcast_in_dim3A_3 {strides = array<i32>} : memref<5760xf32, #tpu.memory_space<vmem>>, vector<16xf32>,
      %mul3A_1737 = arith.constant 16 : i32
      %mul3A_1738 = arith.muli %add3A_1588, %mul3A_1737 : i32
      %add3A_1739 = arith.constant 2304 : i32
      %add3A_1740 = arith.addi %add3A_1739, %mul3A_1738 : i32
      %swap3A_1741 = arith.index_cast %add3A_1740 : i32 to index
      %swap3A_1742 = tpu.vector_load %arg23[%swap3A_1741] {strides = array<i32>} : memref<5760xf32, #tpu.memory_space<vmem>>, vector<16xf32>,
      tpu.vector_store %arg23[%swap3A_1741], %broadcast_in_dim3A_3 {strides = array<i32>} : memref<5760xf32, #tpu.memory_space<vmem>>, vector<16xf32>,
      %mul3A_1743 = arith.constant 16 : i32
      %mul3A_1744 = arith.muli %add3A_1588, %mul3A_1743 : i32
      %add3A_1745 = arith.constant 2592 : i32
      %add3A_1746 = arith.addi %add3A_1745, %mul3A_1744 : i32
      %swap3A_1747 = arith.index_cast %add3A_1746 : i32 to index
      %swap3A_1748 = tpu.vector_load %arg23[%swap3A_1747] {strides = array<i32>} : memref<5760xf32, #tpu.memory_space<vmem>>, vector<16xf32>,
      tpu.vector_store %arg23[%swap3A_1747], %broadcast_in_dim3A_3 {strides = array<i32>} : memref<5760xf32, #tpu.memory_space<vmem>>, vector<16xf32>,
      %mul3A_1749 = arith.constant 16 : i32
      %mul3A_1750 = arith.muli %add3A_1588, %mul3A_1749 : i32
      %add3A_1751 = arith.constant 2880 : i32
      %add3A_1752 = arith.addi %add3A_1751, %mul3A_1750 : i32
      %swap3A_1753 = arith.index_cast %add3A_1752 : i32 to index
      %swap3A_1754 = tpu.vector_load %arg23[%swap3A_1753] {strides = array<i32>} : memref<5760xf32, #tpu.memory_space<vmem>>, vector<16xf32>,
      tpu.vector_store %arg23[%swap3A_1753], %broadcast_in_dim3A_3 {strides = array<i32>} : memref<5760xf32, #tpu.memory_space<vmem>>, vector<16xf32>,
      %mul3A_1755 = arith.constant 16 : i32
      %mul3A_1756 = arith.muli %add3A_1588, %mul3A_1755 : i32
      %add3A_1757 = arith.constant 3168 : i32
      %add3A_1758 = arith.addi %add3A_1757, %mul3A_1756 : i32
      %swap3A_1759 = arith.index_cast %add3A_1758 : i32 to index
      %swap3A_1760 = tpu.vector_load %arg23[%swap3A_1759] {strides = array<i32>} : memref<5760xf32, #tpu.memory_space<vmem>>, vector<16xf32>,
      tpu.vector_store %arg23[%swap3A_1759], %broadcast_in_dim3A_3 {strides = array<i32>} : memref<5760xf32, #tpu.memory_space<vmem>>, vector<16xf32>,
      %mul3A_1761 = arith.constant 16 : i32
      %mul3A_1762 = arith.muli %add3A_1588, %mul3A_1761 : i32
      %add3A_1763 = arith.constant 3456 : i32
      %add3A_1764 = arith.addi %add3A_1763, %mul3A_1762 : i32
      %swap3A_1765 = arith.index_cast %add3A_1764 : i32 to index
      %swap3A_1766 = tpu.vector_load %arg23[%swap3A_1765] {strides = array<i32>} : memref<5760xf32, #tpu.memory_space<vmem>>, vector<16xf32>,
      tpu.vector_store %arg23[%swap3A_1765], %broadcast_in_dim3A_3 {strides = array<i32>} : memref<5760xf32, #tpu.memory_space<vmem>>, vector<16xf32>,
      %mul3A_1767 = arith.constant 16 : i32
      %mul3A_1768 = arith.muli %add3A_1588, %mul3A_1767 : i32
      %add3A_1769 = arith.constant 3744 : i32
      %add3A_1770 = arith.addi %add3A_1769, %mul3A_1768 : i32
      %swap3A_1771 = arith.index_cast %add3A_1770 : i32 to index
      %swap3A_1772 = tpu.vector_load %arg23[%swap3A_1771] {strides = array<i32>} : memref<5760xf32, #tpu.memory_space<vmem>>, vector<16xf32>,
      tpu.vector_store %arg23[%swap3A_1771], %broadcast_in_dim3A_3 {strides = array<i32>} : memref<5760xf32, #tpu.memory_space<vmem>>, vector<16xf32>,
      %mul3A_1773 = arith.constant 16 : i32
      %mul3A_1774 = arith.muli %add3A_1588, %mul3A_1773 : i32
      %add3A_1775 = arith.constant 4032 : i32
      %add3A_1776 = arith.addi %add3A_1775, %mul3A_1774 : i32
      %swap3A_1777 = arith.index_cast %add3A_1776 : i32 to index
      %swap3A_1778 = tpu.vector_load %arg23[%swap3A_1777] {strides = array<i32>} : memref<5760xf32, #tpu.memory_space<vmem>>, vector<16xf32>,
      tpu.vector_store %arg23[%swap3A_1777], %broadcast_in_dim3A_3 {strides = array<i32>} : memref<5760xf32, #tpu.memory_space<vmem>>, vector<16xf32>,
      %mul3A_1779 = arith.constant 16 : i32
      %mul3A_1780 = arith.muli %add3A_1588, %mul3A_1779 : i32
      %add3A_1781 = arith.constant 4320 : i32
      %add3A_1782 = arith.addi %add3A_1781, %mul3A_1780 : i32
      %swap3A_1783 = arith.index_cast %add3A_1782 : i32 to index
      %swap3A_1784 = tpu.vector_load %arg23[%swap3A_1783] {strides = array<i32>} : memref<5760xf32, #tpu.memory_space<vmem>>, vector<16xf32>,
      tpu.vector_store %arg23[%swap3A_1783], %broadcast_in_dim3A_3 {strides = array<i32>} : memref<5760xf32, #tpu.memory_space<vmem>>, vector<16xf32>,
      %mul3A_1785 = arith.constant 16 : i32
      %mul3A_1786 = arith.muli %add3A_1588, %mul3A_1785 : i32
      %add3A_1787 = arith.constant 4608 : i32
      %add3A_1788 = arith.addi %add3A_1787, %mul3A_1786 : i32
      %swap3A_1789 = arith.index_cast %add3A_1788 : i32 to index
      %swap3A_1790 = tpu.vector_load %arg23[%swap3A_1789] {strides = array<i32>} : memref<5760xf32, #tpu.memory_space<vmem>>, vector<16xf32>,
      tpu.vector_store %arg23[%swap3A_1789], %broadcast_in_dim3A_3 {strides = array<i32>} : memref<5760xf32, #tpu.memory_space<vmem>>, vector<16xf32>,
      %mul3A_1791 = arith.constant 16 : i32
      %mul3A_1792 = arith.muli %add3A_1588, %mul3A_1791 : i32
      %add3A_1793 = arith.constant 4896 : i32
      %add3A_1794 = arith.addi %add3A_1793, %mul3A_1792 : i32
      %swap3A_1795 = arith.index_cast %add3A_1794 : i32 to index
      %swap3A_1796 = tpu.vector_load %arg23[%swap3A_1795] {strides = array<i32>} : memref<5760xf32, #tpu.memory_space<vmem>>, vector<16xf32>,
      tpu.vector_store %arg23[%swap3A_1795], %broadcast_in_dim3A_3 {strides = array<i32>} : memref<5760xf32, #tpu.memory_space<vmem>>, vector<16xf32>,
      %mul3A_1797 = arith.constant 16 : i32
      %mul3A_1798 = arith.muli %add3A_1588, %mul3A_1797 : i32
      %add3A_1799 = arith.constant 5184 : i32
      %add3A_1800 = arith.addi %add3A_1799, %mul3A_1798 : i32
      %swap3A_1801 = arith.index_cast %add3A_1800 : i32 to index
      %swap3A_1802 = tpu.vector_load %arg23[%swap3A_1801] {strides = array<i32>} : memref<5760xf32, #tpu.memory_space<vmem>>, vector<16xf32>,
      tpu.vector_store %arg23[%swap3A_1801], %broadcast_in_dim3A_3 {strides = array<i32>} : memref<5760xf32, #tpu.memory_space<vmem>>, vector<16xf32>,
      %mul3A_1803 = arith.constant 16 : i32
      %mul3A_1804 = arith.muli %add3A_1588, %mul3A_1803 : i32
      %add3A_1805 = arith.constant 5472 : i32
      %add3A_1806 = arith.addi %add3A_1805, %mul3A_1804 : i32
      %swap3A_1807 = arith.index_cast %add3A_1806 : i32 to index
      %swap3A_1808 = tpu.vector_load %arg23[%swap3A_1807] {strides = array<i32>} : memref<5760xf32, #tpu.memory_space<vmem>>, vector<16xf32>,
      tpu.vector_store %arg23[%swap3A_1807], %broadcast_in_dim3A_3 {strides = array<i32>} : memref<5760xf32, #tpu.memory_space<vmem>>, vector<16xf32>,
      %convert_element_type3A_1809 = arith.fptosi %select_n3A_1628 : vector<16xf32> to vector<16xi32>
      %ge3A_1810 = arith.constant 0 : i32
      %ge3A_1811 = vector.broadcast %ge3A_1810 : i32 to vector<16xi32>
      %ge3A_1812 = arith.cmpi sge, %convert_element_type3A_1809, %ge3A_1811 : vector<16xi32>
      %lt3A_1813 = arith.constant 20 : i32
      %lt3A_1814 = vector.broadcast %lt3A_1813 : i32 to vector<16xi32>
      %lt3A_1815 = arith.cmpi slt, %convert_element_type3A_1809, %lt3A_1814 : vector<16xi32>
      %and3A_1816 = arith.andi %ge3A_1812, %lt3A_1815 : vector<16xi1>
      %mul3A_1817 = arith.constant 288 : i32
      %mul3A_1818 = vector.broadcast %mul3A_1817 : i32 to vector<16xi32>
      %mul3A_1819 = arith.muli %convert_element_type3A_1809, %mul3A_1818 : vector<16xi32>
      %add3A_1820 = arith.addi %mul3A_1819, %add3A_1664 : vector<16xi32>
      tpu.vector_store_idx %arg23[%add3A_1820], %broadcast_in_dim3A_5 masked %and3A_1816 : memref<5760xf32, #tpu.memory_space<vmem>>[vector<16xi32>], vector<16xf32>, vector<16xi1>
      %scan3A_1821 = arith.constant 0 : i32
      scf.yield %scan3A_1821 : i32
    }
    %scan3A_1233 = arith.constant 9 : i32
    "tpu.region"() ({
      %run_scoped3A = tpu.sem_alloc : memref<!tpu.dma_semaphore, #tpu.memory_space<semaphore_mem>>
      %dma_start3A = tpu.memref_slice %arg5[%mul3A_2] : memref<9216xf32, #tpu.memory_space<hbm>> -> memref<288xf32, #tpu.memory_space<hbm>>
      %dma_start3A_1282 = tpu.memref_slice %arg5[%mul3A_2] : memref<9216xf32, #tpu.memory_space<hbm>> -> memref<288xf32, #tpu.memory_space<hbm>>
      tpu.enqueue_dma source(%arg21 : memref<288xf32, #tpu.memory_space<vmem>>) target(%dma_start3A_1282 : memref<288xf32, #tpu.memory_space<hbm>>) target_semaphore(%run_scoped3A : memref<!tpu.dma_semaphore, #tpu.memory_space<semaphore_mem>>)
      %dma_wait3A = tpu.memref_slice %arg5[%mul3A_2] : memref<9216xf32, #tpu.memory_space<hbm>> -> memref<288xf32, #tpu.memory_space<hbm>>
      %dma_wait3A_1283 = tpu.memref_slice %arg5[%mul3A_2] : memref<9216xf32, #tpu.memory_space<hbm>> -> memref<288xf32, #tpu.memory_space<hbm>>
      tpu.wait_dma2 semaphore(%run_scoped3A : memref<!tpu.dma_semaphore, #tpu.memory_space<semaphore_mem>>) src(%arg21 : memref<288xf32, #tpu.memory_space<vmem>>) dst(%dma_wait3A_1283 : memref<288xf32, #tpu.memory_space<hbm>>)
      tpu.yield
    }) : () -> ()
    %add3A_1234 = arith.constant 0 : i32
    %add3A_1235 = arith.addi %add3A_1234, %mul3A_2 : i32
    "tpu.region"() ({
      %run_scoped3A = tpu.sem_alloc : memref<!tpu.dma_semaphore, #tpu.memory_space<semaphore_mem>>
      %dma_start3A = arith.constant 0 : i32
      %dma_start3A_1282 = tpu.memref_slice %arg22[%dma_start3A] : memref<1152xf32, #tpu.memory_space<vmem>> -> memref<288xf32, #tpu.memory_space<vmem>>
      %dma_start3A_1283 = tpu.memref_slice %arg6[%add3A_1235] : memref<36864xf32, #tpu.memory_space<hbm>> -> memref<288xf32, #tpu.memory_space<hbm>>
      %dma_start3A_1284 = tpu.memref_slice %arg6[%add3A_1235] : memref<36864xf32, #tpu.memory_space<hbm>> -> memref<288xf32, #tpu.memory_space<hbm>>
      %dma_start3A_1285 = arith.constant 0 : i32
      %dma_start3A_1286 = tpu.memref_slice %arg22[%dma_start3A_1285] : memref<1152xf32, #tpu.memory_space<vmem>> -> memref<288xf32, #tpu.memory_space<vmem>>
      tpu.enqueue_dma source(%dma_start3A_1286 : memref<288xf32, #tpu.memory_space<vmem>>) target(%dma_start3A_1284 : memref<288xf32, #tpu.memory_space<hbm>>) target_semaphore(%run_scoped3A : memref<!tpu.dma_semaphore, #tpu.memory_space<semaphore_mem>>)
      %dma_wait3A = arith.constant 0 : i32
      %dma_wait3A_1287 = tpu.memref_slice %arg22[%dma_wait3A] : memref<1152xf32, #tpu.memory_space<vmem>> -> memref<288xf32, #tpu.memory_space<vmem>>
      %dma_wait3A_1288 = tpu.memref_slice %arg6[%add3A_1235] : memref<36864xf32, #tpu.memory_space<hbm>> -> memref<288xf32, #tpu.memory_space<hbm>>
      %dma_wait3A_1289 = tpu.memref_slice %arg6[%add3A_1235] : memref<36864xf32, #tpu.memory_space<hbm>> -> memref<288xf32, #tpu.memory_space<hbm>>
      %dma_wait3A_1290 = arith.constant 0 : i32
      %dma_wait3A_1291 = tpu.memref_slice %arg22[%dma_wait3A_1290] : memref<1152xf32, #tpu.memory_space<vmem>> -> memref<288xf32, #tpu.memory_space<vmem>>
      tpu.wait_dma2 semaphore(%run_scoped3A : memref<!tpu.dma_semaphore, #tpu.memory_space<semaphore_mem>>) src(%dma_wait3A_1291 : memref<288xf32, #tpu.memory_space<vmem>>) dst(%dma_wait3A_1289 : memref<288xf32, #tpu.memory_space<hbm>>)
      tpu.yield
    }) : () -> ()
    %add3A_1236 = arith.constant 9216 : i32
    %add3A_1237 = arith.addi %add3A_1236, %mul3A_2 : i32
    "tpu.region"() ({
      %run_scoped3A = tpu.sem_alloc : memref<!tpu.dma_semaphore, #tpu.memory_space<semaphore_mem>>
      %dma_start3A = arith.constant 288 : i32
      %dma_start3A_1282 = tpu.memref_slice %arg22[%dma_start3A] : memref<1152xf32, #tpu.memory_space<vmem>> -> memref<288xf32, #tpu.memory_space<vmem>>
      %dma_start3A_1283 = tpu.memref_slice %arg6[%add3A_1237] : memref<36864xf32, #tpu.memory_space<hbm>> -> memref<288xf32, #tpu.memory_space<hbm>>
      %dma_start3A_1284 = tpu.memref_slice %arg6[%add3A_1237] : memref<36864xf32, #tpu.memory_space<hbm>> -> memref<288xf32, #tpu.memory_space<hbm>>
      %dma_start3A_1285 = arith.constant 288 : i32
      %dma_start3A_1286 = tpu.memref_slice %arg22[%dma_start3A_1285] : memref<1152xf32, #tpu.memory_space<vmem>> -> memref<288xf32, #tpu.memory_space<vmem>>
      tpu.enqueue_dma source(%dma_start3A_1286 : memref<288xf32, #tpu.memory_space<vmem>>) target(%dma_start3A_1284 : memref<288xf32, #tpu.memory_space<hbm>>) target_semaphore(%run_scoped3A : memref<!tpu.dma_semaphore, #tpu.memory_space<semaphore_mem>>)
      %dma_wait3A = arith.constant 288 : i32
      %dma_wait3A_1287 = tpu.memref_slice %arg22[%dma_wait3A] : memref<1152xf32, #tpu.memory_space<vmem>> -> memref<288xf32, #tpu.memory_space<vmem>>
      %dma_wait3A_1288 = tpu.memref_slice %arg6[%add3A_1237] : memref<36864xf32, #tpu.memory_space<hbm>> -> memref<288xf32, #tpu.memory_space<hbm>>
      %dma_wait3A_1289 = tpu.memref_slice %arg6[%add3A_1237] : memref<36864xf32, #tpu.memory_space<hbm>> -> memref<288xf32, #tpu.memory_space<hbm>>
      %dma_wait3A_1290 = arith.constant 288 : i32
      %dma_wait3A_1291 = tpu.memref_slice %arg22[%dma_wait3A_1290] : memref<1152xf32, #tpu.memory_space<vmem>> -> memref<288xf32, #tpu.memory_space<vmem>>
      tpu.wait_dma2 semaphore(%run_scoped3A : memref<!tpu.dma_semaphore, #tpu.memory_space<semaphore_mem>>) src(%dma_wait3A_1291 : memref<288xf32, #tpu.memory_space<vmem>>) dst(%dma_wait3A_1289 : memref<288xf32, #tpu.memory_space<hbm>>)
      tpu.yield
    }) : () -> ()
    %add3A_1238 = arith.constant 18432 : i32
    %add3A_1239 = arith.addi %add3A_1238, %mul3A_2 : i32
    "tpu.region"() ({
      %run_scoped3A = tpu.sem_alloc : memref<!tpu.dma_semaphore, #tpu.memory_space<semaphore_mem>>
      %dma_start3A = arith.constant 576 : i32
      %dma_start3A_1282 = tpu.memref_slice %arg22[%dma_start3A] : memref<1152xf32, #tpu.memory_space<vmem>> -> memref<288xf32, #tpu.memory_space<vmem>>
      %dma_start3A_1283 = tpu.memref_slice %arg6[%add3A_1239] : memref<36864xf32, #tpu.memory_space<hbm>> -> memref<288xf32, #tpu.memory_space<hbm>>
      %dma_start3A_1284 = tpu.memref_slice %arg6[%add3A_1239] : memref<36864xf32, #tpu.memory_space<hbm>> -> memref<288xf32, #tpu.memory_space<hbm>>
      %dma_start3A_1285 = arith.constant 576 : i32
      %dma_start3A_1286 = tpu.memref_slice %arg22[%dma_start3A_1285] : memref<1152xf32, #tpu.memory_space<vmem>> -> memref<288xf32, #tpu.memory_space<vmem>>
      tpu.enqueue_dma source(%dma_start3A_1286 : memref<288xf32, #tpu.memory_space<vmem>>) target(%dma_start3A_1284 : memref<288xf32, #tpu.memory_space<hbm>>) target_semaphore(%run_scoped3A : memref<!tpu.dma_semaphore, #tpu.memory_space<semaphore_mem>>)
      %dma_wait3A = arith.constant 576 : i32
      %dma_wait3A_1287 = tpu.memref_slice %arg22[%dma_wait3A] : memref<1152xf32, #tpu.memory_space<vmem>> -> memref<288xf32, #tpu.memory_space<vmem>>
      %dma_wait3A_1288 = tpu.memref_slice %arg6[%add3A_1239] : memref<36864xf32, #tpu.memory_space<hbm>> -> memref<288xf32, #tpu.memory_space<hbm>>
      %dma_wait3A_1289 = tpu.memref_slice %arg6[%add3A_1239] : memref<36864xf32, #tpu.memory_space<hbm>> -> memref<288xf32, #tpu.memory_space<hbm>>
      %dma_wait3A_1290 = arith.constant 576 : i32
      %dma_wait3A_1291 = tpu.memref_slice %arg22[%dma_wait3A_1290] : memref<1152xf32, #tpu.memory_space<vmem>> -> memref<288xf32, #tpu.memory_space<vmem>>
      tpu.wait_dma2 semaphore(%run_scoped3A : memref<!tpu.dma_semaphore, #tpu.memory_space<semaphore_mem>>) src(%dma_wait3A_1291 : memref<288xf32, #tpu.memory_space<vmem>>) dst(%dma_wait3A_1289 : memref<288xf32, #tpu.memory_space<hbm>>)
      tpu.yield
    }) : () -> ()
    %add3A_1240 = arith.constant 27648 : i32
    %add3A_1241 = arith.addi %add3A_1240, %mul3A_2 : i32
    "tpu.region"() ({
      %run_scoped3A = tpu.sem_alloc : memref<!tpu.dma_semaphore, #tpu.memory_space<semaphore_mem>>
      %dma_start3A = arith.constant 864 : i32
      %dma_start3A_1282 = tpu.memref_slice %arg22[%dma_start3A] : memref<1152xf32, #tpu.memory_space<vmem>> -> memref<288xf32, #tpu.memory_space<vmem>>
      %dma_start3A_1283 = tpu.memref_slice %arg6[%add3A_1241] : memref<36864xf32, #tpu.memory_space<hbm>> -> memref<288xf32, #tpu.memory_space<hbm>>
      %dma_start3A_1284 = tpu.memref_slice %arg6[%add3A_1241] : memref<36864xf32, #tpu.memory_space<hbm>> -> memref<288xf32, #tpu.memory_space<hbm>>
      %dma_start3A_1285 = arith.constant 864 : i32
      %dma_start3A_1286 = tpu.memref_slice %arg22[%dma_start3A_1285] : memref<1152xf32, #tpu.memory_space<vmem>> -> memref<288xf32, #tpu.memory_space<vmem>>
      tpu.enqueue_dma source(%dma_start3A_1286 : memref<288xf32, #tpu.memory_space<vmem>>) target(%dma_start3A_1284 : memref<288xf32, #tpu.memory_space<hbm>>) target_semaphore(%run_scoped3A : memref<!tpu.dma_semaphore, #tpu.memory_space<semaphore_mem>>)
      %dma_wait3A = arith.constant 864 : i32
      %dma_wait3A_1287 = tpu.memref_slice %arg22[%dma_wait3A] : memref<1152xf32, #tpu.memory_space<vmem>> -> memref<288xf32, #tpu.memory_space<vmem>>
      %dma_wait3A_1288 = tpu.memref_slice %arg6[%add3A_1241] : memref<36864xf32, #tpu.memory_space<hbm>> -> memref<288xf32, #tpu.memory_space<hbm>>
      %dma_wait3A_1289 = tpu.memref_slice %arg6[%add3A_1241] : memref<36864xf32, #tpu.memory_space<hbm>> -> memref<288xf32, #tpu.memory_space<hbm>>
      %dma_wait3A_1290 = arith.constant 864 : i32
      %dma_wait3A_1291 = tpu.memref_slice %arg22[%dma_wait3A_1290] : memref<1152xf32, #tpu.memory_space<vmem>> -> memref<288xf32, #tpu.memory_space<vmem>>
      tpu.wait_dma2 semaphore(%run_scoped3A : memref<!tpu.dma_semaphore, #tpu.memory_space<semaphore_mem>>) src(%dma_wait3A_1291 : memref<288xf32, #tpu.memory_space<vmem>>) dst(%dma_wait3A_1289 : memref<288xf32, #tpu.memory_space<hbm>>)
      tpu.yield
    }) : () -> ()
    %add3A_1242 = arith.constant 0 : i32
    %add3A_1243 = arith.addi %add3A_1242, %mul3A_2 : i32
    "tpu.region"() ({
      %run_scoped3A = tpu.sem_alloc : memref<!tpu.dma_semaphore, #tpu.memory_space<semaphore_mem>>
      %dma_start3A = arith.constant 0 : i32
      %dma_start3A_1282 = tpu.memref_slice %arg23[%dma_start3A] : memref<5760xf32, #tpu.memory_space<vmem>> -> memref<288xf32, #tpu.memory_space<vmem>>
      %dma_start3A_1283 = tpu.memref_slice %arg7[%add3A_1243] : memref<184320xf32, #tpu.memory_space<hbm>> -> memref<288xf32, #tpu.memory_space<hbm>>
      %dma_start3A_1284 = tpu.memref_slice %arg7[%add3A_1243] : memref<184320xf32, #tpu.memory_space<hbm>> -> memref<288xf32, #tpu.memory_space<hbm>>
      %dma_start3A_1285 = arith.constant 0 : i32
      %dma_start3A_1286 = tpu.memref_slice %arg23[%dma_start3A_1285] : memref<5760xf32, #tpu.memory_space<vmem>> -> memref<288xf32, #tpu.memory_space<vmem>>
      tpu.enqueue_dma source(%dma_start3A_1286 : memref<288xf32, #tpu.memory_space<vmem>>) target(%dma_start3A_1284 : memref<288xf32, #tpu.memory_space<hbm>>) target_semaphore(%run_scoped3A : memref<!tpu.dma_semaphore, #tpu.memory_space<semaphore_mem>>)
      %dma_wait3A = arith.constant 0 : i32
      %dma_wait3A_1287 = tpu.memref_slice %arg23[%dma_wait3A] : memref<5760xf32, #tpu.memory_space<vmem>> -> memref<288xf32, #tpu.memory_space<vmem>>
      %dma_wait3A_1288 = tpu.memref_slice %arg7[%add3A_1243] : memref<184320xf32, #tpu.memory_space<hbm>> -> memref<288xf32, #tpu.memory_space<hbm>>
      %dma_wait3A_1289 = tpu.memref_slice %arg7[%add3A_1243] : memref<184320xf32, #tpu.memory_space<hbm>> -> memref<288xf32, #tpu.memory_space<hbm>>
      %dma_wait3A_1290 = arith.constant 0 : i32
      %dma_wait3A_1291 = tpu.memref_slice %arg23[%dma_wait3A_1290] : memref<5760xf32, #tpu.memory_space<vmem>> -> memref<288xf32, #tpu.memory_space<vmem>>
      tpu.wait_dma2 semaphore(%run_scoped3A : memref<!tpu.dma_semaphore, #tpu.memory_space<semaphore_mem>>) src(%dma_wait3A_1291 : memref<288xf32, #tpu.memory_space<vmem>>) dst(%dma_wait3A_1289 : memref<288xf32, #tpu.memory_space<hbm>>)
      tpu.yield
    }) : () -> ()
    %add3A_1244 = arith.constant 9216 : i32
    %add3A_1245 = arith.addi %add3A_1244, %mul3A_2 : i32
    "tpu.region"() ({
      %run_scoped3A = tpu.sem_alloc : memref<!tpu.dma_semaphore, #tpu.memory_space<semaphore_mem>>
      %dma_start3A = arith.constant 288 : i32
      %dma_start3A_1282 = tpu.memref_slice %arg23[%dma_start3A] : memref<5760xf32, #tpu.memory_space<vmem>> -> memref<288xf32, #tpu.memory_space<vmem>>
      %dma_start3A_1283 = tpu.memref_slice %arg7[%add3A_1245] : memref<184320xf32, #tpu.memory_space<hbm>> -> memref<288xf32, #tpu.memory_space<hbm>>
      %dma_start3A_1284 = tpu.memref_slice %arg7[%add3A_1245] : memref<184320xf32, #tpu.memory_space<hbm>> -> memref<288xf32, #tpu.memory_space<hbm>>
      %dma_start3A_1285 = arith.constant 288 : i32
      %dma_start3A_1286 = tpu.memref_slice %arg23[%dma_start3A_1285] : memref<5760xf32, #tpu.memory_space<vmem>> -> memref<288xf32, #tpu.memory_space<vmem>>
      tpu.enqueue_dma source(%dma_start3A_1286 : memref<288xf32, #tpu.memory_space<vmem>>) target(%dma_start3A_1284 : memref<288xf32, #tpu.memory_space<hbm>>) target_semaphore(%run_scoped3A : memref<!tpu.dma_semaphore, #tpu.memory_space<semaphore_mem>>)
      %dma_wait3A = arith.constant 288 : i32
      %dma_wait3A_1287 = tpu.memref_slice %arg23[%dma_wait3A] : memref<5760xf32, #tpu.memory_space<vmem>> -> memref<288xf32, #tpu.memory_space<vmem>>
      %dma_wait3A_1288 = tpu.memref_slice %arg7[%add3A_1245] : memref<184320xf32, #tpu.memory_space<hbm>> -> memref<288xf32, #tpu.memory_space<hbm>>
      %dma_wait3A_1289 = tpu.memref_slice %arg7[%add3A_1245] : memref<184320xf32, #tpu.memory_space<hbm>> -> memref<288xf32, #tpu.memory_space<hbm>>
      %dma_wait3A_1290 = arith.constant 288 : i32
      %dma_wait3A_1291 = tpu.memref_slice %arg23[%dma_wait3A_1290] : memref<5760xf32, #tpu.memory_space<vmem>> -> memref<288xf32, #tpu.memory_space<vmem>>
      tpu.wait_dma2 semaphore(%run_scoped3A : memref<!tpu.dma_semaphore, #tpu.memory_space<semaphore_mem>>) src(%dma_wait3A_1291 : memref<288xf32, #tpu.memory_space<vmem>>) dst(%dma_wait3A_1289 : memref<288xf32, #tpu.memory_space<hbm>>)
      tpu.yield
    }) : () -> ()
    %add3A_1246 = arith.constant 18432 : i32
    %add3A_1247 = arith.addi %add3A_1246, %mul3A_2 : i32
    "tpu.region"() ({
      %run_scoped3A = tpu.sem_alloc : memref<!tpu.dma_semaphore, #tpu.memory_space<semaphore_mem>>
      %dma_start3A = arith.constant 576 : i32
      %dma_start3A_1282 = tpu.memref_slice %arg23[%dma_start3A] : memref<5760xf32, #tpu.memory_space<vmem>> -> memref<288xf32, #tpu.memory_space<vmem>>
      %dma_start3A_1283 = tpu.memref_slice %arg7[%add3A_1247] : memref<184320xf32, #tpu.memory_space<hbm>> -> memref<288xf32, #tpu.memory_space<hbm>>
      %dma_start3A_1284 = tpu.memref_slice %arg7[%add3A_1247] : memref<184320xf32, #tpu.memory_space<hbm>> -> memref<288xf32, #tpu.memory_space<hbm>>
      %dma_start3A_1285 = arith.constant 576 : i32
      %dma_start3A_1286 = tpu.memref_slice %arg23[%dma_start3A_1285] : memref<5760xf32, #tpu.memory_space<vmem>> -> memref<288xf32, #tpu.memory_space<vmem>>
      tpu.enqueue_dma source(%dma_start3A_1286 : memref<288xf32, #tpu.memory_space<vmem>>) target(%dma_start3A_1284 : memref<288xf32, #tpu.memory_space<hbm>>) target_semaphore(%run_scoped3A : memref<!tpu.dma_semaphore, #tpu.memory_space<semaphore_mem>>)
      %dma_wait3A = arith.constant 576 : i32
      %dma_wait3A_1287 = tpu.memref_slice %arg23[%dma_wait3A] : memref<5760xf32, #tpu.memory_space<vmem>> -> memref<288xf32, #tpu.memory_space<vmem>>
      %dma_wait3A_1288 = tpu.memref_slice %arg7[%add3A_1247] : memref<184320xf32, #tpu.memory_space<hbm>> -> memref<288xf32, #tpu.memory_space<hbm>>
      %dma_wait3A_1289 = tpu.memref_slice %arg7[%add3A_1247] : memref<184320xf32, #tpu.memory_space<hbm>> -> memref<288xf32, #tpu.memory_space<hbm>>
      %dma_wait3A_1290 = arith.constant 576 : i32
      %dma_wait3A_1291 = tpu.memref_slice %arg23[%dma_wait3A_1290] : memref<5760xf32, #tpu.memory_space<vmem>> -> memref<288xf32, #tpu.memory_space<vmem>>
      tpu.wait_dma2 semaphore(%run_scoped3A : memref<!tpu.dma_semaphore, #tpu.memory_space<semaphore_mem>>) src(%dma_wait3A_1291 : memref<288xf32, #tpu.memory_space<vmem>>) dst(%dma_wait3A_1289 : memref<288xf32, #tpu.memory_space<hbm>>)
      tpu.yield
    }) : () -> ()
    %add3A_1248 = arith.constant 27648 : i32
    %add3A_1249 = arith.addi %add3A_1248, %mul3A_2 : i32
    "tpu.region"() ({
      %run_scoped3A = tpu.sem_alloc : memref<!tpu.dma_semaphore, #tpu.memory_space<semaphore_mem>>
      %dma_start3A = arith.constant 864 : i32
      %dma_start3A_1282 = tpu.memref_slice %arg23[%dma_start3A] : memref<5760xf32, #tpu.memory_space<vmem>> -> memref<288xf32, #tpu.memory_space<vmem>>
      %dma_start3A_1283 = tpu.memref_slice %arg7[%add3A_1249] : memref<184320xf32, #tpu.memory_space<hbm>> -> memref<288xf32, #tpu.memory_space<hbm>>
      %dma_start3A_1284 = tpu.memref_slice %arg7[%add3A_1249] : memref<184320xf32, #tpu.memory_space<hbm>> -> memref<288xf32, #tpu.memory_space<hbm>>
      %dma_start3A_1285 = arith.constant 864 : i32
      %dma_start3A_1286 = tpu.memref_slice %arg23[%dma_start3A_1285] : memref<5760xf32, #tpu.memory_space<vmem>> -> memref<288xf32, #tpu.memory_space<vmem>>
      tpu.enqueue_dma source(%dma_start3A_1286 : memref<288xf32, #tpu.memory_space<vmem>>) target(%dma_start3A_1284 : memref<288xf32, #tpu.memory_space<hbm>>) target_semaphore(%run_scoped3A : memref<!tpu.dma_semaphore, #tpu.memory_space<semaphore_mem>>)
      %dma_wait3A = arith.constant 864 : i32
      %dma_wait3A_1287 = tpu.memref_slice %arg23[%dma_wait3A] : memref<5760xf32, #tpu.memory_space<vmem>> -> memref<288xf32, #tpu.memory_space<vmem>>
      %dma_wait3A_1288 = tpu.memref_slice %arg7[%add3A_1249] : memref<184320xf32, #tpu.memory_space<hbm>> -> memref<288xf32, #tpu.memory_space<hbm>>
      %dma_wait3A_1289 = tpu.memref_slice %arg7[%add3A_1249] : memref<184320xf32, #tpu.memory_space<hbm>> -> memref<288xf32, #tpu.memory_space<hbm>>
      %dma_wait3A_1290 = arith.constant 864 : i32
      %dma_wait3A_1291 = tpu.memref_slice %arg23[%dma_wait3A_1290] : memref<5760xf32, #tpu.memory_space<vmem>> -> memref<288xf32, #tpu.memory_space<vmem>>
      tpu.wait_dma2 semaphore(%run_scoped3A : memref<!tpu.dma_semaphore, #tpu.memory_space<semaphore_mem>>) src(%dma_wait3A_1291 : memref<288xf32, #tpu.memory_space<vmem>>) dst(%dma_wait3A_1289 : memref<288xf32, #tpu.memory_space<hbm>>)
      tpu.yield
    }) : () -> ()
    %add3A_1250 = arith.constant 36864 : i32
    %add3A_1251 = arith.addi %add3A_1250, %mul3A_2 : i32
    "tpu.region"() ({
      %run_scoped3A = tpu.sem_alloc : memref<!tpu.dma_semaphore, #tpu.memory_space<semaphore_mem>>
      %dma_start3A = arith.constant 1152 : i32
      %dma_start3A_1282 = tpu.memref_slice %arg23[%dma_start3A] : memref<5760xf32, #tpu.memory_space<vmem>> -> memref<288xf32, #tpu.memory_space<vmem>>
      %dma_start3A_1283 = tpu.memref_slice %arg7[%add3A_1251] : memref<184320xf32, #tpu.memory_space<hbm>> -> memref<288xf32, #tpu.memory_space<hbm>>
      %dma_start3A_1284 = tpu.memref_slice %arg7[%add3A_1251] : memref<184320xf32, #tpu.memory_space<hbm>> -> memref<288xf32, #tpu.memory_space<hbm>>
      %dma_start3A_1285 = arith.constant 1152 : i32
      %dma_start3A_1286 = tpu.memref_slice %arg23[%dma_start3A_1285] : memref<5760xf32, #tpu.memory_space<vmem>> -> memref<288xf32, #tpu.memory_space<vmem>>
      tpu.enqueue_dma source(%dma_start3A_1286 : memref<288xf32, #tpu.memory_space<vmem>>) target(%dma_start3A_1284 : memref<288xf32, #tpu.memory_space<hbm>>) target_semaphore(%run_scoped3A : memref<!tpu.dma_semaphore, #tpu.memory_space<semaphore_mem>>)
      %dma_wait3A = arith.constant 1152 : i32
      %dma_wait3A_1287 = tpu.memref_slice %arg23[%dma_wait3A] : memref<5760xf32, #tpu.memory_space<vmem>> -> memref<288xf32, #tpu.memory_space<vmem>>
      %dma_wait3A_1288 = tpu.memref_slice %arg7[%add3A_1251] : memref<184320xf32, #tpu.memory_space<hbm>> -> memref<288xf32, #tpu.memory_space<hbm>>
      %dma_wait3A_1289 = tpu.memref_slice %arg7[%add3A_1251] : memref<184320xf32, #tpu.memory_space<hbm>> -> memref<288xf32, #tpu.memory_space<hbm>>
      %dma_wait3A_1290 = arith.constant 1152 : i32
      %dma_wait3A_1291 = tpu.memref_slice %arg23[%dma_wait3A_1290] : memref<5760xf32, #tpu.memory_space<vmem>> -> memref<288xf32, #tpu.memory_space<vmem>>
      tpu.wait_dma2 semaphore(%run_scoped3A : memref<!tpu.dma_semaphore, #tpu.memory_space<semaphore_mem>>) src(%dma_wait3A_1291 : memref<288xf32, #tpu.memory_space<vmem>>) dst(%dma_wait3A_1289 : memref<288xf32, #tpu.memory_space<hbm>>)
      tpu.yield
    }) : () -> ()
    %add3A_1252 = arith.constant 46080 : i32
    %add3A_1253 = arith.addi %add3A_1252, %mul3A_2 : i32
    "tpu.region"() ({
      %run_scoped3A = tpu.sem_alloc : memref<!tpu.dma_semaphore, #tpu.memory_space<semaphore_mem>>
      %dma_start3A = arith.constant 1440 : i32
      %dma_start3A_1282 = tpu.memref_slice %arg23[%dma_start3A] : memref<5760xf32, #tpu.memory_space<vmem>> -> memref<288xf32, #tpu.memory_space<vmem>>
      %dma_start3A_1283 = tpu.memref_slice %arg7[%add3A_1253] : memref<184320xf32, #tpu.memory_space<hbm>> -> memref<288xf32, #tpu.memory_space<hbm>>
      %dma_start3A_1284 = tpu.memref_slice %arg7[%add3A_1253] : memref<184320xf32, #tpu.memory_space<hbm>> -> memref<288xf32, #tpu.memory_space<hbm>>
      %dma_start3A_1285 = arith.constant 1440 : i32
      %dma_start3A_1286 = tpu.memref_slice %arg23[%dma_start3A_1285] : memref<5760xf32, #tpu.memory_space<vmem>> -> memref<288xf32, #tpu.memory_space<vmem>>
      tpu.enqueue_dma source(%dma_start3A_1286 : memref<288xf32, #tpu.memory_space<vmem>>) target(%dma_start3A_1284 : memref<288xf32, #tpu.memory_space<hbm>>) target_semaphore(%run_scoped3A : memref<!tpu.dma_semaphore, #tpu.memory_space<semaphore_mem>>)
      %dma_wait3A = arith.constant 1440 : i32
      %dma_wait3A_1287 = tpu.memref_slice %arg23[%dma_wait3A] : memref<5760xf32, #tpu.memory_space<vmem>> -> memref<288xf32, #tpu.memory_space<vmem>>
      %dma_wait3A_1288 = tpu.memref_slice %arg7[%add3A_1253] : memref<184320xf32, #tpu.memory_space<hbm>> -> memref<288xf32, #tpu.memory_space<hbm>>
      %dma_wait3A_1289 = tpu.memref_slice %arg7[%add3A_1253] : memref<184320xf32, #tpu.memory_space<hbm>> -> memref<288xf32, #tpu.memory_space<hbm>>
      %dma_wait3A_1290 = arith.constant 1440 : i32
      %dma_wait3A_1291 = tpu.memref_slice %arg23[%dma_wait3A_1290] : memref<5760xf32, #tpu.memory_space<vmem>> -> memref<288xf32, #tpu.memory_space<vmem>>
      tpu.wait_dma2 semaphore(%run_scoped3A : memref<!tpu.dma_semaphore, #tpu.memory_space<semaphore_mem>>) src(%dma_wait3A_1291 : memref<288xf32, #tpu.memory_space<vmem>>) dst(%dma_wait3A_1289 : memref<288xf32, #tpu.memory_space<hbm>>)
      tpu.yield
    }) : () -> ()
    %add3A_1254 = arith.constant 55296 : i32
    %add3A_1255 = arith.addi %add3A_1254, %mul3A_2 : i32
    "tpu.region"() ({
      %run_scoped3A = tpu.sem_alloc : memref<!tpu.dma_semaphore, #tpu.memory_space<semaphore_mem>>
      %dma_start3A = arith.constant 1728 : i32
      %dma_start3A_1282 = tpu.memref_slice %arg23[%dma_start3A] : memref<5760xf32, #tpu.memory_space<vmem>> -> memref<288xf32, #tpu.memory_space<vmem>>
      %dma_start3A_1283 = tpu.memref_slice %arg7[%add3A_1255] : memref<184320xf32, #tpu.memory_space<hbm>> -> memref<288xf32, #tpu.memory_space<hbm>>
      %dma_start3A_1284 = tpu.memref_slice %arg7[%add3A_1255] : memref<184320xf32, #tpu.memory_space<hbm>> -> memref<288xf32, #tpu.memory_space<hbm>>
      %dma_start3A_1285 = arith.constant 1728 : i32
      %dma_start3A_1286 = tpu.memref_slice %arg23[%dma_start3A_1285] : memref<5760xf32, #tpu.memory_space<vmem>> -> memref<288xf32, #tpu.memory_space<vmem>>
      tpu.enqueue_dma source(%dma_start3A_1286 : memref<288xf32, #tpu.memory_space<vmem>>) target(%dma_start3A_1284 : memref<288xf32, #tpu.memory_space<hbm>>) target_semaphore(%run_scoped3A : memref<!tpu.dma_semaphore, #tpu.memory_space<semaphore_mem>>)
      %dma_wait3A = arith.constant 1728 : i32
      %dma_wait3A_1287 = tpu.memref_slice %arg23[%dma_wait3A] : memref<5760xf32, #tpu.memory_space<vmem>> -> memref<288xf32, #tpu.memory_space<vmem>>
      %dma_wait3A_1288 = tpu.memref_slice %arg7[%add3A_1255] : memref<184320xf32, #tpu.memory_space<hbm>> -> memref<288xf32, #tpu.memory_space<hbm>>
      %dma_wait3A_1289 = tpu.memref_slice %arg7[%add3A_1255] : memref<184320xf32, #tpu.memory_space<hbm>> -> memref<288xf32, #tpu.memory_space<hbm>>
      %dma_wait3A_1290 = arith.constant 1728 : i32
      %dma_wait3A_1291 = tpu.memref_slice %arg23[%dma_wait3A_1290] : memref<5760xf32, #tpu.memory_space<vmem>> -> memref<288xf32, #tpu.memory_space<vmem>>
      tpu.wait_dma2 semaphore(%run_scoped3A : memref<!tpu.dma_semaphore, #tpu.memory_space<semaphore_mem>>) src(%dma_wait3A_1291 : memref<288xf32, #tpu.memory_space<vmem>>) dst(%dma_wait3A_1289 : memref<288xf32, #tpu.memory_space<hbm>>)
      tpu.yield
    }) : () -> ()
    %add3A_1256 = arith.constant 64512 : i32
    %add3A_1257 = arith.addi %add3A_1256, %mul3A_2 : i32
    "tpu.region"() ({
      %run_scoped3A = tpu.sem_alloc : memref<!tpu.dma_semaphore, #tpu.memory_space<semaphore_mem>>
      %dma_start3A = arith.constant 2016 : i32
      %dma_start3A_1282 = tpu.memref_slice %arg23[%dma_start3A] : memref<5760xf32, #tpu.memory_space<vmem>> -> memref<288xf32, #tpu.memory_space<vmem>>
      %dma_start3A_1283 = tpu.memref_slice %arg7[%add3A_1257] : memref<184320xf32, #tpu.memory_space<hbm>> -> memref<288xf32, #tpu.memory_space<hbm>>
      %dma_start3A_1284 = tpu.memref_slice %arg7[%add3A_1257] : memref<184320xf32, #tpu.memory_space<hbm>> -> memref<288xf32, #tpu.memory_space<hbm>>
      %dma_start3A_1285 = arith.constant 2016 : i32
      %dma_start3A_1286 = tpu.memref_slice %arg23[%dma_start3A_1285] : memref<5760xf32, #tpu.memory_space<vmem>> -> memref<288xf32, #tpu.memory_space<vmem>>
      tpu.enqueue_dma source(%dma_start3A_1286 : memref<288xf32, #tpu.memory_space<vmem>>) target(%dma_start3A_1284 : memref<288xf32, #tpu.memory_space<hbm>>) target_semaphore(%run_scoped3A : memref<!tpu.dma_semaphore, #tpu.memory_space<semaphore_mem>>)
      %dma_wait3A = arith.constant 2016 : i32
      %dma_wait3A_1287 = tpu.memref_slice %arg23[%dma_wait3A] : memref<5760xf32, #tpu.memory_space<vmem>> -> memref<288xf32, #tpu.memory_space<vmem>>
      %dma_wait3A_1288 = tpu.memref_slice %arg7[%add3A_1257] : memref<184320xf32, #tpu.memory_space<hbm>> -> memref<288xf32, #tpu.memory_space<hbm>>
      %dma_wait3A_1289 = tpu.memref_slice %arg7[%add3A_1257] : memref<184320xf32, #tpu.memory_space<hbm>> -> memref<288xf32, #tpu.memory_space<hbm>>
      %dma_wait3A_1290 = arith.constant 2016 : i32
      %dma_wait3A_1291 = tpu.memref_slice %arg23[%dma_wait3A_1290] : memref<5760xf32, #tpu.memory_space<vmem>> -> memref<288xf32, #tpu.memory_space<vmem>>
      tpu.wait_dma2 semaphore(%run_scoped3A : memref<!tpu.dma_semaphore, #tpu.memory_space<semaphore_mem>>) src(%dma_wait3A_1291 : memref<288xf32, #tpu.memory_space<vmem>>) dst(%dma_wait3A_1289 : memref<288xf32, #tpu.memory_space<hbm>>)
      tpu.yield
    }) : () -> ()
    %add3A_1258 = arith.constant 73728 : i32
    %add3A_1259 = arith.addi %add3A_1258, %mul3A_2 : i32
    "tpu.region"() ({
      %run_scoped3A = tpu.sem_alloc : memref<!tpu.dma_semaphore, #tpu.memory_space<semaphore_mem>>
      %dma_start3A = arith.constant 2304 : i32
      %dma_start3A_1282 = tpu.memref_slice %arg23[%dma_start3A] : memref<5760xf32, #tpu.memory_space<vmem>> -> memref<288xf32, #tpu.memory_space<vmem>>
      %dma_start3A_1283 = tpu.memref_slice %arg7[%add3A_1259] : memref<184320xf32, #tpu.memory_space<hbm>> -> memref<288xf32, #tpu.memory_space<hbm>>
      %dma_start3A_1284 = tpu.memref_slice %arg7[%add3A_1259] : memref<184320xf32, #tpu.memory_space<hbm>> -> memref<288xf32, #tpu.memory_space<hbm>>
      %dma_start3A_1285 = arith.constant 2304 : i32
      %dma_start3A_1286 = tpu.memref_slice %arg23[%dma_start3A_1285] : memref<5760xf32, #tpu.memory_space<vmem>> -> memref<288xf32, #tpu.memory_space<vmem>>
      tpu.enqueue_dma source(%dma_start3A_1286 : memref<288xf32, #tpu.memory_space<vmem>>) target(%dma_start3A_1284 : memref<288xf32, #tpu.memory_space<hbm>>) target_semaphore(%run_scoped3A : memref<!tpu.dma_semaphore, #tpu.memory_space<semaphore_mem>>)
      %dma_wait3A = arith.constant 2304 : i32
      %dma_wait3A_1287 = tpu.memref_slice %arg23[%dma_wait3A] : memref<5760xf32, #tpu.memory_space<vmem>> -> memref<288xf32, #tpu.memory_space<vmem>>
      %dma_wait3A_1288 = tpu.memref_slice %arg7[%add3A_1259] : memref<184320xf32, #tpu.memory_space<hbm>> -> memref<288xf32, #tpu.memory_space<hbm>>
      %dma_wait3A_1289 = tpu.memref_slice %arg7[%add3A_1259] : memref<184320xf32, #tpu.memory_space<hbm>> -> memref<288xf32, #tpu.memory_space<hbm>>
      %dma_wait3A_1290 = arith.constant 2304 : i32
      %dma_wait3A_1291 = tpu.memref_slice %arg23[%dma_wait3A_1290] : memref<5760xf32, #tpu.memory_space<vmem>> -> memref<288xf32, #tpu.memory_space<vmem>>
      tpu.wait_dma2 semaphore(%run_scoped3A : memref<!tpu.dma_semaphore, #tpu.memory_space<semaphore_mem>>) src(%dma_wait3A_1291 : memref<288xf32, #tpu.memory_space<vmem>>) dst(%dma_wait3A_1289 : memref<288xf32, #tpu.memory_space<hbm>>)
      tpu.yield
    }) : () -> ()
    %add3A_1260 = arith.constant 82944 : i32
    %add3A_1261 = arith.addi %add3A_1260, %mul3A_2 : i32
    "tpu.region"() ({
      %run_scoped3A = tpu.sem_alloc : memref<!tpu.dma_semaphore, #tpu.memory_space<semaphore_mem>>
      %dma_start3A = arith.constant 2592 : i32
      %dma_start3A_1282 = tpu.memref_slice %arg23[%dma_start3A] : memref<5760xf32, #tpu.memory_space<vmem>> -> memref<288xf32, #tpu.memory_space<vmem>>
      %dma_start3A_1283 = tpu.memref_slice %arg7[%add3A_1261] : memref<184320xf32, #tpu.memory_space<hbm>> -> memref<288xf32, #tpu.memory_space<hbm>>
      %dma_start3A_1284 = tpu.memref_slice %arg7[%add3A_1261] : memref<184320xf32, #tpu.memory_space<hbm>> -> memref<288xf32, #tpu.memory_space<hbm>>
      %dma_start3A_1285 = arith.constant 2592 : i32
      %dma_start3A_1286 = tpu.memref_slice %arg23[%dma_start3A_1285] : memref<5760xf32, #tpu.memory_space<vmem>> -> memref<288xf32, #tpu.memory_space<vmem>>
      tpu.enqueue_dma source(%dma_start3A_1286 : memref<288xf32, #tpu.memory_space<vmem>>) target(%dma_start3A_1284 : memref<288xf32, #tpu.memory_space<hbm>>) target_semaphore(%run_scoped3A : memref<!tpu.dma_semaphore, #tpu.memory_space<semaphore_mem>>)
      %dma_wait3A = arith.constant 2592 : i32
      %dma_wait3A_1287 = tpu.memref_slice %arg23[%dma_wait3A] : memref<5760xf32, #tpu.memory_space<vmem>> -> memref<288xf32, #tpu.memory_space<vmem>>
      %dma_wait3A_1288 = tpu.memref_slice %arg7[%add3A_1261] : memref<184320xf32, #tpu.memory_space<hbm>> -> memref<288xf32, #tpu.memory_space<hbm>>
      %dma_wait3A_1289 = tpu.memref_slice %arg7[%add3A_1261] : memref<184320xf32, #tpu.memory_space<hbm>> -> memref<288xf32, #tpu.memory_space<hbm>>
      %dma_wait3A_1290 = arith.constant 2592 : i32
      %dma_wait3A_1291 = tpu.memref_slice %arg23[%dma_wait3A_1290] : memref<5760xf32, #tpu.memory_space<vmem>> -> memref<288xf32, #tpu.memory_space<vmem>>
      tpu.wait_dma2 semaphore(%run_scoped3A : memref<!tpu.dma_semaphore, #tpu.memory_space<semaphore_mem>>) src(%dma_wait3A_1291 : memref<288xf32, #tpu.memory_space<vmem>>) dst(%dma_wait3A_1289 : memref<288xf32, #tpu.memory_space<hbm>>)
      tpu.yield
    }) : () -> ()
    %add3A_1262 = arith.constant 92160 : i32
    %add3A_1263 = arith.addi %add3A_1262, %mul3A_2 : i32
    "tpu.region"() ({
      %run_scoped3A = tpu.sem_alloc : memref<!tpu.dma_semaphore, #tpu.memory_space<semaphore_mem>>
      %dma_start3A = arith.constant 2880 : i32
      %dma_start3A_1282 = tpu.memref_slice %arg23[%dma_start3A] : memref<5760xf32, #tpu.memory_space<vmem>> -> memref<288xf32, #tpu.memory_space<vmem>>
      %dma_start3A_1283 = tpu.memref_slice %arg7[%add3A_1263] : memref<184320xf32, #tpu.memory_space<hbm>> -> memref<288xf32, #tpu.memory_space<hbm>>
      %dma_start3A_1284 = tpu.memref_slice %arg7[%add3A_1263] : memref<184320xf32, #tpu.memory_space<hbm>> -> memref<288xf32, #tpu.memory_space<hbm>>
      %dma_start3A_1285 = arith.constant 2880 : i32
      %dma_start3A_1286 = tpu.memref_slice %arg23[%dma_start3A_1285] : memref<5760xf32, #tpu.memory_space<vmem>> -> memref<288xf32, #tpu.memory_space<vmem>>
      tpu.enqueue_dma source(%dma_start3A_1286 : memref<288xf32, #tpu.memory_space<vmem>>) target(%dma_start3A_1284 : memref<288xf32, #tpu.memory_space<hbm>>) target_semaphore(%run_scoped3A : memref<!tpu.dma_semaphore, #tpu.memory_space<semaphore_mem>>)
      %dma_wait3A = arith.constant 2880 : i32
      %dma_wait3A_1287 = tpu.memref_slice %arg23[%dma_wait3A] : memref<5760xf32, #tpu.memory_space<vmem>> -> memref<288xf32, #tpu.memory_space<vmem>>
      %dma_wait3A_1288 = tpu.memref_slice %arg7[%add3A_1263] : memref<184320xf32, #tpu.memory_space<hbm>> -> memref<288xf32, #tpu.memory_space<hbm>>
      %dma_wait3A_1289 = tpu.memref_slice %arg7[%add3A_1263] : memref<184320xf32, #tpu.memory_space<hbm>> -> memref<288xf32, #tpu.memory_space<hbm>>
      %dma_wait3A_1290 = arith.constant 2880 : i32
      %dma_wait3A_1291 = tpu.memref_slice %arg23[%dma_wait3A_1290] : memref<5760xf32, #tpu.memory_space<vmem>> -> memref<288xf32, #tpu.memory_space<vmem>>
      tpu.wait_dma2 semaphore(%run_scoped3A : memref<!tpu.dma_semaphore, #tpu.memory_space<semaphore_mem>>) src(%dma_wait3A_1291 : memref<288xf32, #tpu.memory_space<vmem>>) dst(%dma_wait3A_1289 : memref<288xf32, #tpu.memory_space<hbm>>)
      tpu.yield
    }) : () -> ()
    %add3A_1264 = arith.constant 101376 : i32
    %add3A_1265 = arith.addi %add3A_1264, %mul3A_2 : i32
    "tpu.region"() ({
      %run_scoped3A = tpu.sem_alloc : memref<!tpu.dma_semaphore, #tpu.memory_space<semaphore_mem>>
      %dma_start3A = arith.constant 3168 : i32
      %dma_start3A_1282 = tpu.memref_slice %arg23[%dma_start3A] : memref<5760xf32, #tpu.memory_space<vmem>> -> memref<288xf32, #tpu.memory_space<vmem>>
      %dma_start3A_1283 = tpu.memref_slice %arg7[%add3A_1265] : memref<184320xf32, #tpu.memory_space<hbm>> -> memref<288xf32, #tpu.memory_space<hbm>>
      %dma_start3A_1284 = tpu.memref_slice %arg7[%add3A_1265] : memref<184320xf32, #tpu.memory_space<hbm>> -> memref<288xf32, #tpu.memory_space<hbm>>
      %dma_start3A_1285 = arith.constant 3168 : i32
      %dma_start3A_1286 = tpu.memref_slice %arg23[%dma_start3A_1285] : memref<5760xf32, #tpu.memory_space<vmem>> -> memref<288xf32, #tpu.memory_space<vmem>>
      tpu.enqueue_dma source(%dma_start3A_1286 : memref<288xf32, #tpu.memory_space<vmem>>) target(%dma_start3A_1284 : memref<288xf32, #tpu.memory_space<hbm>>) target_semaphore(%run_scoped3A : memref<!tpu.dma_semaphore, #tpu.memory_space<semaphore_mem>>)
      %dma_wait3A = arith.constant 3168 : i32
      %dma_wait3A_1287 = tpu.memref_slice %arg23[%dma_wait3A] : memref<5760xf32, #tpu.memory_space<vmem>> -> memref<288xf32, #tpu.memory_space<vmem>>
      %dma_wait3A_1288 = tpu.memref_slice %arg7[%add3A_1265] : memref<184320xf32, #tpu.memory_space<hbm>> -> memref<288xf32, #tpu.memory_space<hbm>>
      %dma_wait3A_1289 = tpu.memref_slice %arg7[%add3A_1265] : memref<184320xf32, #tpu.memory_space<hbm>> -> memref<288xf32, #tpu.memory_space<hbm>>
      %dma_wait3A_1290 = arith.constant 3168 : i32
      %dma_wait3A_1291 = tpu.memref_slice %arg23[%dma_wait3A_1290] : memref<5760xf32, #tpu.memory_space<vmem>> -> memref<288xf32, #tpu.memory_space<vmem>>
      tpu.wait_dma2 semaphore(%run_scoped3A : memref<!tpu.dma_semaphore, #tpu.memory_space<semaphore_mem>>) src(%dma_wait3A_1291 : memref<288xf32, #tpu.memory_space<vmem>>) dst(%dma_wait3A_1289 : memref<288xf32, #tpu.memory_space<hbm>>)
      tpu.yield
    }) : () -> ()
    %add3A_1266 = arith.constant 110592 : i32
    %add3A_1267 = arith.addi %add3A_1266, %mul3A_2 : i32
    "tpu.region"() ({
      %run_scoped3A = tpu.sem_alloc : memref<!tpu.dma_semaphore, #tpu.memory_space<semaphore_mem>>
      %dma_start3A = arith.constant 3456 : i32
      %dma_start3A_1282 = tpu.memref_slice %arg23[%dma_start3A] : memref<5760xf32, #tpu.memory_space<vmem>> -> memref<288xf32, #tpu.memory_space<vmem>>
      %dma_start3A_1283 = tpu.memref_slice %arg7[%add3A_1267] : memref<184320xf32, #tpu.memory_space<hbm>> -> memref<288xf32, #tpu.memory_space<hbm>>
      %dma_start3A_1284 = tpu.memref_slice %arg7[%add3A_1267] : memref<184320xf32, #tpu.memory_space<hbm>> -> memref<288xf32, #tpu.memory_space<hbm>>
      %dma_start3A_1285 = arith.constant 3456 : i32
      %dma_start3A_1286 = tpu.memref_slice %arg23[%dma_start3A_1285] : memref<5760xf32, #tpu.memory_space<vmem>> -> memref<288xf32, #tpu.memory_space<vmem>>
      tpu.enqueue_dma source(%dma_start3A_1286 : memref<288xf32, #tpu.memory_space<vmem>>) target(%dma_start3A_1284 : memref<288xf32, #tpu.memory_space<hbm>>) target_semaphore(%run_scoped3A : memref<!tpu.dma_semaphore, #tpu.memory_space<semaphore_mem>>)
      %dma_wait3A = arith.constant 3456 : i32
      %dma_wait3A_1287 = tpu.memref_slice %arg23[%dma_wait3A] : memref<5760xf32, #tpu.memory_space<vmem>> -> memref<288xf32, #tpu.memory_space<vmem>>
      %dma_wait3A_1288 = tpu.memref_slice %arg7[%add3A_1267] : memref<184320xf32, #tpu.memory_space<hbm>> -> memref<288xf32, #tpu.memory_space<hbm>>
      %dma_wait3A_1289 = tpu.memref_slice %arg7[%add3A_1267] : memref<184320xf32, #tpu.memory_space<hbm>> -> memref<288xf32, #tpu.memory_space<hbm>>
      %dma_wait3A_1290 = arith.constant 3456 : i32
      %dma_wait3A_1291 = tpu.memref_slice %arg23[%dma_wait3A_1290] : memref<5760xf32, #tpu.memory_space<vmem>> -> memref<288xf32, #tpu.memory_space<vmem>>
      tpu.wait_dma2 semaphore(%run_scoped3A : memref<!tpu.dma_semaphore, #tpu.memory_space<semaphore_mem>>) src(%dma_wait3A_1291 : memref<288xf32, #tpu.memory_space<vmem>>) dst(%dma_wait3A_1289 : memref<288xf32, #tpu.memory_space<hbm>>)
      tpu.yield
    }) : () -> ()
    %add3A_1268 = arith.constant 119808 : i32
    %add3A_1269 = arith.addi %add3A_1268, %mul3A_2 : i32
    "tpu.region"() ({
      %run_scoped3A = tpu.sem_alloc : memref<!tpu.dma_semaphore, #tpu.memory_space<semaphore_mem>>
      %dma_start3A = arith.constant 3744 : i32
      %dma_start3A_1282 = tpu.memref_slice %arg23[%dma_start3A] : memref<5760xf32, #tpu.memory_space<vmem>> -> memref<288xf32, #tpu.memory_space<vmem>>
      %dma_start3A_1283 = tpu.memref_slice %arg7[%add3A_1269] : memref<184320xf32, #tpu.memory_space<hbm>> -> memref<288xf32, #tpu.memory_space<hbm>>
      %dma_start3A_1284 = tpu.memref_slice %arg7[%add3A_1269] : memref<184320xf32, #tpu.memory_space<hbm>> -> memref<288xf32, #tpu.memory_space<hbm>>
      %dma_start3A_1285 = arith.constant 3744 : i32
      %dma_start3A_1286 = tpu.memref_slice %arg23[%dma_start3A_1285] : memref<5760xf32, #tpu.memory_space<vmem>> -> memref<288xf32, #tpu.memory_space<vmem>>
      tpu.enqueue_dma source(%dma_start3A_1286 : memref<288xf32, #tpu.memory_space<vmem>>) target(%dma_start3A_1284 : memref<288xf32, #tpu.memory_space<hbm>>) target_semaphore(%run_scoped3A : memref<!tpu.dma_semaphore, #tpu.memory_space<semaphore_mem>>)
      %dma_wait3A = arith.constant 3744 : i32
      %dma_wait3A_1287 = tpu.memref_slice %arg23[%dma_wait3A] : memref<5760xf32, #tpu.memory_space<vmem>> -> memref<288xf32, #tpu.memory_space<vmem>>
      %dma_wait3A_1288 = tpu.memref_slice %arg7[%add3A_1269] : memref<184320xf32, #tpu.memory_space<hbm>> -> memref<288xf32, #tpu.memory_space<hbm>>
      %dma_wait3A_1289 = tpu.memref_slice %arg7[%add3A_1269] : memref<184320xf32, #tpu.memory_space<hbm>> -> memref<288xf32, #tpu.memory_space<hbm>>
      %dma_wait3A_1290 = arith.constant 3744 : i32
      %dma_wait3A_1291 = tpu.memref_slice %arg23[%dma_wait3A_1290] : memref<5760xf32, #tpu.memory_space<vmem>> -> memref<288xf32, #tpu.memory_space<vmem>>
      tpu.wait_dma2 semaphore(%run_scoped3A : memref<!tpu.dma_semaphore, #tpu.memory_space<semaphore_mem>>) src(%dma_wait3A_1291 : memref<288xf32, #tpu.memory_space<vmem>>) dst(%dma_wait3A_1289 : memref<288xf32, #tpu.memory_space<hbm>>)
      tpu.yield
    }) : () -> ()
    %add3A_1270 = arith.constant 129024 : i32
    %add3A_1271 = arith.addi %add3A_1270, %mul3A_2 : i32
    "tpu.region"() ({
      %run_scoped3A = tpu.sem_alloc : memref<!tpu.dma_semaphore, #tpu.memory_space<semaphore_mem>>
      %dma_start3A = arith.constant 4032 : i32
      %dma_start3A_1282 = tpu.memref_slice %arg23[%dma_start3A] : memref<5760xf32, #tpu.memory_space<vmem>> -> memref<288xf32, #tpu.memory_space<vmem>>
      %dma_start3A_1283 = tpu.memref_slice %arg7[%add3A_1271] : memref<184320xf32, #tpu.memory_space<hbm>> -> memref<288xf32, #tpu.memory_space<hbm>>
      %dma_start3A_1284 = tpu.memref_slice %arg7[%add3A_1271] : memref<184320xf32, #tpu.memory_space<hbm>> -> memref<288xf32, #tpu.memory_space<hbm>>
      %dma_start3A_1285 = arith.constant 4032 : i32
      %dma_start3A_1286 = tpu.memref_slice %arg23[%dma_start3A_1285] : memref<5760xf32, #tpu.memory_space<vmem>> -> memref<288xf32, #tpu.memory_space<vmem>>
      tpu.enqueue_dma source(%dma_start3A_1286 : memref<288xf32, #tpu.memory_space<vmem>>) target(%dma_start3A_1284 : memref<288xf32, #tpu.memory_space<hbm>>) target_semaphore(%run_scoped3A : memref<!tpu.dma_semaphore, #tpu.memory_space<semaphore_mem>>)
      %dma_wait3A = arith.constant 4032 : i32
      %dma_wait3A_1287 = tpu.memref_slice %arg23[%dma_wait3A] : memref<5760xf32, #tpu.memory_space<vmem>> -> memref<288xf32, #tpu.memory_space<vmem>>
      %dma_wait3A_1288 = tpu.memref_slice %arg7[%add3A_1271] : memref<184320xf32, #tpu.memory_space<hbm>> -> memref<288xf32, #tpu.memory_space<hbm>>
      %dma_wait3A_1289 = tpu.memref_slice %arg7[%add3A_1271] : memref<184320xf32, #tpu.memory_space<hbm>> -> memref<288xf32, #tpu.memory_space<hbm>>
      %dma_wait3A_1290 = arith.constant 4032 : i32
      %dma_wait3A_1291 = tpu.memref_slice %arg23[%dma_wait3A_1290] : memref<5760xf32, #tpu.memory_space<vmem>> -> memref<288xf32, #tpu.memory_space<vmem>>
      tpu.wait_dma2 semaphore(%run_scoped3A : memref<!tpu.dma_semaphore, #tpu.memory_space<semaphore_mem>>) src(%dma_wait3A_1291 : memref<288xf32, #tpu.memory_space<vmem>>) dst(%dma_wait3A_1289 : memref<288xf32, #tpu.memory_space<hbm>>)
      tpu.yield
    }) : () -> ()
    %add3A_1272 = arith.constant 138240 : i32
    %add3A_1273 = arith.addi %add3A_1272, %mul3A_2 : i32
    "tpu.region"() ({
      %run_scoped3A = tpu.sem_alloc : memref<!tpu.dma_semaphore, #tpu.memory_space<semaphore_mem>>
      %dma_start3A = arith.constant 4320 : i32
      %dma_start3A_1282 = tpu.memref_slice %arg23[%dma_start3A] : memref<5760xf32, #tpu.memory_space<vmem>> -> memref<288xf32, #tpu.memory_space<vmem>>
      %dma_start3A_1283 = tpu.memref_slice %arg7[%add3A_1273] : memref<184320xf32, #tpu.memory_space<hbm>> -> memref<288xf32, #tpu.memory_space<hbm>>
      %dma_start3A_1284 = tpu.memref_slice %arg7[%add3A_1273] : memref<184320xf32, #tpu.memory_space<hbm>> -> memref<288xf32, #tpu.memory_space<hbm>>
      %dma_start3A_1285 = arith.constant 4320 : i32
      %dma_start3A_1286 = tpu.memref_slice %arg23[%dma_start3A_1285] : memref<5760xf32, #tpu.memory_space<vmem>> -> memref<288xf32, #tpu.memory_space<vmem>>
      tpu.enqueue_dma source(%dma_start3A_1286 : memref<288xf32, #tpu.memory_space<vmem>>) target(%dma_start3A_1284 : memref<288xf32, #tpu.memory_space<hbm>>) target_semaphore(%run_scoped3A : memref<!tpu.dma_semaphore, #tpu.memory_space<semaphore_mem>>)
      %dma_wait3A = arith.constant 4320 : i32
      %dma_wait3A_1287 = tpu.memref_slice %arg23[%dma_wait3A] : memref<5760xf32, #tpu.memory_space<vmem>> -> memref<288xf32, #tpu.memory_space<vmem>>
      %dma_wait3A_1288 = tpu.memref_slice %arg7[%add3A_1273] : memref<184320xf32, #tpu.memory_space<hbm>> -> memref<288xf32, #tpu.memory_space<hbm>>
      %dma_wait3A_1289 = tpu.memref_slice %arg7[%add3A_1273] : memref<184320xf32, #tpu.memory_space<hbm>> -> memref<288xf32, #tpu.memory_space<hbm>>
      %dma_wait3A_1290 = arith.constant 4320 : i32
      %dma_wait3A_1291 = tpu.memref_slice %arg23[%dma_wait3A_1290] : memref<5760xf32, #tpu.memory_space<vmem>> -> memref<288xf32, #tpu.memory_space<vmem>>
      tpu.wait_dma2 semaphore(%run_scoped3A : memref<!tpu.dma_semaphore, #tpu.memory_space<semaphore_mem>>) src(%dma_wait3A_1291 : memref<288xf32, #tpu.memory_space<vmem>>) dst(%dma_wait3A_1289 : memref<288xf32, #tpu.memory_space<hbm>>)
      tpu.yield
    }) : () -> ()
    %add3A_1274 = arith.constant 147456 : i32
    %add3A_1275 = arith.addi %add3A_1274, %mul3A_2 : i32
    "tpu.region"() ({
      %run_scoped3A = tpu.sem_alloc : memref<!tpu.dma_semaphore, #tpu.memory_space<semaphore_mem>>
      %dma_start3A = arith.constant 4608 : i32
      %dma_start3A_1282 = tpu.memref_slice %arg23[%dma_start3A] : memref<5760xf32, #tpu.memory_space<vmem>> -> memref<288xf32, #tpu.memory_space<vmem>>
      %dma_start3A_1283 = tpu.memref_slice %arg7[%add3A_1275] : memref<184320xf32, #tpu.memory_space<hbm>> -> memref<288xf32, #tpu.memory_space<hbm>>
      %dma_start3A_1284 = tpu.memref_slice %arg7[%add3A_1275] : memref<184320xf32, #tpu.memory_space<hbm>> -> memref<288xf32, #tpu.memory_space<hbm>>
      %dma_start3A_1285 = arith.constant 4608 : i32
      %dma_start3A_1286 = tpu.memref_slice %arg23[%dma_start3A_1285] : memref<5760xf32, #tpu.memory_space<vmem>> -> memref<288xf32, #tpu.memory_space<vmem>>
      tpu.enqueue_dma source(%dma_start3A_1286 : memref<288xf32, #tpu.memory_space<vmem>>) target(%dma_start3A_1284 : memref<288xf32, #tpu.memory_space<hbm>>) target_semaphore(%run_scoped3A : memref<!tpu.dma_semaphore, #tpu.memory_space<semaphore_mem>>)
      %dma_wait3A = arith.constant 4608 : i32
      %dma_wait3A_1287 = tpu.memref_slice %arg23[%dma_wait3A] : memref<5760xf32, #tpu.memory_space<vmem>> -> memref<288xf32, #tpu.memory_space<vmem>>
      %dma_wait3A_1288 = tpu.memref_slice %arg7[%add3A_1275] : memref<184320xf32, #tpu.memory_space<hbm>> -> memref<288xf32, #tpu.memory_space<hbm>>
      %dma_wait3A_1289 = tpu.memref_slice %arg7[%add3A_1275] : memref<184320xf32, #tpu.memory_space<hbm>> -> memref<288xf32, #tpu.memory_space<hbm>>
      %dma_wait3A_1290 = arith.constant 4608 : i32
      %dma_wait3A_1291 = tpu.memref_slice %arg23[%dma_wait3A_1290] : memref<5760xf32, #tpu.memory_space<vmem>> -> memref<288xf32, #tpu.memory_space<vmem>>
      tpu.wait_dma2 semaphore(%run_scoped3A : memref<!tpu.dma_semaphore, #tpu.memory_space<semaphore_mem>>) src(%dma_wait3A_1291 : memref<288xf32, #tpu.memory_space<vmem>>) dst(%dma_wait3A_1289 : memref<288xf32, #tpu.memory_space<hbm>>)
      tpu.yield
    }) : () -> ()
    %add3A_1276 = arith.constant 156672 : i32
    %add3A_1277 = arith.addi %add3A_1276, %mul3A_2 : i32
    "tpu.region"() ({
      %run_scoped3A = tpu.sem_alloc : memref<!tpu.dma_semaphore, #tpu.memory_space<semaphore_mem>>
      %dma_start3A = arith.constant 4896 : i32
      %dma_start3A_1282 = tpu.memref_slice %arg23[%dma_start3A] : memref<5760xf32, #tpu.memory_space<vmem>> -> memref<288xf32, #tpu.memory_space<vmem>>
      %dma_start3A_1283 = tpu.memref_slice %arg7[%add3A_1277] : memref<184320xf32, #tpu.memory_space<hbm>> -> memref<288xf32, #tpu.memory_space<hbm>>
      %dma_start3A_1284 = tpu.memref_slice %arg7[%add3A_1277] : memref<184320xf32, #tpu.memory_space<hbm>> -> memref<288xf32, #tpu.memory_space<hbm>>
      %dma_start3A_1285 = arith.constant 4896 : i32
      %dma_start3A_1286 = tpu.memref_slice %arg23[%dma_start3A_1285] : memref<5760xf32, #tpu.memory_space<vmem>> -> memref<288xf32, #tpu.memory_space<vmem>>
      tpu.enqueue_dma source(%dma_start3A_1286 : memref<288xf32, #tpu.memory_space<vmem>>) target(%dma_start3A_1284 : memref<288xf32, #tpu.memory_space<hbm>>) target_semaphore(%run_scoped3A : memref<!tpu.dma_semaphore, #tpu.memory_space<semaphore_mem>>)
      %dma_wait3A = arith.constant 4896 : i32
      %dma_wait3A_1287 = tpu.memref_slice %arg23[%dma_wait3A] : memref<5760xf32, #tpu.memory_space<vmem>> -> memref<288xf32, #tpu.memory_space<vmem>>
      %dma_wait3A_1288 = tpu.memref_slice %arg7[%add3A_1277] : memref<184320xf32, #tpu.memory_space<hbm>> -> memref<288xf32, #tpu.memory_space<hbm>>
      %dma_wait3A_1289 = tpu.memref_slice %arg7[%add3A_1277] : memref<184320xf32, #tpu.memory_space<hbm>> -> memref<288xf32, #tpu.memory_space<hbm>>
      %dma_wait3A_1290 = arith.constant 4896 : i32
      %dma_wait3A_1291 = tpu.memref_slice %arg23[%dma_wait3A_1290] : memref<5760xf32, #tpu.memory_space<vmem>> -> memref<288xf32, #tpu.memory_space<vmem>>
      tpu.wait_dma2 semaphore(%run_scoped3A : memref<!tpu.dma_semaphore, #tpu.memory_space<semaphore_mem>>) src(%dma_wait3A_1291 : memref<288xf32, #tpu.memory_space<vmem>>) dst(%dma_wait3A_1289 : memref<288xf32, #tpu.memory_space<hbm>>)
      tpu.yield
    }) : () -> ()
    %add3A_1278 = arith.constant 165888 : i32
    %add3A_1279 = arith.addi %add3A_1278, %mul3A_2 : i32
    "tpu.region"() ({
      %run_scoped3A = tpu.sem_alloc : memref<!tpu.dma_semaphore, #tpu.memory_space<semaphore_mem>>
      %dma_start3A = arith.constant 5184 : i32
      %dma_start3A_1282 = tpu.memref_slice %arg23[%dma_start3A] : memref<5760xf32, #tpu.memory_space<vmem>> -> memref<288xf32, #tpu.memory_space<vmem>>
      %dma_start3A_1283 = tpu.memref_slice %arg7[%add3A_1279] : memref<184320xf32, #tpu.memory_space<hbm>> -> memref<288xf32, #tpu.memory_space<hbm>>
      %dma_start3A_1284 = tpu.memref_slice %arg7[%add3A_1279] : memref<184320xf32, #tpu.memory_space<hbm>> -> memref<288xf32, #tpu.memory_space<hbm>>
      %dma_start3A_1285 = arith.constant 5184 : i32
      %dma_start3A_1286 = tpu.memref_slice %arg23[%dma_start3A_1285] : memref<5760xf32, #tpu.memory_space<vmem>> -> memref<288xf32, #tpu.memory_space<vmem>>
      tpu.enqueue_dma source(%dma_start3A_1286 : memref<288xf32, #tpu.memory_space<vmem>>) target(%dma_start3A_1284 : memref<288xf32, #tpu.memory_space<hbm>>) target_semaphore(%run_scoped3A : memref<!tpu.dma_semaphore, #tpu.memory_space<semaphore_mem>>)
      %dma_wait3A = arith.constant 5184 : i32
      %dma_wait3A_1287 = tpu.memref_slice %arg23[%dma_wait3A] : memref<5760xf32, #tpu.memory_space<vmem>> -> memref<288xf32, #tpu.memory_space<vmem>>
      %dma_wait3A_1288 = tpu.memref_slice %arg7[%add3A_1279] : memref<184320xf32, #tpu.memory_space<hbm>> -> memref<288xf32, #tpu.memory_space<hbm>>
      %dma_wait3A_1289 = tpu.memref_slice %arg7[%add3A_1279] : memref<184320xf32, #tpu.memory_space<hbm>> -> memref<288xf32, #tpu.memory_space<hbm>>
      %dma_wait3A_1290 = arith.constant 5184 : i32
      %dma_wait3A_1291 = tpu.memref_slice %arg23[%dma_wait3A_1290] : memref<5760xf32, #tpu.memory_space<vmem>> -> memref<288xf32, #tpu.memory_space<vmem>>
      tpu.wait_dma2 semaphore(%run_scoped3A : memref<!tpu.dma_semaphore, #tpu.memory_space<semaphore_mem>>) src(%dma_wait3A_1291 : memref<288xf32, #tpu.memory_space<vmem>>) dst(%dma_wait3A_1289 : memref<288xf32, #tpu.memory_space<hbm>>)
      tpu.yield
    }) : () -> ()
    %add3A_1280 = arith.constant 175104 : i32
    %add3A_1281 = arith.addi %add3A_1280, %mul3A_2 : i32
    "tpu.region"() ({
      %run_scoped3A = tpu.sem_alloc : memref<!tpu.dma_semaphore, #tpu.memory_space<semaphore_mem>>
      %dma_start3A = arith.constant 5472 : i32
      %dma_start3A_1282 = tpu.memref_slice %arg23[%dma_start3A] : memref<5760xf32, #tpu.memory_space<vmem>> -> memref<288xf32, #tpu.memory_space<vmem>>
      %dma_start3A_1283 = tpu.memref_slice %arg7[%add3A_1281] : memref<184320xf32, #tpu.memory_space<hbm>> -> memref<288xf32, #tpu.memory_space<hbm>>
      %dma_start3A_1284 = tpu.memref_slice %arg7[%add3A_1281] : memref<184320xf32, #tpu.memory_space<hbm>> -> memref<288xf32, #tpu.memory_space<hbm>>
      %dma_start3A_1285 = arith.constant 5472 : i32
      %dma_start3A_1286 = tpu.memref_slice %arg23[%dma_start3A_1285] : memref<5760xf32, #tpu.memory_space<vmem>> -> memref<288xf32, #tpu.memory_space<vmem>>
      tpu.enqueue_dma source(%dma_start3A_1286 : memref<288xf32, #tpu.memory_space<vmem>>) target(%dma_start3A_1284 : memref<288xf32, #tpu.memory_space<hbm>>) target_semaphore(%run_scoped3A : memref<!tpu.dma_semaphore, #tpu.memory_space<semaphore_mem>>)
      %dma_wait3A = arith.constant 5472 : i32
      %dma_wait3A_1287 = tpu.memref_slice %arg23[%dma_wait3A] : memref<5760xf32, #tpu.memory_space<vmem>> -> memref<288xf32, #tpu.memory_space<vmem>>
      %dma_wait3A_1288 = tpu.memref_slice %arg7[%add3A_1281] : memref<184320xf32, #tpu.memory_space<hbm>> -> memref<288xf32, #tpu.memory_space<hbm>>
      %dma_wait3A_1289 = tpu.memref_slice %arg7[%add3A_1281] : memref<184320xf32, #tpu.memory_space<hbm>> -> memref<288xf32, #tpu.memory_space<hbm>>
      %dma_wait3A_1290 = arith.constant 5472 : i32
      %dma_wait3A_1291 = tpu.memref_slice %arg23[%dma_wait3A_1290] : memref<5760xf32, #tpu.memory_space<vmem>> -> memref<288xf32, #tpu.memory_space<vmem>>
      tpu.wait_dma2 semaphore(%run_scoped3A : memref<!tpu.dma_semaphore, #tpu.memory_space<semaphore_mem>>) src(%dma_wait3A_1291 : memref<288xf32, #tpu.memory_space<vmem>>) dst(%dma_wait3A_1289 : memref<288xf32, #tpu.memory_space<hbm>>)
      tpu.yield
    }) : () -> ()
    return
  }
}

</mosaic_0001>

<sc_bundles>
// kernel: _run_sc.3.cloned.1.call-start
scs
__scs_entry_jumppad:
0x0: {  	(pc) =	sbr.rel $0x88, $3  }
0x1: {  	(tag) =	ssettag $0x0;
	lr =	simm.s32 $0x1  }
0x2: {  	[smem:$0x3F9E] =	sst lr;
	_ =	strace $0xD0000000  }
0x3: {  	_ = 	snop  }
0x4: {  	_ = 	snop  }
0x5: {  	_ = 	snop  }
0x6: {  	_ = 	snop  }
0x7: {  	_ = 	snop  }
__scs_overlays_trampoline_lowered:
0x8: {  	[smem:$0x3FAD] =	sst s0  }
0x9: {  	[smem:$0x3FAE] =	sst s1  }
0xa: {  	[smem:$0x3FAF] =	sst s2  }
0xb: {  	[smem:$0x3FB0] =	sst s3  }
0xc: {  	[smem:$0x3FB1] =	sst s4  }
0xd: {  	[smem:$0x3FB2] =	sst s5  }
0xe: {  	[smem:$0x3FB3] =	sst s6  }
0xf: {  	[smem:$0x3FB4] =	sst s7  }
0x10: {  	[smem:$0x3FB5] =	sst s8  }
0x11: {  	[smem:$0x3FB6] =	sst s9;
	s0 =	simm.s32 @!p0 $0x0  }
0x12: {  	s1 =	sld [smem:$0x3F9C];
	s0 =	simm.s32 @p0 $0x1  }
0x13: {  	[smem:$0x3FB7] =	sst s0;
	s0 =	simm.s32 @!p1 $0x0  }
0x14: {  	s2 =	sld [smem:$0x3F9B];
	s0 =	simm.s32 @p1 $0x1  }
0x15: {  	[smem:$0x3FB8] =	sst s0;
	s0 =	simm.s32 @!p2 $0x0  }
0x16: {  	s3 =	sld [smem:$0x3FDB];
	s0 =	simm.s32 @p2 $0x1  }
0x17: {  	s4 =	simm.s32 $0x1BF5;
	[smem:$0x3FBA] =	sst s0  }
0x18: {  	s0 =	sld [smem:$0x3F9D];
	_ =	swait.ge [sflag:s4], $0x0  }
0x19: {  	s7 =	sld [smem:$0x3F9E]  }
0x1a: {  	s8 =	sadd.s32 $0xFFFFE003, lr  }
0x1b: {  	s9 =	sadd.s32 $0xFFFFFEF7, lr;
	s5 =	simm.s32 $0xFFFFFFFF;
	p2 =	slt.u32 s8, $0xFFFFF086  }
0x1c: {  	p1 =	slt.u32 s9, $0xF7A;
	s5 =	simm.s32 @!p2 $0x0  }
0x1d: {  	s5 =	simm.s32 @p1 $0x1;
	p0 =	seq.s32 s7, s2  }
0x1e: {  	s7 =	smul.u32 @!p0 $0xF7A, s2;
	p2 =	seq.s32 @!p0 s5, $0x0  }
0x1f: {  	s9 =	smul.u32 $0xF7A, s1;
	s8 =	simm.s32 @!p0 $0x1BF5;
	p2 =	por !p2, p0  }
0x20: {  	[sflag:s8] =	ssyncset.s32 @!p0 $0xFFFFF086;
	s6 =	sadd.s32 @!p0 s3, s7;
	s7 =	simm.s32 @!p0 $0x108  }
0x21: {  	s3 =	sadd.s32 s3, s9;
	s6 =	sadd.s32 @!p0 $0x88, s6;
	s7 =	simm.s32 @p2 $0x1082  }
0x22: {  	[simem:s7], [sflag:s8] =	dma.local @!p0 [hbm:s6], $0xF7A  }
0x23: {  	s9 =	sor.u32 $0xD0000000, s2;
	s6 =	simm.s32 $0x108;
	_ =	swait.ge @!p0 [sflag:s8], $0x0  }
0x24: {  	s3 =	sadd.s32 $0x88, s3;
	s6 =	simm.s32 @!p1 $0x1082;
	[sflag:s4] =	ssyncset.s32 $0xFFFFF086  }
0x25: {  	[simem:s6], [sflag:s4] =	dma.local [hbm:s3], $0xF7A  }
0x26: {  	[smem:$0x3F9E] =	sst s1;
	(tag) =	ssettag s2;
	_ =	strace s9  }
0x27: {  	s1 =	sld [smem:$0x3FAE]  }
0x28: {  	s2 =	sld [smem:$0x3FAF]  }
0x29: {  	s4 =	sld [smem:$0x3FB1]  }
0x2a: {  	p0 =	seq.s32 s5, $0x0;
	s5 =	sld [smem:$0x3FB2]  }
0x2b: {  	s6 =	sld [smem:$0x3FB3]  }
0x2c: {  	s7 =	sld [smem:$0x3FB4]  }
0x2d: {  	s3 =	simm.s32 $0x108;
	s8 =	sld [smem:$0x3FB5]  }
0x2e: {  	s3 =	simm.s32 @!p0 $0x1082;
	s9 =	sld [smem:$0x3FB6]  }
0x2f: {  	lr =	sadd.s32 s0, s3;
	s0 =	sld [smem:$0x3FAD]  }
0x30: {  	s3 =	sld [smem:$0x3FB0]  }
0x31: {  	[smem:$0x3FB9] =	sst s10  }
0x32: {  	s10 =	sld [smem:$0x3FB7];
	_ =	sdelay $0x3  }
0x33: {  	p0 =	seq.s32 s10, $0x1;
	s10 =	sld [smem:$0x3FB9];
	_ =	sdelay $0x3  }
0x34: {  	[smem:$0x3FB9] =	sst s10  }
0x35: {  	s10 =	sld [smem:$0x3FB8];
	_ =	sdelay $0x3  }
0x36: {  	p1 =	seq.s32 s10, $0x1;
	s10 =	sld [smem:$0x3FB9];
	_ =	sdelay $0x3  }
0x37: {  	[smem:$0x3FB9] =	sst s10  }
0x38: {  	s10 =	sld [smem:$0x3FBA]  }
0x39: {  	_ = 	snop;
	(pc) =	sbr.ind lr, $3  }
0x3a: {  	_ = 	snop  }
0x3b: {  	_ = 	snop  }
0x3c: {  	p2 =	seq.s32 s10, $0x1;
	s10 =	sld [smem:$0x3FB9]  }
0x3d: {  	_ =	shalt  }
0x3e: {  	_ =	shalt  }
0x3f: {  	_ =	shalt  }
0x40: {  	_ =	shalt  }
0x41: {  	_ =	shalt  }
0x42: {  	_ =	shalt  }
0x43: {  	_ =	shalt  }
0x44: {  	_ =	shalt  }
0x45: {  	_ =	shalt  }
0x46: {  	_ =	shalt  }
0x47: {  	_ =	shalt  }
0x48: {  	_ =	shalt  }
0x49: {  	_ =	shalt  }
0x4a: {  	_ =	shalt  }
0x4b: {  	_ =	shalt  }
0x4c: {  	_ =	shalt  }
0x4d: {  	_ =	shalt  }
0x4e: {  	_ =	shalt  }
0x4f: {  	_ =	shalt  }
0x50: {  	_ =	shalt  }
0x51: {  	_ =	shalt  }
0x52: {  	_ =	shalt  }
0x53: {  	_ =	shalt  }
0x54: {  	_ =	shalt  }
0x55: {  	_ =	shalt  }
0x56: {  	_ =	shalt  }
0x57: {  	_ =	shalt  }
0x58: {  	_ =	shalt  }
0x59: {  	_ =	shalt  }
0x5a: {  	_ =	shalt  }
0x5b: {  	_ =	shalt  }
0x5c: {  	_ =	shalt  }
0x5d: {  	_ =	shalt  }
0x5e: {  	_ =	shalt  }
0x5f: {  	_ =	shalt  }
0x60: {  	_ =	shalt  }
0x61: {  	_ =	shalt  }
0x62: {  	_ =	shalt  }
0x63: {  	_ =	shalt  }
0x64: {  	_ =	shalt  }
0x65: {  	_ =	shalt  }
0x66: {  	_ =	shalt  }
0x67: {  	_ =	shalt  }
0x68: {  	_ =	shalt  }
0x69: {  	_ =	shalt  }
0x6a: {  	_ =	shalt  }
0x6b: {  	_ =	shalt  }
0x6c: {  	_ =	shalt  }
0x6d: {  	_ =	shalt  }
0x6e: {  	_ =	shalt  }
0x6f: {  	_ =	shalt  }
0x70: {  	_ =	shalt  }
0x71: {  	_ =	shalt  }
0x72: {  	_ =	shalt  }
0x73: {  	_ =	shalt  }
0x74: {  	_ =	shalt  }
0x75: {  	_ =	shalt  }
0x76: {  	_ =	shalt  }
0x77: {  	_ =	shalt  }
0x78: {  	_ =	shalt  }
0x79: {  	_ =	shalt  }
0x7a: {  	_ =	shalt  }
0x7b: {  	_ =	shalt  }
0x7c: {  	_ =	shalt  }
0x7d: {  	_ =	shalt  }
0x7e: {  	_ =	shalt  }
0x7f: {  	_ =	shalt  }
0x80: {  	_ =	shalt  }
0x81: {  	_ =	shalt  }
0x82: {  	_ =	shalt  }
0x83: {  	_ =	shalt  }
0x84: {  	_ =	shalt  }
0x85: {  	_ =	shalt  }
0x86: {  	_ =	shalt  }
0x87: {  	_ =	shalt  }
.Lfunc_end0:
.L_simem_size_0:
called_computation_lowered:
.L_overlay_start_0:
0x88: {  	s2 =	sld [smem:$0x3FD9]  }
0x89: {  	s3 =	sld [smem:$0x3FFE];
	_ =	sdelay $0x1  }
0x8a: {  	s1 =	srdreg.scid  }
0x8b: {  	s0 =	sand.u32 $0x1, s1  }
0x8c: {  	s14 =	sshll.u32 s0, $0xA;
	s2 =	sadd.s32 s3, s2  }
0x8d: {  	s2 =	sadd.s32 s2, s14  }
0x8e: {  	[smem:$0x3FC5] =	sst s2  }
0x8f: {  	_ = 	snop  }
0x90: {  	s2 =	sld [smem:$0x3FD0];
	_ =	sdelay $0x1  }
0x91: {  	s15 =	sld [smem:$0x3FC8]  }
0x92: {  	s5 =	simm.s32 $0xA;
	s6 =	simm.s32 $0x10;
	s4 =	sld [smem:$0x3FC7]  }
0x93: {  	[smem:s6], [sflag:s5] =	dma.local [hbm:s2], $0x1  }
0x94: {  	_ =	swait.eq [sflag:s5], $0x1  }
0x95: {  	s16 =	sld [smem:$0x10];
	[sflag:s5] =	ssyncset.done $0x0  }
0x96: {  	s17 =	sld [smem:$0x11];
	[sflag:s5] =	ssyncadd.s32 $0xFFFFFFFF  }
0x97: {  	s18 =	sld [smem:$0x12];
	(tm) =	ssettm $0x1  }
0x98: {  	s7 =	sld [smem:$0x3FFB];
	_ =	sdelay $0x3  }
0x99: {  	_ =	strace s7  }
0x9a: {  	s7 =	sld [smem:$0x3FFC];
	_ =	sdelay $0x3  }
0x9b: {  	_ =	strace s7  }
0x9c: {  	s7 =	sld [smem:$0x3FFD];
	_ =	sdelay $0x3  }
0x9d: {  	_ =	strace s7  }
0x9e: {  	_ =	strace $0x8FFFFFFF  }
0x9f: {  	s19 =	sld [smem:$0x3FDB];
	_ =	sdelay $0x1  }
0xa0: {  	s8 =	simm.s32 $_scs_section_size  }
0xa1: {  	s9 =	simm.s32 $_size__tile_overlayer_lowered;
	s10 =	simm.s32 $_tile_overlayer_lowered  }
0xa2: {  	s22 =	simm.s32 $0x1BFF;
	s21 =	sshll.u32 s10, $0x1;
	s7 =	sadd.s32 s8, s19  }
0xa3: {  	s11 =	simm.s32 $0x0;
	s20 =	sshll.u32 s9, $0x1;
	s9 =	sadd.s32 s21, s7  }
0xa4: {  	[timem:s11], [sflag:s22] =	dma.local [hbm:s9], s20  }
0xa5: {  	_ =	swait.ge [sflag:s22], s20  }
0xa6: {  	s8 =	ssub.s32 $0x0, s20;
	[sflag:s22] =	ssyncset.done $0x0  }
0xa7: {  	[sflag:s22] =	ssyncadd.s32 s8;
	_ =	sdelay $0x1  }
0xa8: {  	s23 =	simm.s32 $0x1B8B  }
0xa9: {  	_ =	swait.ge [sflag:s23], $0x1  }
0xaa: {  	[sflag:s23] =	ssyncset.done $0x0  }
0xab: {  	s25 =	simm.s32 $0x1B8E;
	s24 =	sld [smem:$0x3FFE];
	[sflag:s23] =	ssyncadd.s32 $0xFFFFFFFF  }
0xac: {  	s26 =	simm.s32 $execute0_lowered;
	[smem:$0x3FD2] =	sst s25  }
0xad: {  	s9 =	sshll.u32 s26, $0x1;
	_ =	strace $0x80000046;
	[dreg:$0x1] =	wrdreg $0xFFFFFFFF  }
0xae: {  	s28 =	simm.s32 $_size_execute0_lowered;
	s7 =	sadd.s32 s7, s9;
	[dreg:$0x0] =	wrdreg $0x0  }
0xaf: {  	s9 =	sshll.u32 s28, $0x1;
	[dreg:$0x2] =	wrdreg s7  }
0xb0: {  	[dreg:$0x3] =	wrdreg s9  }
0xb1: {  	[dreg:$0x4] =	wrdreg $0xC0  }
0xb2: {  	_ =	task [dreg:s11], $0x5FFFF  }
0xb3: {  	[dreg:$0x1] =	wrdreg $0xFFFFFFFF  }
0xb4: {  	[dreg:$0x0] =	wrdreg $0x60  }
0xb5: {  	[dreg:$0x2] =	wrdreg s24  }
0xb6: {  	[dreg:$0x3] =	wrdreg s15  }
0xb7: {  	[dreg:$0x4] =	wrdreg s4  }
0xb8: {  	[dreg:$0x5] =	wrdreg s16  }
0xb9: {  	[dreg:$0x6] =	wrdreg s17  }
0xba: {  	[dreg:$0x7] =	wrdreg s18  }
0xbb: {  	[dreg:$0x8] =	wrdreg $0x9  }
0xbc: {  	_ =	task.clear_ibuf [dreg:s11], $0x9FFFF;
	_ =	strace $0x90000046  }
0xbd: {  	s29 =	simm.s32 $0x9;
	_ =	strace $0x80000048  }
0xbe: {  	_ =	swait.ge [sflag:s29], $0x1  }
0xbf: {  	[sflag:s29] =	ssyncadd.s32 $0xFFFFFFFF  }
0xc0: {  	_ =	strace $0x90000048  }
0xc1: {  	_ =	sfence  }
0xc2: {  	s30 =	sld [smem:$0x0];
	_ =	sdelay $0x2  }
0xc3: {  	s31 =	sshll.u32 s1, $0xD;
	s1 =	sshrl.u32 s1, $0x2  }
0xc4: {  	s3 =	sand.u32 $0x4000, s31;
	s1 =	sadd.s32 s1, s30  }
0xc5: {  	s0 =	sor.u32 s3, s0;
	s1 =	sshll.u32 s1, $0x11  }
0xc6: {  	s0 =	sor.u32 s1, s0  }
0xc7: {  	s0 =	sadd.s32 $0x8F2B, s0  }
0xc8: {  	[sflag:s0] =	ssyncadd.remote.s32 $0x1  }
0xc9: {  	_ =	sfence.sel $0xFFFF  }
0xca: {  	[dreg:$0x0] =	wrdreg $0xFFFFFFFF;
	(pc) =	sbr.abs _section_cstart, $3  }
0xcb: {  	[dreg:$0x1] =	wrdreg $0xFFFFFFFF  }
0xcc: {  	_ =	task.clear_ibuf [dreg:s11], $0x2FFFF;
	_ =	strace $0x9FFFFFFF  }
0xcd: {  	(tm) =	ssettm $0x7FFFFFFF  }
tec
execute0_lowered:
.L_overlay_start_1:
0x0: {  	(tag) =	ssettag $0x1  }
0x1: {  	s0 =	rddreg [dreg:$0x0]  }
0x2: {  	s1 =	rddreg [dreg:$0x3]  }
0x3: {  	s2 =	srdreg.scid;
	s4 =	stileid.u32  }
0x4: {  	s3 =	rddreg [dreg:$0x4];
	s2 =	sand.u32 $0x1, s2;
	s4 =	sshll.u32 s4, $0x1  }
0x5: {  	s5 =	rddreg [dreg:$0x5];
	s6 =	sor.u32 s2, s4;
	s2 =	ssub.s32 $0x2, s2  }
0x6: {  	s4 =	simm.s32 $0x0;
	s7 =	smul.u32 $0x300, s6;
	s8 =	sshrl.u32 s2, $0x1  }
0x7: {  	[smem:$0x7FF] =	sst s4;
	s6 =	smul.u32 $0x120, s6;
	s2 =	ssub.s32 s2, s8  }
0x8: {  	_ =	strace $0x80000047;
	s0 =	sadd.s32 s7, s0;
	s25 =	smax.u32 s2, $0x1  }
0x9: {  	s6 =	sshrl.u32 s6, $0x3;
	s0 =	sadd.s32 $0x600, s0;
	[dreg:$0x1a] =	wrdreg s25  }
0xa: {  	s31 =	sadd.s32 s1, s6;
	[dreg:$0x7] =	wrdreg s0  }
0xb: {  	s1 =	sadd.s32 s3, s6;
	s7 =	sadd.s32 $0x480, s6;
	[dreg:$0x8] =	wrdreg s31  }
0xc: {  	s9 =	sadd.s32 $0x900, s6;
	[dreg:$0x9] =	wrdreg s1;
	s11 =	sadd.s32 s3, s7  }
0xd: {  	s10 =	sadd.s32 $0xD80, s6;
	s12 =	sadd.s32 s3, s9;
	[dreg:$0xa] =	wrdreg s11  }
0xe: {  	s3 =	sadd.s32 s3, s10;
	[dreg:$0xb] =	wrdreg s12  }
0xf: {  	s0 =	sadd.s32 s5, s7;
	[dreg:$0xc] =	wrdreg s3  }
0x10: {  	s13 =	sadd.s32 s5, s9;
	[dreg:$0xd] =	wrdreg s0  }
0x11: {  	s14 =	sadd.s32 s5, s10;
	s11 =	sadd.s32 s5, s6;
	[dreg:$0xe] =	wrdreg s13  }
0x12: {  	[dreg:$0xf] =	wrdreg s14;
	s15 =	sadd.s32 $0x1200, s11  }
0x13: {  	s16 =	sadd.s32 $0x1680, s11;
	[dreg:$0x10] =	wrdreg s15  }
0x14: {  	s17 =	sadd.s32 $0x1B00, s11;
	[dreg:$0x11] =	wrdreg s16  }
0x15: {  	s8 =	simm.s32 $0x1F80;
	s18 =	sadd.s32 $0x1F80, s11;
	[dreg:$0x12] =	wrdreg s17  }
0x16: {  	s2 =	simm.s32 $0x1D80;
	s19 =	sadd.s32 $0x2400, s11;
	[dreg:$0x13] =	wrdreg s18  }
0x17: {  	s1 =	simm.s32 $0x1D00;
	s20 =	sadd.s32 $0x2880, s11;
	[dreg:$0x14] =	wrdreg s19  }
0x18: {  	s7 =	simm.s32 $0x1F00;
	s21 =	sadd.s32 $0x2D00, s11;
	[dreg:$0x15] =	wrdreg s20  }
0x19: {  	s9 =	simm.s32 $0x2000;
	s22 =	sadd.s32 $0x3180, s11;
	[dreg:$0x16] =	wrdreg s21  }
0x1a: {  	s10 =	simm.s32 $0x2080;
	s23 =	sadd.s32 $0x3600, s11;
	[dreg:$0x17] =	wrdreg s22  }
0x1b: {  	s0 =	simm.s32 $0x1;
	s24 =	sadd.s32 $0x3A80, s11;
	[dreg:$0x18] =	wrdreg s23  }
0x1c: {  	s5 =	simm.s32 $0x1E00;
	s26 =	sadd.s32 $0x3F00, s11;
	[dreg:$0x19] =	wrdreg s24  }
0x1d: {  	s6 =	simm.s32 $0x1E80;
	s28 =	sadd.s32 $0x4380, s11;
	[dreg:$0x1b] =	wrdreg s26  }
0x1e: {  	s12 =	simm.s32 $0x2100;
	s29 =	sadd.s32 $0x4800, s11;
	[dreg:$0x1c] =	wrdreg s28  }
0x1f: {  	s13 =	simm.s32 $0x2180;
	s30 =	sadd.s32 $0x4C80, s11;
	[dreg:$0x1d] =	wrdreg s29  }
0x20: {  	v0 =	vimm.s32 $0xFFFFFF81;
	v1 =	vimm.f32 $-2.000000000e+00;
	s14 =	simm.s32 $0x2800;
	s31 =	sadd.s32 $0x5100, s11;
	[dreg:$0x1e] =	wrdreg s30  }
0x21: {  	v2 =	vimm.f32 $1.000000000e+00;
	v3 =	vimm.f32 $0.0e+00;
	v4 =	vlaneseq.u32;
	s3 =	sadd.s32 $0x5580, s11;
	[dreg:$0x1f] =	wrdreg s31;
	s15 =	simm.s32 $0x0  }
.LBB2_1:
0x22: {  	s16 =	rddreg [dreg:$0x7]  }
0x23: {  	[tilespmem:s4], [sflag:$0x1] =	stream.linear.gather [hbm4b:s16+s4], $0x1800, $0x38;
	[tilespmem:$0x3E80] =	vst v63  }
0x24: {  	_ =	swait.ge [sflag:s0], $0x1800  }
0x25: {  	[sflag:s0] =	ssyncset.done $0x0  }
0x26: {  	[sflag:s0] =	ssyncadd.s32 $0xFFFFE800  }
0x27: {  	s17 =	simm.s32 $0x1800;
	s29 =	rddreg [dreg:$0x1]  }
0x28: {  	[tilespmem:s17], [sflag:$0x1] =	stream.linear.gather [hbm4b:s29+s4], $0x280, $0x38;
	[tilespmem:$0x3E80] =	vst v63  }
0x29: {  	_ =	swait.ge [sflag:s0], $0x280  }
0x2a: {  	[sflag:s0] =	ssyncset.done $0x0  }
0x2b: {  	[sflag:s0] =	ssyncadd.s32 $0xFFFFFD80  }
0x2c: {  	s31 =	simm.s32 $0x1C00;
	s30 =	rddreg [dreg:$0x2]  }
0x2d: {  	[tilespmem:s31], [sflag:$0x1] =	stream.linear.gather [hbm4b:s30+s4], $0x100, $0x38;
	[tilespmem:$0x3E80] =	vst v63  }
0x2e: {  	_ =	swait.ge [sflag:s0], $0x100  }
0x2f: {  	[sflag:s0] =	ssyncset.done $0x0  }
0x30: {  	[sflag:s0] =	ssyncadd.s32 $0xFFFFFF00  }
0x31: {  	v19 =	vld [tilespmem:$0x1800]  }
0x32: {  	v16 =	vld [tilespmem:$0x1900];
	_ =	sdelay $0x4  }
0x33: {  	v5 =	vsub.f32 v16, v19  }
0x34: {  	v18 =	vld [tilespmem:$0x1880]  }
0x35: {  	v15 =	vld [tilespmem:$0x1980];
	v21 =	vadd.f32 $1.000000000e+00, v5;
	_ =	sdelay $0x1  }
0x36: {  	v5 =	vand.u32 $0x7FFFFF, v21  }
0x37: {  	v5 =	vor.u32 $0x3F800000, v5  }
0x38: {  	v6 =	vmul.f32 $5.000000000e-01, v5  }
0x39: {  	v7 =	vsub.f32 v15, v18;
	vm2 =	vgt.f32 v5, $1.414213540e+00  }
0x3a: {  	v5 =	vsel vm2, v6, v5  }
0x3b: {  	v22 =	vadd.f32 $1.000000000e+00, v7;
	v6 =	vadd.f32 $1.000000000e+00, v5  }
0x3c: {  	v8 =	vld [tilespmem:$0x1810]  }
0x3d: {  	v7 =	vld [tilespmem:$0x1910];
	(erf) = vrcp.f32 v6;
	v6 =	vand.u32 $0x7FFFFF, v22  }
0x3e: {  	v6 =	vor.u32 $0x3F800000, v6  }
0x3f: {  	v9 =	vmul.f32 $5.000000000e-01, v6  }
0x40: {  	vm0 =	vgt.f32 v6, $1.414213540e+00  }
0x41: {  	v6 =	vsel vm0, v9, v6  }
0x42: {  	v41 =	vsub.f32 v7, v8;
	v9 =	vadd.f32 $1.000000000e+00, v6;
	_ =	sdelay $0x1  }
0x43: {  	v23 =	vadd.f32 $1.000000000e+00, v41;
	(erf) = vrcp.f32 v9  }
0x44: {  	v5 =	vadd.f32 $-1.000000000e+00, v5  }
0x45: {  	v12 =	vand.u32 $0x7FFFFF, v23;
	v10 =	vpop (erf)  }
0x46: {  	v11 =	vld [tilespmem:$0x1890];
	v12 =	vor.u32 $0x3F800000, v12;
	v10 =	vmul.f32 v10, v5  }
0x47: {  	v42 =	vmul.f32 $5.000000000e-01, v21;
	v14 =	vmul.f32 $5.000000000e-01, v12;
	v9 =	vld [tilespmem:$0x1990]  }
0x48: {  	v26 =	vmul.f32 $5.000000000e-01, v22;
	vm1 =	vgt.f32 v12, $1.414213540e+00;
	v5 =	vmul.f32 v10, v10  }
0x49: {  	v45 =	vshrl.u32 v21, $0x17;
	v47 =	vshrl.u32 v22, $0x17;
	v12 =	vsel vm1, v14, v12  }
0x4a: {  	v25 =	vadd.f32 v42, v19;
	v24 =	vadd.f32 $1.000000000e+00, v12;
	v13 =	vmul.f32 $1.428571490e-01, v5  }
0x4b: {  	v30 =	vsel vm2, $0xFFFFFF82, v0;
	v55 =	vmul.f32 $5.000000000e-01, v23;
	v6 =	vadd.f32 $-1.000000000e+00, v6  }
0x4c: {  	v20 =	vsub.f32 v9, v11;
	v13 =	vadd.f32 $2.000000030e-01, v13;
	v17 =	vpop (erf);
	(erf) = vrcp.f32 v24  }
0x4d: {  	v62 =	vshrl.u32 v23, $0x17;
	v50 =	vsel vm0, $0xFFFFFF82, v0;
	v17 =	vmul.f32 v17, v6  }
0x4e: {  	v36 =	vsel vm1, $0xFFFFFF82, v0;
	v27 =	vadd.f32 $1.000000000e+00, v20;
	v6 =	vmul.f32 v13, v5  }
0x4f: {  	v12 =	vadd.f32 $-1.000000000e+00, v12;
	v20 =	vand.u32 $0xFF, v45;
	v43 =	vmul.f32 v17, v17  }
0x50: {  	v20 =	vadd.s32 v20, v30;
	v44 =	vadd.f32 $3.333333430e-01, v6;
	v6 =	vand.u32 $0x7FFFFF, v27  }
0x51: {  	v20 =	vcvt.s32.f32 v20;
	v46 =	vmul.f32 $1.428571490e-01, v43;
	v28 =	vor.u32 $0x3F800000, v6;
	v6 =	vld [tilespmem:$0x1820]  }
0x52: {  	v10 =	vadd.f32 v10, v10;
	v14 =	vmul.f32 v44, v5;
	v29 =	vmul.f32 $5.000000000e-01, v28;
	v5 =	vld [tilespmem:$0x1920]  }
0x53: {  	v24 =	vadd.f32 v26, v18;
	vm6 =	vgt.f32 v28, $1.414213540e+00;
	v26 =	vadd.f32 $2.000000030e-01, v46  }
0x54: {  	v61 =	vmul.f32 $5.000000000e-01, v27;
	v20 =	vmul.f32 $6.931471820e-01, v20;
	v28 =	vsel vm6, v29, v28  }
0x55: {  	v17 =	vadd.f32 v17, v17;
	v26 =	vmul.f32 v26, v43;
	v29 =	vadd.f32 $1.000000000e+00, v28;
	v48 =	vpop (erf)  }
0x56: {  	v42 =	vsel vm6, $0xFFFFFF82, v0;
	v14 =	vadd.f32 $1.000000000e+00, v14;
	v30 =	vmul.f32 v48, v12  }
0x57: {  	v26 =	vadd.f32 $3.333333430e-01, v26;
	(erf) = vrcp.f32 v29;
	v49 =	vsub.f32 v5, v6  }
0x58: {  	v56 =	vadd.f32 $-1.000000000e+00, v28;
	v10 =	vmul.f32 v14, v10;
	v14 =	vand.u32 $0xFF, v47  }
0x59: {  	v31 =	vmul.f32 v30, v30;
	v13 =	vmul.f32 v26, v43;
	v26 =	vadd.f32 $1.000000000e+00, v49  }
0x5a: {  	v28 =	vadd.f32 v55, v8;
	v47 =	vshrl.u32 v27, $0x17;
	v12 =	vadd.s32 v14, v50;
	v14 =	vld [tilespmem:$0x18A0]  }
0x5b: {  	v33 =	vmul.f32 $1.428571490e-01, v31;
	v51 =	vadd.f32 $1.000000000e+00, v13;
	v32 =	vand.u32 $0x7FFFFF, v26;
	v13 =	vld [tilespmem:$0x19A0]  }
0x5c: {  	v29 =	vadd.f32 v61, v11;
	v40 =	vand.u32 $0xFF, v47;
	v34 =	vor.u32 $0x3F800000, v32  }
0x5d: {  	v12 =	vcvt.s32.f32 v12;
	v54 =	vadd.f32 $2.000000030e-01, v33;
	v53 =	vmul.f32 $5.000000000e-01, v34  }
0x5e: {  	v30 =	vadd.f32 v30, v30;
	v32 =	vadd.f32 v10, v20;
	vm7 =	vgt.f32 v34, $1.414213540e+00  }
0x5f: {  	v52 =	vmul.f32 v51, v17;
	v57 =	vmul.f32 v54, v31;
	v17 =	vsel vm7, v53, v34  }
0x60: {  	v12 =	vmul.f32 $6.931471820e-01, v12;
	v58 =	vpop (erf);
	v59 =	vadd.f32 $1.000000000e+00, v17;
	v60 =	vsub.f32 v13, v14  }
0x61: {  	v20 =	vand.u32 $0xFF, v62;
	v10 =	vadd.f32 $3.333333430e-01, v57;
	v33 =	vmul.f32 v58, v56  }
0x62: {  	v35 =	vadd.f32 v52, v12;
	v12 =	vld [tilespmem:$0x1830];
	(erf) = vrcp.f32 v59;
	v41 =	vadd.f32 $1.000000000e+00, v60  }
0x63: {  	v20 =	vadd.s32 v20, v36;
	v31 =	vmul.f32 v10, v31;
	v10 =	vld [tilespmem:$0x1930];
	v63 =	vmul.f32 v33, v33  }
0x64: {  	v39 =	vcvt.s32.f32 v20;
	v52 =	vadd.s32 v40, v42;
	v38 =	vand.u32 $0x7FFFFF, v41  }
0x65: {  	v31 =	vadd.f32 $1.000000000e+00, v31;
	v37 =	vmul.f32 $1.428571490e-01, v63;
	v38 =	vor.u32 $0x3F800000, v38  }
0x66: {  	v17 =	vadd.f32 $-1.000000000e+00, v17;
	v51 =	vmul.f32 $6.931471820e-01, v39;
	v45 =	vmul.f32 $5.000000000e-01, v38  }
0x67: {  	v30 =	vmul.f32 v31, v30;
	vm3 =	vgt.f32 v38, $1.414213540e+00;
	v44 =	vadd.f32 $2.000000030e-01, v37  }
0x68: {  	v33 =	vadd.f32 v33, v33;
	v49 =	vsub.f32 v10, v12;
	v37 =	vsel vm3, v45, v38  }
0x69: {  	v38 =	vcvt.s32.f32 v52;
	v36 =	vadd.f32 v30, v51;
	v46 =	vmul.f32 v44, v63  }
0x6a: {  	v48 =	vadd.f32 $1.000000000e+00, v37;
	v31 =	vadd.f32 $1.000000000e+00, v49;
	v49 =	vshrl.u32 v26, $0x17  }
0x6b: {  	v59 =	vadd.f32 $-1.000000000e+00, v37;
	v38 =	vmul.f32 $6.931471820e-01, v38;
	v51 =	vand.u32 $0xFF, v49  }
0x6c: {  	v43 =	vadd.f32 $3.333333430e-01, v46;
	v50 =	vpop (erf);
	(erf) = vrcp.f32 v48;
	v54 =	vand.u32 $0x7FFFFF, v31  }
0x6d: {  	v20 =	vld [tilespmem:$0x18B0];
	v46 =	vsel vm7, $0xFFFFFF82, v0;
	v48 =	vmul.f32 $5.000000000e-01, v41;
	v44 =	vmul.f32 v50, v17  }
0x6e: {  	v17 =	vld [tilespmem:$0x19B0];
	v40 =	vor.u32 $0x3F800000, v54;
	v52 =	vadd.s32 v51, v46;
	v34 =	vmul.f32 v43, v63  }
0x6f: {  	v56 =	vmul.f32 $5.000000000e-01, v40;
	vm8 =	vgt.f32 v40, $1.414213540e+00;
	v43 =	vmul.f32 v22, v21  }
0x70: {  	v48 =	vadd.f32 v48, v14;
	v53 =	vmul.f32 v44, v44;
	v44 =	vadd.f32 v44, v44  }
0x71: {  	v34 =	vadd.f32 $1.000000000e+00, v34;
	v42 =	vsel vm8, v56, v40;
	v40 =	vmul.f32 v27, v23  }
0x72: {  	v27 =	vcvt.s32.f32 v52;
	v55 =	vmul.f32 $1.428571490e-01, v53;
	v58 =	vadd.f32 $1.000000000e+00, v42  }
0x73: {  	[tilespmem:$0x1F00] =	vst v43;
	v43 =	vmul.f32 $5.000000000e-01, v31;
	v42 =	vadd.f32 $-1.000000000e+00, v42;
	v57 =	vsub.f32 v17, v20  }
0x74: {  	v34 =	vmul.f32 v34, v33;
	v27 =	vmul.f32 $6.931471820e-01, v27;
	v30 =	vadd.f32 $2.000000030e-01, v55  }
0x75: {  	v43 =	vadd.f32 v43, v12;
	(erf) = vrcp.f32 v58;
	v33 =	vadd.f32 $1.000000000e+00, v57  }
0x76: {  	v58 =	vsel vm3, $0xFFFFFF82, v0;
	v38 =	vadd.f32 v34, v38;
	v60 =	vmul.f32 v30, v53;
	v61 =	vpop (erf)  }
0x77: {  	v34 =	vmul.f32 v41, v26;
	v62 =	vand.u32 $0x7FFFFF, v33;
	v63 =	vmul.f32 v61, v59  }
0x78: {  	v26 =	vmul.f32 $5.000000000e-01, v26;
	v21 =	vor.u32 $0x3F800000, v62;
	v23 =	vadd.f32 $3.333333430e-01, v60  }
0x79: {  	v41 =	vshrl.u32 v41, $0x17;
	v50 =	vmul.f32 $5.000000000e-01, v21;
	v45 =	vmul.f32 v63, v63  }
0x7a: {  	v22 =	vld [tilespmem:$0x1840];
	v41 =	vand.u32 $0xFF, v41;
	vm9 =	vgt.f32 v21, $1.414213540e+00;
	v23 =	vmul.f32 v23, v53  }
0x7b: {  	v41 =	vadd.s32 v41, v58;
	v47 =	vsel vm9, v50, v21;
	v21 =	vld [tilespmem:$0x1940];
	v53 =	vmul.f32 $1.428571490e-01, v45  }
0x7c: {  	v61 =	vshrl.u32 v31, $0x17;
	v54 =	vadd.f32 $1.000000000e+00, v47;
	v23 =	vadd.f32 $1.000000000e+00, v23  }
0x7d: {  	v31 =	vmul.f32 v33, v31;
	v41 =	vcvt.s32.f32 v41;
	v37 =	vadd.f32 $2.000000030e-01, v53  }
0x7e: {  	v39 =	vadd.f32 v26, v6;
	v56 =	vpop (erf);
	(erf) = vrcp.f32 v54;
	v23 =	vmul.f32 v23, v44  }
0x7f: {  	v30 =	vadd.f32 v63, v63;
	v42 =	vmul.f32 v56, v42;
	v55 =	vmul.f32 v37, v45  }
0x80: {  	v26 =	vld [tilespmem:$0x18C0];
	v63 =	vand.u32 $0xFF, v61;
	v61 =	vmul.f32 $6.931471820e-01, v41;
	v57 =	vsub.f32 v21, v22  }
0x81: {  	v37 =	vadd.f32 v23, v27;
	v23 =	vld [tilespmem:$0x19C0];
	v49 =	vmul.f32 v42, v42;
	v44 =	vadd.f32 $3.333333430e-01, v55  }
0x82: {  	v47 =	vadd.f32 $-1.000000000e+00, v47;
	v55 =	vsel vm8, $0xFFFFFF82, v0;
	v27 =	vadd.f32 $1.000000000e+00, v57  }
0x83: {  	[tilespmem:$0x1D00] =	vst v19;
	v60 =	vmul.f32 $1.428571490e-01, v49;
	v19 =	vadd.s32 v63, v55;
	v44 =	vmul.f32 v44, v45  }
0x84: {  	v57 =	vadd.f32 v42, v42;
	v19 =	vcvt.s32.f32 v19;
	v59 =	vand.u32 $0x7FFFFF, v27  }
0x85: {  	v46 =	vadd.f32 $2.000000030e-01, v60;
	v45 =	vor.u32 $0x3F800000, v59;
	v44 =	vadd.f32 $1.000000000e+00, v44  }
0x86: {  	[tilespmem:$0x1E80] =	vst v15;
	v15 =	vld [tilespmem:$0x18D0];
	v52 =	vsub.f32 v23, v26;
	v63 =	vmul.f32 $6.931471820e-01, v19;
	v50 =	vmul.f32 $5.000000000e-01, v45  }
0x87: {  	[tilespmem:$0x1D80] =	vst v18;
	v19 =	vld [tilespmem:$0x19D0];
	vm10 =	vgt.f32 v45, $1.414213540e+00;
	v46 =	vmul.f32 v46, v49;
	v51 =	vpop (erf);
	v44 =	vmul.f32 v44, v30  }
0x88: {  	[tilespmem:$0x1E00] =	vst v16;
	v30 =	vadd.f32 $1.000000000e+00, v52;
	v47 =	vmul.f32 v51, v47;
	v45 =	vsel vm10, v50, v45  }
0x89: {  	v16 =	vld [tilespmem:$0x1850];
	[tilespmem:$0x1E20] =	vst v5;
	v5 =	vmul.f32 $5.000000000e-01, v33;
	v46 =	vadd.f32 $3.333333430e-01, v46;
	v50 =	vadd.f32 $1.000000000e+00, v45  }
0x8a: {  	v18 =	vld [tilespmem:$0x1950];
	[tilespmem:$0x2080] =	vst v32;
	v62 =	vand.u32 $0x7FFFFF, v30;
	v32 =	vadd.f32 v44, v61;
	v52 =	vmul.f32 v47, v47  }
0x8b: {  	v53 =	vadd.f32 $-1.000000000e+00, v45;
	v46 =	vmul.f32 v46, v49;
	(erf) = vrcp.f32 v50  }
0x8c: {  	v61 =	vsub.f32 v19, v15;
	v50 =	vor.u32 $0x3F800000, v62;
	v54 =	vmul.f32 $1.428571490e-01, v52  }
0x8d: {  	v44 =	vsel vm10, $0xFFFFFF82, v0;
	v56 =	vmul.f32 $5.000000000e-01, v50;
	v58 =	vadd.f32 $1.000000000e+00, v46  }
0x8e: {  	[tilespmem:$0x1E90] =	vst v9;
	vm11 =	vgt.f32 v50, $1.414213540e+00;
	v9 =	vadd.f32 $1.000000000e+00, v61;
	v51 =	vadd.f32 $2.000000030e-01, v54  }
0x8f: {  	[tilespmem:$0x1D10] =	vst v8;
	v46 =	vsel vm11, v56, v50;
	v62 =	vmul.f32 v58, v57;
	v56 =	vsub.f32 v18, v16  }
0x90: {  	[tilespmem:$0x1D90] =	vst v11;
	v57 =	vshrl.u32 v33, $0x17;
	v50 =	vadd.f32 $1.000000000e+00, v46;
	v60 =	vmul.f32 v51, v52  }
0x91: {  	[tilespmem:$0x2000] =	vst v24;
	v59 =	vld [tilespmem:$0x1A00];
	v58 =	vadd.f32 v47, v47;
	v8 =	vand.u32 $0xFF, v57;
	v24 =	vadd.f32 $1.000000000e+00, v56  }
0x92: {  	[tilespmem:$0x1E10] =	vst v7;
	(erf) = vrcp.f32 v50;
	v51 =	vadd.f32 $3.333333430e-01, v60;
	v60 =	vsel vm9, $0xFFFFFF82, v0  }
0x93: {  	[tilespmem:$0x1F80] =	vst v25;
	v25 =	vadd.f32 v62, v63;
	v7 =	vadd.s32 v8, v60;
	v8 =	vand.u32 $0x7FFFFF, v24  }
0x94: {  	[tilespmem:$0x1D50] =	vst v16;
	v54 =	vmul.f32 v51, v52;
	v55 =	vpop (erf);
	v8 =	vor.u32 $0x3F800000, v8;
	v7 =	vcvt.s32.f32 v7  }
0x95: {  	[tilespmem:$0x2100] =	vst v35;
	v50 =	vadd.f32 $-1.000000000e+00, v46;
	v35 =	vmul.f32 v55, v53;
	v51 =	vmul.f32 $5.000000000e-01, v8  }
0x96: {  	[tilespmem:$0x2180] =	vst v59;
	vm12 =	vgt.f32 v8, $1.414213540e+00;
	v53 =	vand.u32 $0x7FFFFF, v9;
	v59 =	vadd.f32 $1.000000000e+00, v54  }
0x97: {  	[tilespmem:$0x1DD0] =	vst v15;
	v41 =	vmul.f32 v35, v35;
	v54 =	vsel vm12, v51, v8;
	v8 =	vor.u32 $0x3F800000, v53  }
0x98: {  	[tilespmem:$0x1E50] =	vst v18;
	v45 =	vadd.f32 v35, v35;
	v62 =	vmul.f32 v59, v58;
	v56 =	vadd.f32 $1.000000000e+00, v54  }
0x99: {  	[tilespmem:$0x1D20] =	vst v6;
	v11 =	vld [tilespmem:$0x1960];
	v57 =	vmul.f32 $5.000000000e-01, v8;
	v58 =	vmul.f32 $6.931471820e-01, v7;
	vm13 =	vgt.f32 v8, $1.414213540e+00  }
0x9a: {  	[tilespmem:$0x1F90] =	vst v28;
	v53 =	vadd.f32 $-1.000000000e+00, v54;
	v54 =	vsel vm11, $0xFFFFFF82, v0;
	v63 =	vmul.f32 $1.428571490e-01, v41  }
0x9b: {  	[tilespmem:$0x2090] =	vst v36;
	v6 =	vld [tilespmem:$0x19E0];
	v52 =	vpop (erf);
	(erf) = vrcp.f32 v56;
	v59 =	vsel vm13, v57, v8;
	v36 =	vadd.f32 v62, v58  }
0x9c: {  	[tilespmem:$0x2010] =	vst v29;
	v8 =	vld [tilespmem:$0x18E0];
	v62 =	vshrl.u32 v27, $0x17;
	v42 =	vadd.f32 $2.000000030e-01, v63;
	v28 =	vmul.f32 v52, v50  }
0x9d: {  	[tilespmem:$0x1DA0] =	vst v14;
	v7 =	vld [tilespmem:$0x1860];
	v61 =	vadd.f32 $1.000000000e+00, v59;
	v14 =	vand.u32 $0xFF, v62;
	v52 =	vshrl.u32 v30, $0x17  }
0x9e: {  	[tilespmem:$0x1E60] =	vst v11;
	v14 =	vadd.s32 v14, v44;
	v55 =	vmul.f32 v42, v41;
	v46 =	vmul.f32 v28, v28  }
0x9f: {  	[tilespmem:$0x1EA0] =	vst v13;
	v58 =	vadd.f32 $-1.000000000e+00, v59;
	(erf) = vrcp.f32 v61;
	v14 =	vcvt.s32.f32 v14  }
0xa0: {  	[tilespmem:$0x1DB0] =	vst v20;
	v28 =	vadd.f32 v28, v28;
	v42 =	vshrl.u32 v9, $0x17;
	v29 =	vadd.f32 $3.333333430e-01, v55  }
0xa1: {  	[tilespmem:$0x1D30] =	vst v12;
	v49 =	vld [tilespmem:$0x1A10];
	v60 =	vmul.f32 $1.428571490e-01, v46;
	v51 =	vsub.f32 v6, v8;
	v14 =	vmul.f32 $6.931471820e-01, v14  }
0xa2: {  	[tilespmem:$0x1E30] =	vst v10;
	v29 =	vmul.f32 v29, v41;
	v41 =	vadd.f32 v5, v20;
	v5 =	vsub.f32 v11, v7  }
0xa3: {  	[tilespmem:$0x2020] =	vst v48;
	v63 =	vadd.f32 $2.000000030e-01, v60;
	v13 =	vadd.f32 $1.000000000e+00, v51;
	v51 =	vand.u32 $0xFF, v52  }
0xa4: {  	[tilespmem:$0x1F30] =	vst v31;
	v31 =	vadd.s32 v51, v54;
	v54 =	vmul.f32 $5.000000000e-01, v27;
	v5 =	vadd.f32 $1.000000000e+00, v5  }
0xa5: {  	[tilespmem:$0x1F10] =	vst v40;
	v29 =	vadd.f32 $1.000000000e+00, v29;
	v47 =	vmul.f32 v63, v46;
	v55 =	vpop (erf);
	v60 =	vand.u32 $0x7FFFFF, v13  }
0xa6: {  	[tilespmem:$0x2190] =	vst v49;
	v49 =	vld [tilespmem:$0x1A20];
	v31 =	vcvt.s32.f32 v31;
	v33 =	vmul.f32 v55, v53;
	v57 =	vand.u32 $0x7FFFFF, v5  }
0xa7: {  	[tilespmem:$0x1FA0] =	vst v39;
	v39 =	vor.u32 $0x3F800000, v60;
	v50 =	vadd.f32 $3.333333430e-01, v47;
	v59 =	vor.u32 $0x3F800000, v57  }
0xa8: {  	[tilespmem:$0x1D40] =	vst v22;
	v22 =	vadd.f32 v54, v22;
	v60 =	vmul.f32 v30, v27;
	v63 =	vmul.f32 $5.000000000e-01, v59  }
0xa9: {  	[tilespmem:$0x2110] =	vst v38;
	v56 =	vmul.f32 v50, v46;
	vm14 =	vgt.f32 v59, $1.414213540e+00;
	v46 =	vmul.f32 $5.000000000e-01, v39  }
0xaa: {  	[tilespmem:$0x1F20] =	vst v34;
	v29 =	vmul.f32 v29, v45;
	vm15 =	vgt.f32 v39, $1.414213540e+00;
	v38 =	vsel vm14, v63, v59  }
0xab: {  	[tilespmem:$0x21A0] =	vst v49;
	v61 =	vmul.f32 v33, v33;
	v62 =	vpop (erf);
	v34 =	vsel vm15, v46, v39;
	v49 =	vadd.f32 $1.000000000e+00, v38  }
0xac: {  	[tilespmem:$0x1EB0] =	vst v17;
	v57 =	vmul.f32 $5.000000000e-01, v30;
	v45 =	vmul.f32 v62, v58;
	v52 =	vadd.f32 $1.000000000e+00, v34  }
0xad: {  	[tilespmem:$0x1FB0] =	vst v43;
	v51 =	vshrl.u32 v5, $0x17;
	v58 =	vmul.f32 $6.931471820e-01, v31;
	(erf) = vrcp.f32 v49  }
0xae: {  	[tilespmem:$0x1DC0] =	vst v26;
	v14 =	vadd.f32 v29, v14;
	v62 =	vsel vm13, $0xFFFFFF82, v0;
	(erf) = vrcp.f32 v52  }
0xaf: {  	[tilespmem:$0x1EE0] =	vst v6;
	v47 =	vmul.f32 $1.428571490e-01, v61;
	v26 =	vadd.f32 v57, v26;
	v57 =	vshrl.u32 v13, $0x17  }
0xb0: {  	[tilespmem:$0x2120] =	vst v32;
	v48 =	vmul.f32 v45, v45;
	v32 =	vadd.f32 $1.000000000e+00, v56;
	v56 =	vsel vm12, $0xFFFFFF82, v0  }
0xb1: {  	[tilespmem:$0x1E40] =	vst v21;
	v20 =	vadd.f32 v45, v45;
	v45 =	vmul.f32 v9, v24;
	v9 =	vmul.f32 $5.000000000e-01, v9  }
0xb2: {  	[tilespmem:$0x2130] =	vst v36;
	v10 =	vadd.f32 $2.000000030e-01, v47;
	v36 =	vadd.f32 $-1.000000000e+00, v38;
	v53 =	vmul.f32 $1.428571490e-01, v48  }
0xb3: {  	[tilespmem:$0x20A0] =	vst v37;
	v37 =	vadd.f32 $-1.000000000e+00, v34;
	v38 =	vshrl.u32 v24, $0x17;
	v24 =	vmul.f32 $5.000000000e-01, v24  }
0xb4: {  	[tilespmem:$0x1FC0] =	vst v22;
	v28 =	vmul.f32 v32, v28;
	v22 =	vand.u32 $0xFF, v38;
	v55 =	vadd.f32 $2.000000030e-01, v53  }
0xb5: {  	[tilespmem:$0x2030] =	vst v41;
	v9 =	vadd.f32 v9, v15;
	v10 =	vmul.f32 v10, v61;
	v41 =	vadd.s32 v22, v56  }
0xb6: {  	[tilespmem:$0x20C0] =	vst v14;
	v16 =	vadd.f32 v24, v16;
	v14 =	vcvt.s32.f32 v41;
	v32 =	vmul.f32 v55, v48;
	v63 =	vpop (erf)  }
0xb7: {  	[tilespmem:$0x20B0] =	vst v25;
	v25 =	vadd.f32 v28, v58;
	v58 =	vmul.f32 v13, v5;
	v39 =	vpop (erf);
	v21 =	vmul.f32 v63, v36  }
0xb8: {  	[tilespmem:$0x1EC0] =	vst v23;
	v5 =	vmul.f32 $5.000000000e-01, v5;
	v59 =	vadd.f32 $3.333333430e-01, v32;
	v40 =	vmul.f32 v39, v37  }
0xb9: {  	[tilespmem:$0x1ED0] =	vst v19;
	v52 =	vand.u32 $0xFF, v51;
	v13 =	vmul.f32 $5.000000000e-01, v13;
	v43 =	vmul.f32 v21, v21  }
0xba: {  	[tilespmem:$0x1D60] =	vst v7;
	v50 =	vld [tilespmem:$0x1A30];
	v10 =	vadd.f32 $3.333333430e-01, v10;
	v12 =	vmul.f32 v59, v48;
	v44 =	vmul.f32 v40, v40  }
0xbb: {  	[tilespmem:$0x1DE0] =	vst v8;
	v14 =	vmul.f32 $6.931471820e-01, v14;
	v5 =	vadd.f32 v5, v7;
	v46 =	vmul.f32 $1.428571490e-01, v43  }
0xbc: {  	[tilespmem:$0x1F40] =	vst v60;
	v8 =	vadd.f32 v13, v8;
	v12 =	vadd.f32 $1.000000000e+00, v12;
	v47 =	vmul.f32 $1.428571490e-01, v44  }
0xbd: {  	[tilespmem:$0x2040] =	vst v26;
	v10 =	vmul.f32 v10, v61;
	v61 =	vadd.f32 v33, v33;
	v18 =	vadd.f32 $2.000000030e-01, v46  }
0xbe: {  	[tilespmem:$0x1F50] =	vst v45;
	v12 =	vmul.f32 v12, v20;
	v20 =	vand.u32 $0xFF, v42;
	v49 =	vadd.f32 $2.000000030e-01, v47  }
0xbf: {  	[tilespmem:$0x21B0] =	vst v50;
	v50 =	vld [tilespmem:$0x1A50];
	v10 =	vadd.f32 $1.000000000e+00, v10;
	v17 =	vadd.s32 v20, v62;
	v18 =	vmul.f32 v18, v43  }
0xc0: {  	[tilespmem:$0x2050] =	vst v9;
	v48 =	vsel vm14, $0xFFFFFF82, v0;
	v17 =	vcvt.s32.f32 v17;
	v19 =	vmul.f32 v49, v44  }
0xc1: {  	[tilespmem:$0x1FD0] =	vst v16;
	v59 =	vsel vm15, $0xFFFFFF82, v0;
	v10 =	vmul.f32 v10, v61;
	v53 =	vadd.f32 $3.333333430e-01, v18  }
0xc2: {  	[tilespmem:$0x2140] =	vst v25;
	v9 =	vadd.s32 v52, v48;
	v17 =	vmul.f32 $6.931471820e-01, v17;
	v54 =	vadd.f32 $3.333333430e-01, v19  }
0xc3: {  	[tilespmem:$0x1F60] =	vst v58;
	v9 =	vcvt.s32.f32 v9;
	v10 =	vadd.f32 v10, v14;
	v55 =	vmul.f32 v53, v43  }
0xc4: {  	v33 =	vld [tilespmem:$0x1A40];
	[tilespmem:$0x21D0] =	vst v50;
	v14 =	vand.u32 $0xFF, v57;
	v12 =	vadd.f32 v12, v17;
	v56 =	vmul.f32 v54, v44  }
0xc5: {  	v60 =	vadd.s32 v14, v59;
	[tilespmem:$0x20D0] =	vst v10;
	v6 =	vadd.f32 v21, v21;
	v62 =	vld [tilespmem:$0x1A60];
	v10 =	vadd.f32 $1.000000000e+00, v55  }
0xc6: {  	v11 =	vcvt.s32.f32 v60;
	v61 =	vadd.f32 v40, v40;
	[tilespmem:$0x2150] =	vst v12;
	v12 =	vadd.f32 $1.000000000e+00, v56  }
0xc7: {  	[tilespmem:$0x1FE0] =	vst v5;
	v7 =	vmul.f32 $6.931471820e-01, v9;
	v6 =	vmul.f32 v10, v6  }
0xc8: {  	[tilespmem:$0x2060] =	vst v8;
	v11 =	vmul.f32 $6.931471820e-01, v11;
	v63 =	vmul.f32 v12, v61  }
0xc9: {  	[tilespmem:$0x21C0] =	vst v33;
	v5 =	vadd.f32 v6, v7  }
0xca: {  	[tilespmem:$0x21E0] =	vst v62;
	v6 =	vadd.f32 v63, v11  }
0xcb: {  	[tilespmem:$0x20E0] =	vst v5;
	v5 =	vld [tilespmem:$0x1C00]  }
0xcc: {  	s16 =	simm.s32 $0x0;
	[tilespmem:$0x2160] =	vst v6;
	v6 =	vld [tilespmem:$0x1C80]  }
.LBB2_2:
0xcd: {  	s17 =	sshll.u32 s16, $0x5;
	s18 =	sshll.u32 s16, $0x8  }
0xce: {  	s23 =	sand.u32 $0x60, s17;
	s26 =	sand.u32 $0xC00, s18  }
0xcf: {  	s28 =	sor.u32 s23, s26  }
0xd0: {  	v17 =	vld [tilespmem:s28+$0x0]  }
0xd1: {  	s21 =	simm.s32 $0x0;
	v18 =	vld [tilespmem:s28+$0x80]  }
0xd2: {  	s18 =	sor.u32 $0x10, s17;
	v8 =	vmov s21;
	v11 =	vld [tilespmem:s28+$0x100]  }
0xd3: {  	s19 =	sand.u32 $0x70, s18;
	v12 =	vld [tilespmem:s28+$0x180]  }
0xd4: {  	v19 =	vld [tilespmem:s28+$0x200];
	s20 =	sor.u32 s19, s26  }
0xd5: {  	s22 =	simm.s32 $0x1;
	v20 =	vld [tilespmem:s20+$0x0]  }
0xd6: {  	v10 =	vmov s22;
	v7 =	vld [tilespmem:s20+$0x100]  }
0xd7: {  	v16 =	vld.idx.msk [tilespmem:v8+s2+$0x0], $0xffff  }
0xd8: {  	v21 =	vld.idx.msk [tilespmem:v8+s6+$0x0], $0xffff  }
0xd9: {  	v13 =	vld.idx.msk [tilespmem:v8+s1+$0x0], $0xffff  }
0xda: {  	v22 =	vld.idx.msk [tilespmem:v8+s5+$0x0], $0xffff  }
0xdb: {  	s25 =	simm.s32 $0x2;
	v23 =	vld.idx.msk [tilespmem:v10+s1+$0x0], $0xffff  }
0xdc: {  	v51 =	vmov s25;
	v24 =	vld.idx.msk [tilespmem:v10+s7+$0x0], $0xffff  }
0xdd: {  	v25 =	vld.idx.msk [tilespmem:v10+s2+$0x0], $0xffff  }
0xde: {  	s24 =	simm.s32 $0x3;
	v26 =	vld.idx.msk [tilespmem:v10+s5+$0x0], $0xffff  }
0xdf: {  	v50 =	vmov s24;
	v28 =	vld.idx.msk [tilespmem:v10+s6+$0x0], $0xffff  }
0xe0: {  	v32 =	vld.idx.msk [tilespmem:v8+s7+$0x0], $0xffff  }
0xe1: {  	v39 =	vld.idx.msk [tilespmem:v51+s2+$0x0], $0xffff  }
0xe2: {  	v41 =	vld.idx.msk [tilespmem:v51+s1+$0x0], $0xffff  }
0xe3: {  	v15 =	vimm.f32 $-1.000000000e+00;
	v14 =	vimm.f32 $1.000000000e+00;
	v42 =	vld.idx.msk [tilespmem:v51+s5+$0x0], $0xffff  }
0xe4: {  	v9 =	vimm.s32 $0x0;
	v53 =	vld.idx.msk [tilespmem:v50+s5+$0x0], $0xffff;
	v27 =	vmax.f32 v18, v16;
	v10 =	vmin.f32 v12, v21  }
0xe5: {  	v29 =	vmax.f32 v17, v13;
	v30 =	vmin.f32 v11, v22;
	v31 =	vmax.f32 v17, v23  }
0xe6: {  	v23 =	vmax.f32 v20, v23;
	v22 =	vmin.f32 v7, v22;
	v33 =	vmax.f32 v18, v25  }
0xe7: {  	v34 =	vmin.f32 v12, v28;
	v36 =	vadd.f32 v32, v19;
	v45 =	vmax.f32 v18, v39  }
0xe8: {  	v55 =	vmax.f32 v17, v41;
	v56 =	vmax.f32 v20, v41;
	v57 =	vmin.f32 v11, v42  }
0xe9: {  	v42 =	vmin.f32 v7, v42;
	v59 =	vmin.f32 v11, v53;
	v8 =	vsub.f32 v30, v29  }
0xea: {  	v27 =	vsub.f32 v10, v27;
	v10 =	vld [tilespmem:s20+$0x200];
	v29 =	vadd.f32 v24, v19;
	v30 =	vmax.f32 v20, v13  }
0xeb: {  	v13 =	vld [tilespmem:s20+$0x80];
	v33 =	vsub.f32 v34, v33;
	v22 =	vsub.f32 v22, v30;
	v30 =	vmin.f32 v11, v26  }
0xec: {  	v26 =	vmin.f32 v7, v26;
	v8 =	vadd.f32 $1.000000000e+00, v8;
	v27 =	vadd.f32 $1.000000000e+00, v27  }
0xed: {  	v60 =	vmin.f32 v7, v53;
	v23 =	vsub.f32 v26, v23;
	v26 =	vsub.f32 v30, v31  }
0xee: {  	v49 =	vadd.f32 $1.000000000e+00, v33;
	v22 =	vadd.f32 $1.000000000e+00, v22;
	v35 =	vmax.f32 v8, $0.0e+00;
	v8 =	vld [tilespmem:s20+$0x180]  }
0xef: {  	v27 =	vmax.f32 v27, $0.0e+00;
	v26 =	vadd.f32 $1.000000000e+00, v26;
	v23 =	vadd.f32 $1.000000000e+00, v23  }
0xf0: {  	v27 =	vmul.f32 v27, v35;
	v48 =	vadd.f32 v32, v10;
	v16 =	vmax.f32 v13, v16  }
0xf1: {  	v37 =	vmax.f32 v22, $0.0e+00;
	v22 =	vmax.f32 v49, $0.0e+00;
	v26 =	vmax.f32 v26, $0.0e+00  }
0xf2: {  	v25 =	vmax.f32 v13, v25;
	v35 =	vsub.f32 v36, v27;
	v30 =	vmul.f32 v22, v26;
	v22 =	vld.idx.msk [tilespmem:v51+s6+$0x0], $0xffff  }
0xf3: {  	v31 =	vmul.f32 v27, v14;
	v21 =	vmin.f32 v8, v21;
	v28 =	vmin.f32 v8, v28  }
0xf4: {  	v52 =	vmul.f32 v35, v15;
	v21 =	vsub.f32 v21, v16;
	v25 =	vsub.f32 v28, v25  }
0xf5: {  	v24 =	vadd.f32 v24, v10;
	v23 =	vmax.f32 v23, $0.0e+00;
	v40 =	vsub.f32 v29, v30;
	v28 =	vld.idx.msk [tilespmem:v50+s1+$0x0], $0xffff  }
0xf6: {  	v16 =	vld.idx.msk [tilespmem:v50+s7+$0x0], $0xffff;
	vm0 =	vgt.f32 v31, v52;
	v38 =	vadd.f32 $1.000000000e+00, v21;
	v21 =	vadd.f32 $1.000000000e+00, v25  }
0xf7: {  	v33 =	vsel vm0, v27, v15;
	v35 =	vsel vm0, v35, v14;
	v54 =	vmin.f32 v12, v22  }
0xf8: {  	v26 =	vmul.f32 v30, v35;
	v27 =	vmul.f32 v40, v33;
	v21 =	vmax.f32 v21, $0.0e+00  }
0xf9: {  	v43 =	vsel vm0, s21, v9;
	v25 =	vld.idx.msk [tilespmem:v50+s2+$0x0], $0xffff;
	v36 =	vsub.f32 v54, v45;
	v21 =	vmul.f32 v21, v23  }
0xfa: {  	v44 =	vmax.f32 v17, v28;
	v28 =	vmax.f32 v20, v28;
	vm1 =	vgt.f32 v26, v27;
	v26 =	vld.idx.msk [tilespmem:v50+s6+$0x0], $0xffff  }
0xfb: {  	v23 =	vmax.f32 v38, $0.0e+00;
	v31 =	vadd.f32 v16, v19;
	v27 =	vmax.f32 v13, v39  }
0xfc: {  	v36 =	vadd.f32 $1.000000000e+00, v36;
	v29 =	vmul.f32 v23, v37;
	v23 =	vld.idx.msk [tilespmem:v51+s7+$0x0], $0xffff;
	v37 =	vsub.f32 v57, v55  }
0xfd: {  	v39 =	vsub.f32 v42, v56;
	v32 =	vsel vm1, s22, v43;
	v24 =	vsub.f32 v24, v21  }
0xfe: {  	v58 =	vmax.f32 v18, v25;
	v36 =	vmax.f32 v36, $0.0e+00;
	v37 =	vadd.f32 $1.000000000e+00, v37  }
0xff: {  	v39 =	vadd.f32 $1.000000000e+00, v39;
	v34 =	vsub.f32 v48, v29;
	v61 =	vmin.f32 v12, v26  }
0x100: {  	v46 =	vmul.f32 v29, v14;
	v37 =	vmax.f32 v37, $0.0e+00;
	v38 =	vsub.f32 v61, v58  }
0x101: {  	v63 =	vmul.f32 v34, v15;
	v62 =	vadd.f32 v23, v19;
	v36 =	vmul.f32 v36, v37  }
0x102: {  	v23 =	vadd.f32 v23, v10;
	v37 =	vsel vm1, v40, v35;
	v47 =	vadd.f32 $1.000000000e+00, v38  }
0x103: {  	v35 =	vsub.f32 v60, v28;
	v28 =	vmax.f32 v39, $0.0e+00;
	v40 =	vsub.f32 v59, v44  }
0x104: {  	s29 =	simm.s32 $0x5;
	vm0 =	vgt.f32 v46, v63;
	v38 =	vsub.f32 v62, v36;
	v39 =	vmax.f32 v47, $0.0e+00  }
.LBB2_3:
0x105: {  	s30 =	sadd.s32 $0xFFFFFFFF, s29  }
0x106: {  	v41 =	vmov s29;
	p0 =	sne.s32 s29, $0x63;
	v15 =	vsel vm0, v29, v15;
	v29 =	vsel vm1, v30, v33;
	s31 =	smov.u32 s29;
	s29 =	sadd.s32 $0x2, s29  }
0x107: {  	v14 =	vsel vm0, v34, v14;
	v42 =	vmov s30;
	v30 =	vmul.f32 v24, v15  }
0x108: {  	v33 =	vmul.f32 v36, v37;
	v34 =	vadd.f32 $1.000000000e+00, v40;
	v40 =	vmul.f32 v21, v14  }
0x109: {  	v22 =	vmin.f32 v8, v22;
	v25 =	vmax.f32 v13, v25;
	v9 =	vsel vm0, s21, v9;
	s21 =	smov.u32 s25;
	s25 =	smov.u32 s30  }
0x10a: {  	v35 =	vadd.f32 $1.000000000e+00, v35;
	v26 =	vmin.f32 v8, v26;
	vm0 =	vgt.f32 v40, v30  }
0x10b: {  	v22 =	vsub.f32 v22, v27;
	v27 =	vmax.f32 v34, $0.0e+00;
	v9 =	vsel vm0, s22, v9;
	s22 =	smov.u32 s24;
	s24 =	smov.u32 s31;
	v40 =	vld.idx.msk [tilespmem:v41+s7+$0x0], $0xffff  }
0x10c: {  	v43 =	vmul.f32 v38, v29;
	v25 =	vsub.f32 v26, v25;
	v14 =	vsel vm0, v24, v14;
	v34 =	vld.idx.msk [tilespmem:v41+s1+$0x0], $0xffff  }
0x10d: {  	v26 =	vadd.f32 $1.000000000e+00, v22;
	v30 =	vmul.f32 v39, v27;
	v15 =	vsel vm0, v21, v15;
	v24 =	vld.idx.msk [tilespmem:v42+s2+$0x0], $0xffff  }
0x10e: {  	vm0 =	vgt.f32 v33, v43;
	v21 =	vadd.f32 $1.000000000e+00, v25;
	v39 =	vadd.f32 v16, v10;
	v22 =	vld.idx.msk [tilespmem:v42+s6+$0x0], $0xffff  }
0x10f: {  	v33 =	vsel vm0, v36, v29;
	v37 =	vsel vm0, v38, v37;
	v38 =	vsub.f32 v31, v30;
	v43 =	vld.idx.msk [tilespmem:v42+s1+$0x0], $0xffff  }
0x110: {  	v27 =	vmul.f32 v30, v37;
	v31 =	vmax.f32 v35, $0.0e+00;
	v21 =	vmax.f32 v21, $0.0e+00;
	v36 =	vld.idx.msk [tilespmem:v42+s5+$0x0], $0xffff  }
0x111: {  	v32 =	vsel vm0, s21, v32;
	v21 =	vmul.f32 v21, v31;
	v29 =	vmul.f32 v38, v33;
	v16 =	vmovc v40;
	v25 =	vld.idx.msk [tilespmem:v41+s2+$0x0], $0xffff  }
0x112: {  	v40 =	vmax.f32 v17, v34;
	v44 =	vmax.f32 v20, v34;
	v34 =	vmax.f32 v26, $0.0e+00;
	v35 =	vld.idx.msk [tilespmem:v41+s5+$0x0], $0xffff  }
0x113: {  	vm1 =	vgt.f32 v27, v29;
	v31 =	vadd.f32 v16, v19;
	v45 =	vmax.f32 v18, v24;
	v26 =	vld.idx.msk [tilespmem:v41+s6+$0x0], $0xffff  }
0x114: {  	v27 =	vmax.f32 v13, v24;
	v29 =	vmul.f32 v34, v28;
	v41 =	vld.idx.msk [tilespmem:v42+s7+$0x0], $0xffff;
	v42 =	vmin.f32 v12, v22  }
0x115: {  	v24 =	vsub.f32 v39, v21;
	v28 =	vmax.f32 v17, v43;
	v34 =	vmax.f32 v20, v43  }
0x116: {  	v32 =	vsel vm1, s22, v32;
	v39 =	vmin.f32 v11, v36;
	v36 =	vmin.f32 v7, v36  }
0x117: {  	v28 =	vsub.f32 v39, v28;
	v39 =	vsub.f32 v42, v45;
	v42 =	vmax.f32 v18, v25  }
0x118: {  	v43 =	vsub.f32 v36, v34;
	v45 =	vmin.f32 v11, v35;
	v35 =	vmin.f32 v7, v35  }
0x119: {  	v28 =	vadd.f32 $1.000000000e+00, v28;
	v36 =	vadd.f32 $1.000000000e+00, v39;
	v39 =	vmin.f32 v12, v26  }
0x11a: {  	v47 =	vmul.f32 v29, v14;
	v34 =	vsub.f32 v23, v29;
	v46 =	vadd.f32 v41, v19  }
.Ltmp0:
0x11b: {  	v39 =	vsub.f32 v39, v42;
	v23 =	vmax.f32 v28, $0.0e+00;
	v28 =	vmax.f32 v36, $0.0e+00;
	(pc) =	sbr.rel @p0 .LBB2_3-.Ltmp0, $4  }
0x11c: {  	v36 =	vmul.f32 v28, v23;
	v23 =	vadd.f32 v41, v10;
	v28 =	vmul.f32 v34, v15  }
0x11d: {  	v37 =	vsel vm1, v38, v37;
	v41 =	vadd.f32 $1.000000000e+00, v43;
	v39 =	vadd.f32 $1.000000000e+00, v39  }
0x11e: {  	v35 =	vsub.f32 v35, v44;
	v38 =	vsub.f32 v46, v36;
	vm0 =	vgt.f32 v47, v28  }
0x11f: {  	v40 =	vsub.f32 v45, v40;
	v28 =	vmax.f32 v41, $0.0e+00;
	v39 =	vmax.f32 v39, $0.0e+00  }
0x120: {  	_ = 	snop  }
0x121: {  	v17 =	vadd.f32 $1.000000000e+00, v40;
	_ =	sdelay $0x1  }
0x122: {  	v18 =	vsel vm1, v30, v33;
	v19 =	vmul.f32 v36, v37;
	v17 =	vmax.f32 v17, $0.0e+00  }
0x123: {  	v20 =	vmul.f32 v38, v18;
	v17 =	vmul.f32 v39, v17;
	_ =	sdelay $0x1  }
0x124: {  	vm12 =	vgt.f32 v19, v20;
	v48 =	vsub.f32 v31, v17  }
0x125: {  	v18 =	vsel vm12, v36, v18;
	v20 =	vsel vm12, v38, v37  }
0x126: {  	v49 =	vmul.f32 v17, v20;
	v31 =	vmul.f32 v48, v18;
	_ =	sdelay $0x1  }
0x127: {  	s30 =	sadd.s32 $0xD80, s26;
	v58 =	vld [tilespmem:s28+$0x280];
	vm2 =	vgt.f32 v49, v31  }
0x128: {  	v59 =	vld [tilespmem:s28+$0x300];
	s29 =	sadd.s32 s23, s30;
	v50 =	vsel vm12, s25, v32;
	v19 =	vsel vm2, v48, v20  }
0x129: {  	v56 =	vld [tilespmem:s29+$0x0];
	s29 =	sadd.s32 $0xC00, s26;
	v51 =	vsel vm2, s24, v50;
	(erf) = vrcp.f32 v19  }
0x12a: {  	v61 =	vld [tilespmem:s28+$0x380];
	s28 =	sadd.s32 $0xC80, s26;
	s31 =	sadd.s32 s23, s29  }
0x12b: {  	s26 =	sadd.s32 $0xD00, s26;
	v62 =	vld [tilespmem:s31+$0x0];
	s31 =	sadd.s32 s23, s28  }
0x12c: {  	v63 =	vld [tilespmem:s31+$0x0];
	s31 =	sadd.s32 s23, s26  }
0x12d: {  	v37 =	vld [tilespmem:s31+$0x0]  }
0x12e: {  	v52 =	vld.idx.msk [tilespmem:v51+s8+$0x0], $0xffff  }
0x12f: {  	v30 =	vld.idx.msk [tilespmem:v51+s9+$0x0], $0xffff  }
0x130: {  	v53 =	vld.idx.msk [tilespmem:v51+s10+$0x0], $0xffff  }
0x131: {  	v54 =	vld.idx.msk [tilespmem:v51+s12+$0x0], $0xffff  }
0x132: {  	vm14 =	vlt.f32 v11, v6;
	v17 =	vsel vm2, v17, v18;
	v55 =	vpop (erf)  }
0x133: {  	vm15 =	vlt.f32 v12, v5;
	v57 =	vld.idx.msk [tilespmem:v51+s13+$0x0], $0xffff;
	[tilespmem:s17+$0x2800] =	vst v3;
	v17 =	vmul.f32 v55, v17  }
0x134: {  	vm1 =	vmand vm14, vm15;
	vm5 =	vgt.f32 v56, $0.0e+00;
	[tilespmem:s17+$0x2920] =	vst v3;
	v19 =	vsub.f32 v52, v58  }
0x135: {  	[tilespmem:s17+$0x2A40] =	vst v3;
	v30 =	vsub.f32 v30, v59;
	v38 =	vsub.f32 v53, v63;
	vm13 =	vlt.f32 v17, $4.000000060e-01  }
0x136: {  	[tilespmem:s17+$0x2B60] =	vst v3;
	v39 =	vsub.f32 v54, v37;
	vm3 =	vge.f32 v17, $5.000000000e-01;
	v60 =	vsel vm13, $0xBF800000, v1  }
0x137: {  	vm1 =	vmand vm1, vm5;
	[tilespmem:s17+$0x25C0] =	vst v38;
	v17 =	vmul.f32 v62, v30;
	v11 =	vsel vm3, $0x3F800000, v60  }
0x138: {  	v40 =	vmin.f32 v8, v22;
	v12 =	vmul.f32 v61, v19;
	[tilespmem:s17+$0x26E0] =	vst v39;
	v11 =	vnsel vm1, $0xC0000000, v11  }
0x139: {  	[tilespmem:s17+$0x24A0] =	vst v17;
	v17 =	vsub.f32 v40, v27;
	vm1 =	veq.f32 v11, $1.000000000e+00  }
0x13a: {  	v41 =	vmax.f32 v13, v25;
	v42 =	vmin.f32 v8, v26;
	s31 =	sand.u32 $0x180, s17;
	[tilespmem:s17+$0x2380] =	vst v12;
	v11 =	vsel vm1, v57, v11  }
0x13b: {  	v15 =	vsel vm0, v29, v15;
	v14 =	vsel vm0, v34, v14;
	s31 =	sor.u32 s23, s31;
	v17 =	vadd.f32 $1.000000000e+00, v17;
	[tilespmem:s17+$0x2200] =	vst v11  }
0x13c: {  	v43 =	vmul.f32 v24, v15;
	v44 =	vmul.f32 v21, v14;
	v12 =	vsub.f32 v42, v41;
	[tilespmem:s31+$0x2C80] =	vst v3  }
0x13d: {  	v45 =	vadd.f32 $1.000000000e+00, v35;
	v17 =	vmax.f32 v17, $0.0e+00;
	[tilespmem:s17+$0x2DA0] =	vst v3  }
0x13e: {  	vm6 =	vgt.f32 v44, v43;
	v12 =	vadd.f32 $1.000000000e+00, v12;
	v17 =	vmul.f32 v17, v28;
	[tilespmem:s17+$0x2EC0] =	vst v3  }
0x13f: {  	v46 =	vmax.f32 v45, $0.0e+00;
	v14 =	vsel vm6, v24, v14;
	[tilespmem:s17+$0x2FE0] =	vst v3  }
0x140: {  	v12 =	vmax.f32 v12, $0.0e+00;
	v11 =	vtrunc.f32 v11;
	v47 =	vsub.f32 v23, v17;
	[tilespmem:s31+$0x3100] =	vst v3  }
0x141: {  	v15 =	vsel vm6, v21, v15;
	v12 =	vmul.f32 v12, v46;
	v11 =	vcvt.f32.s32 v11;
	[tilespmem:s17+$0x3220] =	vst v3  }
0x142: {  	v10 =	vadd.f32 v16, v10;
	v48 =	vmul.f32 v17, v14;
	[tilespmem:s17+$0x3340] =	vst v3;
	v49 =	vmul.f32 v47, v15  }
0x143: {  	[tilespmem:s17+$0x3460] =	vst v3  }
0x144: {  	v10 =	vsub.f32 v10, v12;
	v51 =	vmul.u32 $0x120, v11;
	[tilespmem:s31+$0x3580] =	vst v3;
	vm7 =	vgt.f32 v48, v49  }
0x145: {  	vm9 =	vlt.u32 v11, $0x14;
	[tilespmem:s17+$0x36A0] =	vst v3;
	v13 =	vsel vm7, v17, v15;
	v14 =	vsel vm7, v47, v14  }
0x146: {  	v52 =	vadd.s32 s17, v51;
	[tilespmem:s17+$0x37C0] =	vst v3;
	v15 =	vmul.f32 v10, v13;
	v50 =	vmul.f32 v12, v14  }
0x147: {  	[tilespmem:s17+$0x38E0] =	vst v3;
	v11 =	vadd.s32 v4, v52  }
0x148: {  	[tilespmem:s31+$0x3A00] =	vst v3;
	vm8 =	vgt.f32 v50, v15  }
0x149: {  	[tilespmem:s17+$0x3B20] =	vst v3;
	v10 =	vsel vm8, v10, v14  }
0x14a: {  	v9 =	vsel vm0, s21, v9;
	[tilespmem:s17+$0x3C40] =	vst v3;
	(erf) = vrcp.f32 v10  }
0x14b: {  	v9 =	vsel vm6, s22, v9;
	[tilespmem:s17+$0x3D60] =	vst v3  }
0x14c: {  	v9 =	vsel vm7, s25, v9;
	s25 =	sadd.s32 s19, s30;
	[tilespmem:v11+s14+$0x0] =	vst.idx.msk vm9, v2  }
0x14d: {  	v9 =	vsel vm8, s24, v9;
	v57 =	vld [tilespmem:s25+$0x0]  }
0x14e: {  	v58 =	vld [tilespmem:s20+$0x280]  }
0x14f: {  	v59 =	vld [tilespmem:s20+$0x300]  }
0x150: {  	vm11 =	vlt.f32 v7, v6;
	s29 =	sadd.s32 s19, s29;
	v7 =	vld [tilespmem:s20+$0x380]  }
0x151: {  	vm12 =	vlt.f32 v8, v5;
	v8 =	vld [tilespmem:s29+$0x0]  }
0x152: {  	v53 =	vld.idx.msk [tilespmem:v9+s8+$0x0], $0xffff  }
0x153: {  	v12 =	vsel vm8, v12, v13;
	v11 =	vld.idx.msk [tilespmem:v9+s9+$0x0], $0xffff;
	v56 =	vpop (erf)  }
0x154: {  	v54 =	vld.idx.msk [tilespmem:v9+s10+$0x0], $0xffff;
	v12 =	vmul.f32 v56, v12  }
0x155: {  	v55 =	vld.idx.msk [tilespmem:v9+s12+$0x0], $0xffff  }
0x156: {  	vm0 =	vmand vm11, vm12;
	s30 =	sadd.s32 s19, s28;
	v9 =	vld.idx.msk [tilespmem:v9+s13+$0x0], $0xffff;
	vm14 =	vgt.f32 v57, $0.0e+00;
	vm10 =	vlt.f32 v12, $4.000000060e-01  }
0x157: {  	s31 =	sadd.s32 s19, s26;
	v61 =	vld [tilespmem:s30+$0x0];
	v10 =	vsub.f32 v53, v58;
	vm13 =	vge.f32 v12, $5.000000000e-01;
	v60 =	vsel vm10, $0xBF800000, v1  }
0x158: {  	v62 =	vld [tilespmem:s31+$0x0];
	vm0 =	vmand vm0, vm14;
	v12 =	vsel vm13, $0x3F800000, v60  }
0x159: {  	v11 =	vsub.f32 v11, v59;
	v7 =	vmul.f32 v7, v10;
	v12 =	vnsel vm0, $0xC0000000, v12  }
0x15a: {  	vm0 =	veq.f32 v12, $1.000000000e+00  }
0x15b: {  	v8 =	vmul.f32 v8, v11;
	[tilespmem:s18+$0x2380] =	vst v7;
	v9 =	vsel vm0, v9, v12  }
0x15c: {  	v63 =	vsub.f32 v54, v61;
	[tilespmem:s18+$0x2200] =	vst v9  }
0x15d: {  	v7 =	vsub.f32 v55, v62;
	[tilespmem:s17+$0x24B0] =	vst v8  }
0x15e: {  	[tilespmem:s17+$0x25D0] =	vst v63  }
0x15f: {  	[tilespmem:s17+$0x26F0] =	vst v7  }
0x160: {  	[tilespmem:s17+$0x2930] =	vst v3  }
0x161: {  	[tilespmem:s17+$0x2A50] =	vst v3  }
0x162: {  	[tilespmem:s17+$0x2B70] =	vst v3  }
0x163: {  	[tilespmem:s18+$0x2800] =	vst v3  }
0x164: {  	[tilespmem:s17+$0x2C90] =	vst v3  }
0x165: {  	[tilespmem:s17+$0x2DB0] =	vst v3  }
0x166: {  	[tilespmem:s17+$0x2ED0] =	vst v3  }
0x167: {  	[tilespmem:s17+$0x2FF0] =	vst v3  }
0x168: {  	[tilespmem:s17+$0x3110] =	vst v3  }
0x169: {  	v7 =	vtrunc.f32 v9;
	[tilespmem:s17+$0x3230] =	vst v3  }
0x16a: {  	v7 =	vcvt.f32.s32 v7;
	[tilespmem:s17+$0x3350] =	vst v3  }
0x16b: {  	[tilespmem:s17+$0x3470] =	vst v3  }
0x16c: {  	[tilespmem:s17+$0x3590] =	vst v3;
	v8 =	vmul.u32 $0x120, v7  }
0x16d: {  	[tilespmem:s17+$0x36B0] =	vst v3  }
0x16e: {  	s16 =	sadd.s32 $0x1, s16;
	[tilespmem:s17+$0x37D0] =	vst v3;
	vm15 =	vlt.u32 v7, $0x14;
	v7 =	vadd.s32 s18, v8  }
0x16f: {  	p0 =	sne.s32 s16, $0x9;
	[tilespmem:s17+$0x38F0] =	vst v3;
	v7 =	vadd.s32 v4, v7  }
.Ltmp1:
0x170: {  	[tilespmem:s17+$0x3A10] =	vst v3;
	(pc) =	sbr.rel @p0 .LBB2_2-.Ltmp1, $4  }
0x171: {  	[tilespmem:s17+$0x3B30] =	vst v3  }
0x172: {  	[tilespmem:s17+$0x3C50] =	vst v3  }
0x173: {  	[tilespmem:s17+$0x3D70] =	vst v3  }
0x174: {  	[tilespmem:v7+s14+$0x0] =	vst.idx.msk vm15, v2  }
0x175: {  	s16 =	rddreg [dreg:$0x8];
	s17 =	simm.s32 $0x2200  }
0x176: {  	[hbm4b:s16+s4] =	stream.linear.scatter [tilespmem:s17], [sflag:$0x1], $0x120, $0x38;
	[tilespmem:$0x3E80] =	vst v63  }
0x177: {  	_ =	swait.ge [sflag:s0], $0x120  }
0x178: {  	[sflag:s0] =	ssyncset.done $0x0  }
0x179: {  	s29 =	simm.s32 $0x2380;
	s28 =	rddreg [dreg:$0x9];
	[sflag:s0] =	ssyncadd.s32 $0xFFFFFEE0  }
0x17a: {  	[hbm4b:s28+s4] =	stream.linear.scatter [tilespmem:s29], [sflag:$0x1], $0x120, $0x38;
	[tilespmem:$0x3E80] =	vst v63  }
0x17b: {  	_ =	swait.ge [sflag:s0], $0x120  }
0x17c: {  	[sflag:s0] =	ssyncset.done $0x0  }
0x17d: {  	s31 =	simm.s32 $0x24A0;
	s30 =	rddreg [dreg:$0xa];
	[sflag:s0] =	ssyncadd.s32 $0xFFFFFEE0  }
0x17e: {  	[hbm4b:s30+s4] =	stream.linear.scatter [tilespmem:s31], [sflag:$0x1], $0x120, $0x38;
	[tilespmem:$0x3E80] =	vst v63  }
0x17f: {  	_ =	swait.ge [sflag:s0], $0x120  }
0x180: {  	[sflag:s0] =	ssyncset.done $0x0  }
0x181: {  	s18 =	simm.s32 $0x25C0;
	s17 =	rddreg [dreg:$0xb];
	[sflag:s0] =	ssyncadd.s32 $0xFFFFFEE0  }
0x182: {  	[hbm4b:s17+s4] =	stream.linear.scatter [tilespmem:s18], [sflag:$0x1], $0x120, $0x38;
	[tilespmem:$0x3E80] =	vst v63  }
0x183: {  	_ =	swait.ge [sflag:s0], $0x120  }
0x184: {  	[sflag:s0] =	ssyncset.done $0x0  }
0x185: {  	s20 =	simm.s32 $0x26E0;
	s19 =	rddreg [dreg:$0xc];
	[sflag:s0] =	ssyncadd.s32 $0xFFFFFEE0  }
0x186: {  	[hbm4b:s19+s4] =	stream.linear.scatter [tilespmem:s20], [sflag:$0x1], $0x120, $0x38;
	[tilespmem:$0x3E80] =	vst v63  }
0x187: {  	_ =	swait.ge [sflag:s0], $0x120  }
0x188: {  	[sflag:s0] =	ssyncset.done $0x0  }
0x189: {  	[sflag:s0] =	ssyncadd.s32 $0xFFFFFEE0  }
0x18a: {  	[hbm4b:s11+s4] =	stream.linear.scatter [tilespmem:s14], [sflag:$0x1], $0x120, $0x38;
	[tilespmem:$0x3E80] =	vst v63  }
0x18b: {  	_ =	swait.ge [sflag:s0], $0x120  }
0x18c: {  	[sflag:s0] =	ssyncset.done $0x0  }
0x18d: {  	s22 =	simm.s32 $0x2920;
	s21 =	rddreg [dreg:$0xd];
	[sflag:s0] =	ssyncadd.s32 $0xFFFFFEE0  }
0x18e: {  	[hbm4b:s21+s4] =	stream.linear.scatter [tilespmem:s22], [sflag:$0x1], $0x120, $0x38;
	[tilespmem:$0x3E80] =	vst v63  }
0x18f: {  	_ =	swait.ge [sflag:s0], $0x120  }
0x190: {  	[sflag:s0] =	ssyncset.done $0x0  }
0x191: {  	s24 =	simm.s32 $0x2A40;
	s23 =	rddreg [dreg:$0xe];
	[sflag:s0] =	ssyncadd.s32 $0xFFFFFEE0  }
0x192: {  	[hbm4b:s23+s4] =	stream.linear.scatter [tilespmem:s24], [sflag:$0x1], $0x120, $0x38;
	[tilespmem:$0x3E80] =	vst v63  }
0x193: {  	_ =	swait.ge [sflag:s0], $0x120  }
0x194: {  	[sflag:s0] =	ssyncset.done $0x0  }
0x195: {  	s26 =	simm.s32 $0x2B60;
	s25 =	rddreg [dreg:$0xf];
	[sflag:s0] =	ssyncadd.s32 $0xFFFFFEE0  }
0x196: {  	[hbm4b:s25+s4] =	stream.linear.scatter [tilespmem:s26], [sflag:$0x1], $0x120, $0x38;
	[tilespmem:$0x3E80] =	vst v63  }
0x197: {  	_ =	swait.ge [sflag:s0], $0x120  }
0x198: {  	[sflag:s0] =	ssyncset.done $0x0  }
0x199: {  	s29 =	simm.s32 $0x2C80;
	s28 =	rddreg [dreg:$0x10];
	[sflag:s0] =	ssyncadd.s32 $0xFFFFFEE0  }
0x19a: {  	[hbm4b:s28+s4] =	stream.linear.scatter [tilespmem:s29], [sflag:$0x1], $0x120, $0x38;
	[tilespmem:$0x3E80] =	vst v63  }
0x19b: {  	_ =	swait.ge [sflag:s0], $0x120  }
0x19c: {  	[sflag:s0] =	ssyncset.done $0x0  }
0x19d: {  	s31 =	simm.s32 $0x2DA0;
	s30 =	rddreg [dreg:$0x11];
	[sflag:s0] =	ssyncadd.s32 $0xFFFFFEE0  }
0x19e: {  	[hbm4b:s30+s4] =	stream.linear.scatter [tilespmem:s31], [sflag:$0x1], $0x120, $0x38;
	[tilespmem:$0x3E80] =	vst v63  }
0x19f: {  	_ =	swait.ge [sflag:s0], $0x120  }
0x1a0: {  	[sflag:s0] =	ssyncset.done $0x0  }
0x1a1: {  	s18 =	simm.s32 $0x2EC0;
	s17 =	rddreg [dreg:$0x12];
	[sflag:s0] =	ssyncadd.s32 $0xFFFFFEE0  }
0x1a2: {  	[hbm4b:s17+s4] =	stream.linear.scatter [tilespmem:s18], [sflag:$0x1], $0x120, $0x38;
	[tilespmem:$0x3E80] =	vst v63  }
0x1a3: {  	_ =	swait.ge [sflag:s0], $0x120  }
0x1a4: {  	[sflag:s0] =	ssyncset.done $0x0  }
0x1a5: {  	s20 =	simm.s32 $0x2FE0;
	s19 =	rddreg [dreg:$0x13];
	[sflag:s0] =	ssyncadd.s32 $0xFFFFFEE0  }
0x1a6: {  	[hbm4b:s19+s4] =	stream.linear.scatter [tilespmem:s20], [sflag:$0x1], $0x120, $0x38;
	[tilespmem:$0x3E80] =	vst v63  }
0x1a7: {  	_ =	swait.ge [sflag:s0], $0x120  }
0x1a8: {  	[sflag:s0] =	ssyncset.done $0x0  }
0x1a9: {  	s22 =	simm.s32 $0x3100;
	s21 =	rddreg [dreg:$0x14];
	[sflag:s0] =	ssyncadd.s32 $0xFFFFFEE0  }
0x1aa: {  	[hbm4b:s21+s4] =	stream.linear.scatter [tilespmem:s22], [sflag:$0x1], $0x120, $0x38;
	[tilespmem:$0x3E80] =	vst v63  }
0x1ab: {  	_ =	swait.ge [sflag:s0], $0x120  }
0x1ac: {  	[sflag:s0] =	ssyncset.done $0x0  }
0x1ad: {  	s24 =	simm.s32 $0x3220;
	s23 =	rddreg [dreg:$0x15];
	[sflag:s0] =	ssyncadd.s32 $0xFFFFFEE0  }
0x1ae: {  	[hbm4b:s23+s4] =	stream.linear.scatter [tilespmem:s24], [sflag:$0x1], $0x120, $0x38;
	[tilespmem:$0x3E80] =	vst v63  }
0x1af: {  	_ =	swait.ge [sflag:s0], $0x120  }
0x1b0: {  	[sflag:s0] =	ssyncset.done $0x0  }
0x1b1: {  	s26 =	simm.s32 $0x3340;
	s25 =	rddreg [dreg:$0x16];
	[sflag:s0] =	ssyncadd.s32 $0xFFFFFEE0  }
0x1b2: {  	[hbm4b:s25+s4] =	stream.linear.scatter [tilespmem:s26], [sflag:$0x1], $0x120, $0x38;
	[tilespmem:$0x3E80] =	vst v63  }
0x1b3: {  	_ =	swait.ge [sflag:s0], $0x120  }
0x1b4: {  	[sflag:s0] =	ssyncset.done $0x0  }
0x1b5: {  	s29 =	simm.s32 $0x3460;
	s28 =	rddreg [dreg:$0x17];
	[sflag:s0] =	ssyncadd.s32 $0xFFFFFEE0  }
0x1b6: {  	[hbm4b:s28+s4] =	stream.linear.scatter [tilespmem:s29], [sflag:$0x1], $0x120, $0x38;
	[tilespmem:$0x3E80] =	vst v63  }
0x1b7: {  	_ =	swait.ge [sflag:s0], $0x120  }
0x1b8: {  	[sflag:s0] =	ssyncset.done $0x0  }
0x1b9: {  	s31 =	simm.s32 $0x3580;
	s30 =	rddreg [dreg:$0x18];
	[sflag:s0] =	ssyncadd.s32 $0xFFFFFEE0  }
0x1ba: {  	[hbm4b:s30+s4] =	stream.linear.scatter [tilespmem:s31], [sflag:$0x1], $0x120, $0x38;
	[tilespmem:$0x3E80] =	vst v63  }
0x1bb: {  	_ =	swait.ge [sflag:s0], $0x120  }
0x1bc: {  	[sflag:s0] =	ssyncset.done $0x0  }
0x1bd: {  	s18 =	simm.s32 $0x36A0;
	s17 =	rddreg [dreg:$0x19];
	[sflag:s0] =	ssyncadd.s32 $0xFFFFFEE0  }
0x1be: {  	[hbm4b:s17+s4] =	stream.linear.scatter [tilespmem:s18], [sflag:$0x1], $0x120, $0x38;
	[tilespmem:$0x3E80] =	vst v63  }
0x1bf: {  	_ =	swait.ge [sflag:s0], $0x120  }
0x1c0: {  	[sflag:s0] =	ssyncset.done $0x0  }
0x1c1: {  	s20 =	simm.s32 $0x37C0;
	s19 =	rddreg [dreg:$0x1b];
	[sflag:s0] =	ssyncadd.s32 $0xFFFFFEE0  }
0x1c2: {  	[hbm4b:s19+s4] =	stream.linear.scatter [tilespmem:s20], [sflag:$0x1], $0x120, $0x38;
	[tilespmem:$0x3E80] =	vst v63  }
0x1c3: {  	_ =	swait.ge [sflag:s0], $0x120  }
0x1c4: {  	[sflag:s0] =	ssyncset.done $0x0  }
0x1c5: {  	s22 =	simm.s32 $0x38E0;
	s21 =	rddreg [dreg:$0x1c];
	[sflag:s0] =	ssyncadd.s32 $0xFFFFFEE0  }
0x1c6: {  	[hbm4b:s21+s4] =	stream.linear.scatter [tilespmem:s22], [sflag:$0x1], $0x120, $0x38;
	[tilespmem:$0x3E80] =	vst v63  }
0x1c7: {  	_ =	swait.ge [sflag:s0], $0x120  }
0x1c8: {  	[sflag:s0] =	ssyncset.done $0x0  }
0x1c9: {  	s24 =	simm.s32 $0x3A00;
	s23 =	rddreg [dreg:$0x1d];
	[sflag:s0] =	ssyncadd.s32 $0xFFFFFEE0  }
0x1ca: {  	[hbm4b:s23+s4] =	stream.linear.scatter [tilespmem:s24], [sflag:$0x1], $0x120, $0x38;
	[tilespmem:$0x3E80] =	vst v63  }
0x1cb: {  	_ =	swait.ge [sflag:s0], $0x120  }
0x1cc: {  	[sflag:s0] =	ssyncset.done $0x0  }
0x1cd: {  	s26 =	simm.s32 $0x3B20;
	s25 =	rddreg [dreg:$0x1e];
	[sflag:s0] =	ssyncadd.s32 $0xFFFFFEE0  }
0x1ce: {  	[hbm4b:s25+s4] =	stream.linear.scatter [tilespmem:s26], [sflag:$0x1], $0x120, $0x38;
	[tilespmem:$0x3E80] =	vst v63  }
0x1cf: {  	_ =	swait.ge [sflag:s0], $0x120  }
0x1d0: {  	[sflag:s0] =	ssyncset.done $0x0  }
0x1d1: {  	s29 =	simm.s32 $0x3C40;
	s28 =	rddreg [dreg:$0x1f];
	[sflag:s0] =	ssyncadd.s32 $0xFFFFFEE0  }
0x1d2: {  	[hbm4b:s28+s4] =	stream.linear.scatter [tilespmem:s29], [sflag:$0x1], $0x120, $0x38;
	[tilespmem:$0x3E80] =	vst v63  }
0x1d3: {  	_ =	swait.ge [sflag:s0], $0x120  }
0x1d4: {  	[sflag:s0] =	ssyncset.done $0x0  }
0x1d5: {  	s30 =	simm.s32 $0x3D60;
	[sflag:s0] =	ssyncadd.s32 $0xFFFFFEE0  }
0x1d6: {  	[hbm4b:s3+s4] =	stream.linear.scatter [tilespmem:s30], [sflag:$0x1], $0x120, $0x38;
	[tilespmem:$0x3E80] =	vst v63  }
0x1d7: {  	_ =	swait.ge [sflag:s0], $0x120  }
0x1d8: {  	s15 =	sadd.s32 $0x1, s15;
	s31 =	rddreg [dreg:$0x1a]  }
0x1d9: {  	p0 =	sne.s32 s15, s31  }
.Ltmp2:
0x1da: {  	_ = 	snop;
	(pc) =	sbr.rel @p0 .LBB2_1-.Ltmp2, $3  }
0x1db: {  	_ =	sdelay $0x1  }
0x1dc: {  	[sflag:s0] =	ssyncset.done $0x0  }
0x1dd: {  	[sflag:s0] =	ssyncadd.s32 $0xFFFFFEE0  }
0x1de: {  	_ =	sfence.sel $0x180000  }
0x1df: {  	[bflag:$0x0] =	sbarrier.arrive $0xFFFF  }
0x1e0: {  	_ =	strace $0x90000047  }
0x1e1: {  	s0 =	stileid.u32;
	[bflag:$0x2] =	sbarrier.arrive $0xFFFF  }
0x1e2: {  	p0 =	sne.s32 s0, $0x0;
	s0 =	rddreg [dreg:$0x6]  }
0x1e3: {  	s0 =	sadd.s32 @!p0 $0x100000, s0  }
0x1e4: {  	[sflag:s0] =	ssyncadd.tile.s32 @!p0 $0x1;
	_ =	shalt  }
.Lfunc_end2:
_tile_overlayer_lowered:
.L_overlay_start_2:
0x1e5: {  	(tag) =	ssettag $0x2  }
0x1e6: {  	s0 =	rddreg [dreg:$0x0];
	s2 =	stileid.u32  }
0x1e7: {  	s1 =	rddreg [dreg:$0x1];
	p0 =	sne.s32 s2, $0x0  }
0x1e8: {  	s3 =	rddreg [dreg:$0x2];
	[bflag:$0x3] =	sbarrier.arrive $0xFFFF;
	s2 =	simm.s32 @!p0 $0x1C01  }
0x1e9: {  	[timem:s3], [sflag:s2] =	dma.local @!p0 [hbm:s0], s1  }
0x1ea: {  	s0 =	simm.s32 @!p0 $0x1  }
0x1eb: {  	_ =	swait.ge @!p0 [sflag:s0], s1  }
0x1ec: {  	s1 =	ssub.s32 @!p0 $0x0, s1;
	[sflag:s0] =	ssyncset.done @!p0 $0x0  }
0x1ed: {  	[sflag:s0] =	ssyncadd.s32 @!p0 s1  }
0x1ee: {  	[bflag:$0x3] =	sbarrier.arrive $0xFFFF  }
0x1ef: {  	_ =	shalt  }

</sc_bundles>
